<compile_context>
chip_gen: v7x
topology: tpu7x:2x2x1
jax: 0.10.2.dev20260603
libtpu: 0.0.44.dev20260713+nightly
codegen_flags: <defaults>
</compile_context>

<pallas_src>
import jax
import jax.numpy as jnp
from jax import lax
from jax.experimental import pallas as pl
from jax.experimental.pallas import tpu as pltpu
from jax.experimental.pallas import tpu_sc as plsc

N_NODES = 10000
N_EDGES = 160000
D_FEAT = 256
HALF = 128

NC = 2
NS = 16
CHUNK = 80
N_CHUNKS = N_EDGES // CHUNK // NS
NRING = 4
FLUSH_TILES = 10
FLUSH_ROWS = N_NODES // FLUSH_TILES


_NBLK = 2000
_EBLK = 4000
_NPQ = N_NODES // _NBLK


def _pqr_body(nodes_ref, w_ref, e_ref, we_ref, b_ref,
              p0_ref, p1_ref, q0_ref, q1_ref, r0_ref, r1_ref):
    j = pl.program_id(0)

    @pl.when(j < _NPQ)
    def _pq():
        n = nodes_ref[...]
        ps = jnp.dot(n, w_ref[0], preferred_element_type=jnp.float32)
        qs = jnp.dot(n, w_ref[1], preferred_element_type=jnp.float32)
        p0_ref[...] = ps[:, :HALF]
        p1_ref[...] = ps[:, HALF:]
        q0_ref[...] = qs[:, :HALF]
        q1_ref[...] = qs[:, HALF:]

    rr = (jnp.dot(e_ref[...], we_ref[...],
                  preferred_element_type=jnp.float32)
          + b_ref[...][None, :])
    r0_ref[...] = rr[:, :HALF]
    r1_ref[...] = rr[:, HALF:]


def _compute_pqr(nodes, we_sd, edges, we_e, b_e):
    grid = (N_EDGES // _EBLK,)
    nhalf = jax.ShapeDtypeStruct((N_NODES, HALF), jnp.float32)
    ehalf = jax.ShapeDtypeStruct((N_EDGES, HALF), jnp.float32)

    def _pq_idx(j):
        return (jnp.minimum(j, _NPQ - 1), 0)

    return pl.pallas_call(
        _pqr_body,
        grid=grid,
        in_specs=[
            pl.BlockSpec((_NBLK, D_FEAT), _pq_idx),
            pl.BlockSpec((2, D_FEAT, D_FEAT), lambda j: (0, 0, 0)),
            pl.BlockSpec((_EBLK, 16), lambda j: (j, 0)),
            pl.BlockSpec((16, D_FEAT), lambda j: (0, 0)),
            pl.BlockSpec((D_FEAT,), lambda j: (0,)),
        ],
        out_specs=([pl.BlockSpec((_NBLK, HALF), _pq_idx)] * 4
                   + [pl.BlockSpec((_EBLK, HALF), lambda j: (j, 0))] * 2),
        out_shape=[nhalf] * 4 + [ehalf] * 2,
    )(nodes, we_sd, edges, we_e, b_e)


def _node_body(nodes_ref, agg_ref, wn1_ref, wn2_ref, b_ref, out_ref):
    acc = jnp.dot(nodes_ref[...], wn1_ref[...],
                  preferred_element_type=jnp.float32)
    acc += jnp.dot(agg_ref[0], wn2_ref[0], preferred_element_type=jnp.float32)
    acc += jnp.dot(agg_ref[1], wn2_ref[1], preferred_element_type=jnp.float32)
    out_ref[...] = jnp.maximum(acc + b_ref[...][None, :], 0.0)


def _node_update(nodes, agg, wn1, wn2r, b_n):
    blk = 2000
    grid = (N_NODES // blk, 2)
    return pl.pallas_call(
        _node_body,
        grid=grid,
        in_specs=[
            pl.BlockSpec((blk, D_FEAT), lambda i, h: (i, 0)),
            pl.BlockSpec((2, blk, HALF), lambda i, h: (0, i, 0)),
            pl.BlockSpec((D_FEAT, HALF), lambda i, h: (0, h)),
            pl.BlockSpec((2, HALF, HALF), lambda i, h: (0, 0, h)),
            pl.BlockSpec((HALF,), lambda i, h: (h,)),
        ],
        out_specs=pl.BlockSpec((blk, HALF), lambda i, h: (i, h)),
        out_shape=jax.ShapeDtypeStruct((N_NODES, D_FEAT), jnp.float32),
    )(nodes, agg, wn1, wn2r, b_n)


def _sc_body(src2_hbm, dst2_hbm, p0_hbm, p1_hbm, q0_hbm, q1_hbm,
             r0_hbm, r1_hbm, z_hbm,
             enew_hbm, agg_hbm,
             idxs, idxd, rv,
             pbuf0, pbuf1, pbuf2, pbuf3,
             acc,
             sem_i0, sem_i1, sem_i2, sem_i3,
             sem_g0, sem_g1, sem_g2, sem_g3,
             sem_o0, sem_o1, sem_o2, sem_o3,
             sem_a0, sem_a1, sem_a2, sem_a3):
    c = lax.axis_index("c")
    s = lax.axis_index("s")
    pbufs = (pbuf0, pbuf1, pbuf2, pbuf3)
    sems_i = (sem_i0, sem_i1, sem_i2, sem_i3)
    sems_g = (sem_g0, sem_g1, sem_g2, sem_g3)
    sems_o = (sem_o0, sem_o1, sem_o2, sem_o3)
    sems_a = (sem_a0, sem_a1, sem_a2, sem_a3)
    iota16 = lax.iota(jnp.int32, 16)

    @pl.when(s < FLUSH_TILES)
    def _zero():
        pltpu.sync_copy(z_hbm.at[pl.ds(s * FLUSH_ROWS, FLUSH_ROWS)],
                        acc.at[pl.ds(s * FLUSH_ROWS, FLUSH_ROWS)])
    plsc.subcore_barrier()

    def drain_g(r):
        pltpu.make_async_copy(z_hbm.at[pl.ds(0, CHUNK)], pbufs[r],
                              sems_g[r]).wait()

    def issue_idx(j, r):
        g = s + NS * j
        pltpu.async_copy(src2_hbm.at[g], idxs.at[r], sems_i[r])
        pltpu.async_copy(dst2_hbm.at[g], idxd.at[r], sems_i[r])

    def wait_idx(r):
        pltpu.make_async_copy(src2_hbm.at[0], idxs.at[r], sems_i[r]).wait()
        pltpu.make_async_copy(dst2_hbm.at[0], idxd.at[r], sems_i[r]).wait()

    def issue_p(r):
        @pl.when(c == 0)
        def _c0():
            pltpu.async_copy(p0_hbm.at[idxs.at[r]], pbufs[r], sems_g[r])

        @pl.when(c == 1)
        def _c1():
            pltpu.async_copy(p1_hbm.at[idxs.at[r]], pbufs[r], sems_g[r])

    def issue_q(r):
        @pl.when(c == 0)
        def _c0():
            pltpu.async_copy(q0_hbm.at[idxd.at[r]], pbufs[r], sems_g[r],
                             add=True)

        @pl.when(c == 1)
        def _c1():
            pltpu.async_copy(q1_hbm.at[idxd.at[r]], pbufs[r], sems_g[r],
                             add=True)

    def issue_r(j, r):
        base = (s + NS * j) * CHUNK
        for g in range(CHUNK // 16):
            rv[r, pl.ds(g * 16, 16)] = base + g * 16 + iota16

        @pl.when(c == 0)
        def _c0():
            pltpu.async_copy(r0_hbm.at[rv.at[r]], pbufs[r], sems_g[r],
                             add=True)

        @pl.when(c == 1)
        def _c1():
            pltpu.async_copy(r1_hbm.at[rv.at[r]], pbufs[r], sems_g[r],
                             add=True)

    def process(j, r):
        pbuf = pbufs[r]
        drain_g(r)

        def row(rw, cr):
            for g in range(HALF // 16):
                sl = pl.ds(g * 16, 16)
                pbuf[rw, sl] = jnp.maximum(pbuf[rw, sl], 0.0)
            return cr

        lax.fori_loop(0, CHUNK, row, 0, unroll=2)
        base = (s + NS * j) * CHUNK
        pltpu.async_copy(
            pbuf, enew_hbm.at[pl.ds(base, CHUNK), pl.ds(c * HALF, HALF)],
            sems_o[r])
        pltpu.async_copy(pbuf, acc.at[idxd.at[r]], sems_a[r], add=True)

    def drain_out(r):
        pltpu.make_async_copy(
            pbufs[r], enew_hbm.at[pl.ds(0, CHUNK), pl.ds(c * HALF, HALF)],
            sems_o[r]).wait()
        pltpu.make_async_copy(z_hbm.at[pl.ds(0, CHUNK)], pbufs[r],
                              sems_a[r]).wait()

    def slot(t, rt):
        @pl.when(t + 1 < N_CHUNKS)
        def _q_next():
            drain_g((rt + 1) % NRING)
            issue_q((rt + 1) % NRING)

        @pl.when(t + 2 < N_CHUNKS)
        def _p_ahead():
            wait_idx((rt + 2) % NRING)
            issue_p((rt + 2) % NRING)

        @pl.when(t + 3 < N_CHUNKS)
        def _idx_ahead():
            @pl.when(t >= 1)
            def _drain():
                drain_out((rt + 3) % NRING)
            issue_idx(t + 3, (rt + 3) % NRING)

        @pl.when(t < N_CHUNKS)
        def _proc():
            process(t, rt)

        @pl.when(t + 1 < N_CHUNKS)
        def _r_next():
            drain_g((rt + 1) % NRING)
            issue_r(t + 1, (rt + 1) % NRING)

    issue_idx(0, 0)
    issue_idx(1, 1)
    issue_idx(2, 2)
    wait_idx(0)
    issue_p(0)
    wait_idx(1)
    issue_p(1)
    drain_g(0)
    issue_q(0)
    drain_g(0)
    issue_r(0, 0)

    def quad(m, carry):
        slot(4 * m, 0)
        slot(4 * m + 1, 1)
        slot(4 * m + 2, 2)
        slot(4 * m + 3, 3)
        return carry

    lax.fori_loop(0, (N_CHUNKS + 3) // 4, quad, 0)
    drain_out(0)
    drain_out(1)
    drain_out(2)
    drain_out(3)
    plsc.subcore_barrier()

    @pl.when(s < FLUSH_TILES)
    def _flush():
        pltpu.sync_copy(acc.at[pl.ds(s * FLUSH_ROWS, FLUSH_ROWS)],
                        agg_hbm.at[c, pl.ds(s * FLUSH_ROWS, FLUSH_ROWS)])


def _sc_edge_pass(src2, dst2, p0, p1, q0, q1, r0, r1, zeros):
    mesh = plsc.VectorSubcoreMesh(core_axis_name="c", subcore_axis_name="s")
    f = pl.kernel(
        _sc_body,
        mesh=mesh,
        out_type=[
            jax.ShapeDtypeStruct((N_EDGES, D_FEAT), jnp.float32),
            jax.ShapeDtypeStruct((2, N_NODES, HALF), jnp.float32),
        ],
        scratch_types=(
            [pltpu.VMEM((NRING, CHUNK), jnp.int32)] * 3
            + [pltpu.VMEM((CHUNK, HALF), jnp.float32)] * NRING
            + [pltpu.VMEM_SHARED((N_NODES, HALF), jnp.float32)]
            + [pltpu.SemaphoreType.DMA] * 16
        ),
    )
    return f(src2, dst2, p0, p1, q0, q1, r0, r1, zeros)


def kernel(nodes, edges, edge_index, W_e, b_e, W_n, b_n):
    src2 = edge_index[0].reshape(N_EDGES // CHUNK, CHUNK)
    dst2 = edge_index[1].reshape(N_EDGES // CHUNK, CHUNK)
    we_sd = jnp.stack([W_e[:D_FEAT], W_e[D_FEAT:2 * D_FEAT]])
    we_e = W_e[2 * D_FEAT:]
    wn1 = W_n[:D_FEAT]
    wn2r = W_n[D_FEAT:].reshape(2, HALF, D_FEAT)

    p0, p1, q0, q1, r0, r1 = _compute_pqr(nodes, we_sd, edges, we_e, b_e)
    zeros = jnp.zeros((N_NODES, HALF), jnp.float32)

    e_new, agg = _sc_edge_pass(src2, dst2, p0, p1, q0, q1, r0, r1, zeros)
    n_new = _node_update(nodes, agg, wn1, wn2r, b_n)
    return (n_new, e_new)

# --- scband reference (transcript-rebuilt; emitter-appended) ---
"""Pipeline reference for scband-message-passing-layer-12266426597864 (READ-ONLY COPY).

The authoritative reference and input builder live on the scoring server;
editing this copy changes nothing except your own understanding.
"""

import jax, jax.numpy as jnp
import numpy as np

N_NODES = 10000
N_EDGES = 160000
D_FEAT = 256
D_EDGE = 16


def setup_inputs(seed: int = 0) -> dict:
    key = jax.random.key(seed)
    k1, k2, k3, k4, k5, k6, k7 = jax.random.split(key, 7)
    nodes = jax.random.normal(k1, (N_NODES, D_FEAT), dtype=jnp.float32)
    edges = jax.random.normal(k2, (N_EDGES, D_EDGE), dtype=jnp.float32)
    edge_index = jax.random.randint(k3, (2, N_EDGES), 0, N_NODES, dtype=jnp.int32)
    # Learned parameters for the concrete message-passing layer:
    # edge-update MLP: concat(src_nodes, dst_nodes, edges) -> D_FEAT
    d_e_in = 2 * D_FEAT + D_EDGE
    W_e = jax.random.normal(k4, (d_e_in, D_FEAT), dtype=jnp.float32) / np.sqrt(d_e_in)
    b_e = jnp.zeros((D_FEAT,), dtype=jnp.float32)
    # node-update MLP: concat(nodes, aggregated_edges) -> D_FEAT
    d_n_in = 2 * D_FEAT
    W_n = jax.random.normal(k5, (d_n_in, D_FEAT), dtype=jnp.float32) / np.sqrt(d_n_in)
    b_n = jnp.zeros((D_FEAT,), dtype=jnp.float32)
    return {"nodes": nodes, "edges": edges, "edge_index": edge_index, "W_e": W_e, "b_e": b_e, "W_n": W_n, "b_n": b_n}


def reference(nodes, edges, edge_index, W_e, b_e, W_n, b_n):
    # GraphUpdate order (per the haiku module):
    # 1) edges = update_edges_fn(nodes, edges)
    # 2) aggregated = aggregate_edges_for_nodes_fn(nodes, edges)
    # 3) nodes = update_nodes_fn(nodes, aggregated)
    src = edge_index[0]
    dst = edge_index[1]
    # update_edges_fn: MLP over concat of endpoint node features and edge features
    src_feat = jnp.take(nodes, src, axis=0)
    dst_feat = jnp.take(nodes, dst, axis=0)
    e_in = jnp.concatenate([src_feat, dst_feat, edges], axis=-1)
    e_new = jax.nn.relu(e_in @ W_e + b_e)
    # aggregate_edges_for_nodes_fn: scatter-add messages to destination nodes
    aggregated = jax.ops.segment_sum(e_new, dst, num_segments=nodes.shape[0])
    # update_nodes_fn: MLP over concat of node features and aggregated messages
    n_in = jnp.concatenate([nodes, aggregated], axis=-1)
    n_new = jax.nn.relu(n_in @ W_n + b_n)
    # Returns updated Graph(nodes, edges)
    return (n_new, e_new)

if __name__ == "__main__":
    import jax
    _d = setup_inputs()
    print(jax.jit(kernel)(*tuple(_d.values())))

</pallas_src>

<mosaic_0001>
#map = affine_map<(d0, d1) -> (0, 0)>
#map1 = affine_map<(d0, d1) -> (0, 0, 0)>
module attributes {stable_mosaic.version = 14 : i64} {
  func.func @_sc_body(%arg0: i32, %arg1: i32, %arg2: memref<2000x80xi32, #tpu.memory_space<hbm>>, %arg3: memref<2000x80xi32, #tpu.memory_space<hbm>>, %arg4: memref<10000x128xf32, #tpu.memory_space<hbm>>, %arg5: memref<10000x128xf32, #tpu.memory_space<hbm>>, %arg6: memref<10000x128xf32, #tpu.memory_space<hbm>>, %arg7: memref<10000x128xf32, #tpu.memory_space<hbm>>, %arg8: memref<160000x128xf32, #tpu.memory_space<hbm>>, %arg9: memref<160000x128xf32, #tpu.memory_space<hbm>>, %arg10: memref<10000x128xf32, #tpu.memory_space<hbm>>, %arg11: memref<160000x256xf32, #tpu.memory_space<hbm>>, %arg12: memref<2x10000x128xf32, #tpu.memory_space<hbm>>, %arg13: memref<4x80xi32, #tpu.memory_space<vmem>>, %arg14: memref<4x80xi32, #tpu.memory_space<vmem>>, %arg15: memref<4x80xi32, #tpu.memory_space<vmem>>, %arg16: memref<80x128xf32, #tpu.memory_space<vmem>>, %arg17: memref<80x128xf32, #tpu.memory_space<vmem>>, %arg18: memref<80x128xf32, #tpu.memory_space<vmem>>, %arg19: memref<80x128xf32, #tpu.memory_space<vmem>>, %arg20: memref<10000x128xf32, #tpu.memory_space<vmem_shared>>, %arg21: memref<!tpu.dma_semaphore, #tpu.memory_space<semaphore_mem>>, %arg22: memref<!tpu.dma_semaphore, #tpu.memory_space<semaphore_mem>>, %arg23: memref<!tpu.dma_semaphore, #tpu.memory_space<semaphore_mem>>, %arg24: memref<!tpu.dma_semaphore, #tpu.memory_space<semaphore_mem>>, %arg25: memref<!tpu.dma_semaphore, #tpu.memory_space<semaphore_mem>>, %arg26: memref<!tpu.dma_semaphore, #tpu.memory_space<semaphore_mem>>, %arg27: memref<!tpu.dma_semaphore, #tpu.memory_space<semaphore_mem>>, %arg28: memref<!tpu.dma_semaphore, #tpu.memory_space<semaphore_mem>>, %arg29: memref<!tpu.dma_semaphore, #tpu.memory_space<semaphore_mem>>, %arg30: memref<!tpu.dma_semaphore, #tpu.memory_space<semaphore_mem>>, %arg31: memref<!tpu.dma_semaphore, #tpu.memory_space<semaphore_mem>>, %arg32: memref<!tpu.dma_semaphore, #tpu.memory_space<semaphore_mem>>, %arg33: memref<!tpu.dma_semaphore, #tpu.memory_space<semaphore_mem>>, %arg34: memref<!tpu.dma_semaphore, #tpu.memory_space<semaphore_mem>>, %arg35: memref<!tpu.dma_semaphore, #tpu.memory_space<semaphore_mem>>, %arg36: memref<!tpu.dma_semaphore, #tpu.memory_space<semaphore_mem>>) attributes {dimension_semantics = [#tpu.dimension_semantics<core_parallel>, #tpu.dimension_semantics<subcore_parallel>], iteration_bounds = array<i64: 2, 16>, scalar_prefetch = 0 : i64, scratch_operands = 24 : i64, tpu.core_type = #tpu.core_type<sc_vector_subcore>, window_params = [{transform_indices = #map}, {transform_indices = #map}, {transform_indices = #map}, {transform_indices = #map}, {transform_indices = #map}, {transform_indices = #map}, {transform_indices = #map}, {transform_indices = #map}, {transform_indices = #map}, {transform_indices = #map}, {transform_indices = #map1}]} {
    %iota3A = tpu.iota {dimensions = array<i32: 0>} : vector<16xi32>
    %lt3A = arith.constant 10 : i32
    %lt3A_0 = arith.cmpi slt, %arg1, %lt3A : i32
    %convert_element_type3A = arith.extui %lt3A_0 : i1 to i32
    %cond3A = arith.constant 0 : i32
    %cond3A_1 = arith.cmpi ne, %convert_element_type3A, %cond3A : i32
    scf.if %cond3A_1 {
      %mul3A_301 = arith.constant 1000 : i32
      %mul3A_302 = arith.muli %arg1, %mul3A_301 : i32
      %mul3A_303 = arith.constant 1000 : i32
      %mul3A_304 = arith.muli %arg1, %mul3A_303 : i32
      "tpu.region"() ({
        %run_scoped3A = tpu.sem_alloc : memref<!tpu.dma_semaphore, #tpu.memory_space<semaphore_mem>>
        %dma_start3A_305 = arith.constant 0 : i32
        %dma_start3A_306 = tpu.memref_slice %arg20[%mul3A_304, %dma_start3A_305] : memref<10000x128xf32, #tpu.memory_space<vmem_shared>> -> memref<1000x128xf32, #tpu.memory_space<vmem_shared>>
        %dma_start3A_307 = arith.constant 0 : i32
        %dma_start3A_308 = tpu.memref_slice %arg10[%mul3A_302, %dma_start3A_307] : memref<10000x128xf32, #tpu.memory_space<hbm>> -> memref<1000x128xf32, #tpu.memory_space<hbm>>
        tpu.enqueue_dma source(%dma_start3A_308 : memref<1000x128xf32, #tpu.memory_space<hbm>>) target(%dma_start3A_306 : memref<1000x128xf32, #tpu.memory_space<vmem_shared>>) target_semaphore(%run_scoped3A : memref<!tpu.dma_semaphore, #tpu.memory_space<semaphore_mem>>)
        %dma_wait3A_309 = arith.constant 0 : i32
        %dma_wait3A_310 = tpu.memref_slice %arg20[%mul3A_304, %dma_wait3A_309] : memref<10000x128xf32, #tpu.memory_space<vmem_shared>> -> memref<1000x128xf32, #tpu.memory_space<vmem_shared>>
        %dma_wait3A_311 = arith.constant 0 : i32
        %dma_wait3A_312 = tpu.memref_slice %arg10[%mul3A_302, %dma_wait3A_311] : memref<10000x128xf32, #tpu.memory_space<hbm>> -> memref<1000x128xf32, #tpu.memory_space<hbm>>
        tpu.wait_dma2 semaphore(%run_scoped3A : memref<!tpu.dma_semaphore, #tpu.memory_space<semaphore_mem>>) src(%dma_wait3A_312 : memref<1000x128xf32, #tpu.memory_space<hbm>>) dst(%dma_wait3A_310 : memref<1000x128xf32, #tpu.memory_space<vmem_shared>>)
        tpu.yield
      }) : () -> ()
    } else {
    }
    %barrier3A = arith.constant 0 : index
    tpu.barrier barrier_id(%barrier3A)
    %add3A = arith.constant 0 : i32
    %add3A_2 = arith.addi %arg1, %add3A : i32
    %dma_start3A = arith.constant 0 : i32
    %dma_start3A_3 = arith.constant 0 : i32
    %dma_start3A_4 = tpu.memref_slice %arg13[%dma_start3A, %dma_start3A_3] : memref<4x80xi32, #tpu.memory_space<vmem>> -> memref<1x80xi32, #tpu.memory_space<vmem>>
    %dma_start3A_5 = tpu.memref_squeeze %dma_start3A_4 : memref<1x80xi32, #tpu.memory_space<vmem>> -> memref<80xi32, #tpu.memory_space<vmem>>
    %dma_start3A_6 = arith.constant 0 : i32
    %dma_start3A_7 = tpu.memref_slice %arg2[%add3A_2, %dma_start3A_6] : memref<2000x80xi32, #tpu.memory_space<hbm>> -> memref<1x80xi32, #tpu.memory_space<hbm>>
    %dma_start3A_8 = tpu.memref_squeeze %dma_start3A_7 : memref<1x80xi32, #tpu.memory_space<hbm>> -> memref<80xi32, #tpu.memory_space<hbm>>
    %dma_start3A_9 = arith.constant 0 : i32
    %dma_start3A_10 = tpu.memref_slice %arg13[%dma_start3A, %dma_start3A_9] : memref<4x80xi32, #tpu.memory_space<vmem>> -> memref<1x80xi32, #tpu.memory_space<vmem>>
    %dma_start3A_11 = tpu.memref_squeeze %dma_start3A_10 : memref<1x80xi32, #tpu.memory_space<vmem>> -> memref<80xi32, #tpu.memory_space<vmem>>
    %dma_start3A_12 = arith.constant 0 : i32
    %dma_start3A_13 = tpu.memref_slice %arg2[%add3A_2, %dma_start3A_12] : memref<2000x80xi32, #tpu.memory_space<hbm>> -> memref<1x80xi32, #tpu.memory_space<hbm>>
    %dma_start3A_14 = tpu.memref_squeeze %dma_start3A_13 : memref<1x80xi32, #tpu.memory_space<hbm>> -> memref<80xi32, #tpu.memory_space<hbm>>
    tpu.enqueue_dma source(%dma_start3A_14 : memref<80xi32, #tpu.memory_space<hbm>>) target(%dma_start3A_11 : memref<80xi32, #tpu.memory_space<vmem>>) target_semaphore(%arg21 : memref<!tpu.dma_semaphore, #tpu.memory_space<semaphore_mem>>)
    %dma_start3A_15 = arith.constant 0 : i32
    %dma_start3A_16 = arith.constant 0 : i32
    %dma_start3A_17 = tpu.memref_slice %arg14[%dma_start3A_15, %dma_start3A_16] : memref<4x80xi32, #tpu.memory_space<vmem>> -> memref<1x80xi32, #tpu.memory_space<vmem>>
    %dma_start3A_18 = tpu.memref_squeeze %dma_start3A_17 : memref<1x80xi32, #tpu.memory_space<vmem>> -> memref<80xi32, #tpu.memory_space<vmem>>
    %dma_start3A_19 = arith.constant 0 : i32
    %dma_start3A_20 = tpu.memref_slice %arg3[%add3A_2, %dma_start3A_19] : memref<2000x80xi32, #tpu.memory_space<hbm>> -> memref<1x80xi32, #tpu.memory_space<hbm>>
    %dma_start3A_21 = tpu.memref_squeeze %dma_start3A_20 : memref<1x80xi32, #tpu.memory_space<hbm>> -> memref<80xi32, #tpu.memory_space<hbm>>
    %dma_start3A_22 = arith.constant 0 : i32
    %dma_start3A_23 = tpu.memref_slice %arg14[%dma_start3A_15, %dma_start3A_22] : memref<4x80xi32, #tpu.memory_space<vmem>> -> memref<1x80xi32, #tpu.memory_space<vmem>>
    %dma_start3A_24 = tpu.memref_squeeze %dma_start3A_23 : memref<1x80xi32, #tpu.memory_space<vmem>> -> memref<80xi32, #tpu.memory_space<vmem>>
    %dma_start3A_25 = arith.constant 0 : i32
    %dma_start3A_26 = tpu.memref_slice %arg3[%add3A_2, %dma_start3A_25] : memref<2000x80xi32, #tpu.memory_space<hbm>> -> memref<1x80xi32, #tpu.memory_space<hbm>>
    %dma_start3A_27 = tpu.memref_squeeze %dma_start3A_26 : memref<1x80xi32, #tpu.memory_space<hbm>> -> memref<80xi32, #tpu.memory_space<hbm>>
    tpu.enqueue_dma source(%dma_start3A_27 : memref<80xi32, #tpu.memory_space<hbm>>) target(%dma_start3A_24 : memref<80xi32, #tpu.memory_space<vmem>>) target_semaphore(%arg21 : memref<!tpu.dma_semaphore, #tpu.memory_space<semaphore_mem>>)
    %add3A_28 = arith.constant 16 : i32
    %add3A_29 = arith.addi %arg1, %add3A_28 : i32
    %dma_start3A_30 = arith.constant 1 : i32
    %dma_start3A_31 = arith.constant 0 : i32
    %dma_start3A_32 = tpu.memref_slice %arg13[%dma_start3A_30, %dma_start3A_31] : memref<4x80xi32, #tpu.memory_space<vmem>> -> memref<1x80xi32, #tpu.memory_space<vmem>>
    %dma_start3A_33 = tpu.memref_squeeze %dma_start3A_32 : memref<1x80xi32, #tpu.memory_space<vmem>> -> memref<80xi32, #tpu.memory_space<vmem>>
    %dma_start3A_34 = arith.constant 0 : i32
    %dma_start3A_35 = tpu.memref_slice %arg2[%add3A_29, %dma_start3A_34] : memref<2000x80xi32, #tpu.memory_space<hbm>> -> memref<1x80xi32, #tpu.memory_space<hbm>>
    %dma_start3A_36 = tpu.memref_squeeze %dma_start3A_35 : memref<1x80xi32, #tpu.memory_space<hbm>> -> memref<80xi32, #tpu.memory_space<hbm>>
    %dma_start3A_37 = arith.constant 0 : i32
    %dma_start3A_38 = tpu.memref_slice %arg13[%dma_start3A_30, %dma_start3A_37] : memref<4x80xi32, #tpu.memory_space<vmem>> -> memref<1x80xi32, #tpu.memory_space<vmem>>
    %dma_start3A_39 = tpu.memref_squeeze %dma_start3A_38 : memref<1x80xi32, #tpu.memory_space<vmem>> -> memref<80xi32, #tpu.memory_space<vmem>>
    %dma_start3A_40 = arith.constant 0 : i32
    %dma_start3A_41 = tpu.memref_slice %arg2[%add3A_29, %dma_start3A_40] : memref<2000x80xi32, #tpu.memory_space<hbm>> -> memref<1x80xi32, #tpu.memory_space<hbm>>
    %dma_start3A_42 = tpu.memref_squeeze %dma_start3A_41 : memref<1x80xi32, #tpu.memory_space<hbm>> -> memref<80xi32, #tpu.memory_space<hbm>>
    tpu.enqueue_dma source(%dma_start3A_42 : memref<80xi32, #tpu.memory_space<hbm>>) target(%dma_start3A_39 : memref<80xi32, #tpu.memory_space<vmem>>) target_semaphore(%arg22 : memref<!tpu.dma_semaphore, #tpu.memory_space<semaphore_mem>>)
    %dma_start3A_43 = arith.constant 1 : i32
    %dma_start3A_44 = arith.constant 0 : i32
    %dma_start3A_45 = tpu.memref_slice %arg14[%dma_start3A_43, %dma_start3A_44] : memref<4x80xi32, #tpu.memory_space<vmem>> -> memref<1x80xi32, #tpu.memory_space<vmem>>
    %dma_start3A_46 = tpu.memref_squeeze %dma_start3A_45 : memref<1x80xi32, #tpu.memory_space<vmem>> -> memref<80xi32, #tpu.memory_space<vmem>>
    %dma_start3A_47 = arith.constant 0 : i32
    %dma_start3A_48 = tpu.memref_slice %arg3[%add3A_29, %dma_start3A_47] : memref<2000x80xi32, #tpu.memory_space<hbm>> -> memref<1x80xi32, #tpu.memory_space<hbm>>
    %dma_start3A_49 = tpu.memref_squeeze %dma_start3A_48 : memref<1x80xi32, #tpu.memory_space<hbm>> -> memref<80xi32, #tpu.memory_space<hbm>>
    %dma_start3A_50 = arith.constant 0 : i32
    %dma_start3A_51 = tpu.memref_slice %arg14[%dma_start3A_43, %dma_start3A_50] : memref<4x80xi32, #tpu.memory_space<vmem>> -> memref<1x80xi32, #tpu.memory_space<vmem>>
    %dma_start3A_52 = tpu.memref_squeeze %dma_start3A_51 : memref<1x80xi32, #tpu.memory_space<vmem>> -> memref<80xi32, #tpu.memory_space<vmem>>
    %dma_start3A_53 = arith.constant 0 : i32
    %dma_start3A_54 = tpu.memref_slice %arg3[%add3A_29, %dma_start3A_53] : memref<2000x80xi32, #tpu.memory_space<hbm>> -> memref<1x80xi32, #tpu.memory_space<hbm>>
    %dma_start3A_55 = tpu.memref_squeeze %dma_start3A_54 : memref<1x80xi32, #tpu.memory_space<hbm>> -> memref<80xi32, #tpu.memory_space<hbm>>
    tpu.enqueue_dma source(%dma_start3A_55 : memref<80xi32, #tpu.memory_space<hbm>>) target(%dma_start3A_52 : memref<80xi32, #tpu.memory_space<vmem>>) target_semaphore(%arg22 : memref<!tpu.dma_semaphore, #tpu.memory_space<semaphore_mem>>)
    %add3A_56 = arith.constant 32 : i32
    %add3A_57 = arith.addi %arg1, %add3A_56 : i32
    %dma_start3A_58 = arith.constant 2 : i32
    %dma_start3A_59 = arith.constant 0 : i32
    %dma_start3A_60 = tpu.memref_slice %arg13[%dma_start3A_58, %dma_start3A_59] : memref<4x80xi32, #tpu.memory_space<vmem>> -> memref<1x80xi32, #tpu.memory_space<vmem>>
    %dma_start3A_61 = tpu.memref_squeeze %dma_start3A_60 : memref<1x80xi32, #tpu.memory_space<vmem>> -> memref<80xi32, #tpu.memory_space<vmem>>
    %dma_start3A_62 = arith.constant 0 : i32
    %dma_start3A_63 = tpu.memref_slice %arg2[%add3A_57, %dma_start3A_62] : memref<2000x80xi32, #tpu.memory_space<hbm>> -> memref<1x80xi32, #tpu.memory_space<hbm>>
    %dma_start3A_64 = tpu.memref_squeeze %dma_start3A_63 : memref<1x80xi32, #tpu.memory_space<hbm>> -> memref<80xi32, #tpu.memory_space<hbm>>
    %dma_start3A_65 = arith.constant 0 : i32
    %dma_start3A_66 = tpu.memref_slice %arg13[%dma_start3A_58, %dma_start3A_65] : memref<4x80xi32, #tpu.memory_space<vmem>> -> memref<1x80xi32, #tpu.memory_space<vmem>>
    %dma_start3A_67 = tpu.memref_squeeze %dma_start3A_66 : memref<1x80xi32, #tpu.memory_space<vmem>> -> memref<80xi32, #tpu.memory_space<vmem>>
    %dma_start3A_68 = arith.constant 0 : i32
    %dma_start3A_69 = tpu.memref_slice %arg2[%add3A_57, %dma_start3A_68] : memref<2000x80xi32, #tpu.memory_space<hbm>> -> memref<1x80xi32, #tpu.memory_space<hbm>>
    %dma_start3A_70 = tpu.memref_squeeze %dma_start3A_69 : memref<1x80xi32, #tpu.memory_space<hbm>> -> memref<80xi32, #tpu.memory_space<hbm>>
    tpu.enqueue_dma source(%dma_start3A_70 : memref<80xi32, #tpu.memory_space<hbm>>) target(%dma_start3A_67 : memref<80xi32, #tpu.memory_space<vmem>>) target_semaphore(%arg23 : memref<!tpu.dma_semaphore, #tpu.memory_space<semaphore_mem>>)
    %dma_start3A_71 = arith.constant 2 : i32
    %dma_start3A_72 = arith.constant 0 : i32
    %dma_start3A_73 = tpu.memref_slice %arg14[%dma_start3A_71, %dma_start3A_72] : memref<4x80xi32, #tpu.memory_space<vmem>> -> memref<1x80xi32, #tpu.memory_space<vmem>>
    %dma_start3A_74 = tpu.memref_squeeze %dma_start3A_73 : memref<1x80xi32, #tpu.memory_space<vmem>> -> memref<80xi32, #tpu.memory_space<vmem>>
    %dma_start3A_75 = arith.constant 0 : i32
    %dma_start3A_76 = tpu.memref_slice %arg3[%add3A_57, %dma_start3A_75] : memref<2000x80xi32, #tpu.memory_space<hbm>> -> memref<1x80xi32, #tpu.memory_space<hbm>>
    %dma_start3A_77 = tpu.memref_squeeze %dma_start3A_76 : memref<1x80xi32, #tpu.memory_space<hbm>> -> memref<80xi32, #tpu.memory_space<hbm>>
    %dma_start3A_78 = arith.constant 0 : i32
    %dma_start3A_79 = tpu.memref_slice %arg14[%dma_start3A_71, %dma_start3A_78] : memref<4x80xi32, #tpu.memory_space<vmem>> -> memref<1x80xi32, #tpu.memory_space<vmem>>
    %dma_start3A_80 = tpu.memref_squeeze %dma_start3A_79 : memref<1x80xi32, #tpu.memory_space<vmem>> -> memref<80xi32, #tpu.memory_space<vmem>>
    %dma_start3A_81 = arith.constant 0 : i32
    %dma_start3A_82 = tpu.memref_slice %arg3[%add3A_57, %dma_start3A_81] : memref<2000x80xi32, #tpu.memory_space<hbm>> -> memref<1x80xi32, #tpu.memory_space<hbm>>
    %dma_start3A_83 = tpu.memref_squeeze %dma_start3A_82 : memref<1x80xi32, #tpu.memory_space<hbm>> -> memref<80xi32, #tpu.memory_space<hbm>>
    tpu.enqueue_dma source(%dma_start3A_83 : memref<80xi32, #tpu.memory_space<hbm>>) target(%dma_start3A_80 : memref<80xi32, #tpu.memory_space<vmem>>) target_semaphore(%arg23 : memref<!tpu.dma_semaphore, #tpu.memory_space<semaphore_mem>>)
    %dma_wait3A = arith.constant 0 : i32
    %dma_wait3A_84 = arith.constant 0 : i32
    %dma_wait3A_85 = arith.constant 0 : i32
    %dma_wait3A_86 = tpu.memref_slice %arg13[%dma_wait3A_84, %dma_wait3A_85] : memref<4x80xi32, #tpu.memory_space<vmem>> -> memref<1x80xi32, #tpu.memory_space<vmem>>
    %dma_wait3A_87 = tpu.memref_squeeze %dma_wait3A_86 : memref<1x80xi32, #tpu.memory_space<vmem>> -> memref<80xi32, #tpu.memory_space<vmem>>
    %dma_wait3A_88 = arith.constant 0 : i32
    %dma_wait3A_89 = tpu.memref_slice %arg2[%dma_wait3A, %dma_wait3A_88] : memref<2000x80xi32, #tpu.memory_space<hbm>> -> memref<1x80xi32, #tpu.memory_space<hbm>>
    %dma_wait3A_90 = tpu.memref_squeeze %dma_wait3A_89 : memref<1x80xi32, #tpu.memory_space<hbm>> -> memref<80xi32, #tpu.memory_space<hbm>>
    %dma_wait3A_91 = arith.constant 0 : i32
    %dma_wait3A_92 = tpu.memref_slice %arg13[%dma_wait3A_84, %dma_wait3A_91] : memref<4x80xi32, #tpu.memory_space<vmem>> -> memref<1x80xi32, #tpu.memory_space<vmem>>
    %dma_wait3A_93 = tpu.memref_squeeze %dma_wait3A_92 : memref<1x80xi32, #tpu.memory_space<vmem>> -> memref<80xi32, #tpu.memory_space<vmem>>
    %dma_wait3A_94 = arith.constant 0 : i32
    %dma_wait3A_95 = tpu.memref_slice %arg2[%dma_wait3A, %dma_wait3A_94] : memref<2000x80xi32, #tpu.memory_space<hbm>> -> memref<1x80xi32, #tpu.memory_space<hbm>>
    %dma_wait3A_96 = tpu.memref_squeeze %dma_wait3A_95 : memref<1x80xi32, #tpu.memory_space<hbm>> -> memref<80xi32, #tpu.memory_space<hbm>>
    tpu.wait_dma2 semaphore(%arg21 : memref<!tpu.dma_semaphore, #tpu.memory_space<semaphore_mem>>) src(%dma_wait3A_96 : memref<80xi32, #tpu.memory_space<hbm>>) dst(%dma_wait3A_93 : memref<80xi32, #tpu.memory_space<vmem>>)
    %dma_wait3A_97 = arith.constant 0 : i32
    %dma_wait3A_98 = arith.constant 0 : i32
    %dma_wait3A_99 = arith.constant 0 : i32
    %dma_wait3A_100 = tpu.memref_slice %arg14[%dma_wait3A_98, %dma_wait3A_99] : memref<4x80xi32, #tpu.memory_space<vmem>> -> memref<1x80xi32, #tpu.memory_space<vmem>>
    %dma_wait3A_101 = tpu.memref_squeeze %dma_wait3A_100 : memref<1x80xi32, #tpu.memory_space<vmem>> -> memref<80xi32, #tpu.memory_space<vmem>>
    %dma_wait3A_102 = arith.constant 0 : i32
    %dma_wait3A_103 = tpu.memref_slice %arg3[%dma_wait3A_97, %dma_wait3A_102] : memref<2000x80xi32, #tpu.memory_space<hbm>> -> memref<1x80xi32, #tpu.memory_space<hbm>>
    %dma_wait3A_104 = tpu.memref_squeeze %dma_wait3A_103 : memref<1x80xi32, #tpu.memory_space<hbm>> -> memref<80xi32, #tpu.memory_space<hbm>>
    %dma_wait3A_105 = arith.constant 0 : i32
    %dma_wait3A_106 = tpu.memref_slice %arg14[%dma_wait3A_98, %dma_wait3A_105] : memref<4x80xi32, #tpu.memory_space<vmem>> -> memref<1x80xi32, #tpu.memory_space<vmem>>
    %dma_wait3A_107 = tpu.memref_squeeze %dma_wait3A_106 : memref<1x80xi32, #tpu.memory_space<vmem>> -> memref<80xi32, #tpu.memory_space<vmem>>
    %dma_wait3A_108 = arith.constant 0 : i32
    %dma_wait3A_109 = tpu.memref_slice %arg3[%dma_wait3A_97, %dma_wait3A_108] : memref<2000x80xi32, #tpu.memory_space<hbm>> -> memref<1x80xi32, #tpu.memory_space<hbm>>
    %dma_wait3A_110 = tpu.memref_squeeze %dma_wait3A_109 : memref<1x80xi32, #tpu.memory_space<hbm>> -> memref<80xi32, #tpu.memory_space<hbm>>
    tpu.wait_dma2 semaphore(%arg21 : memref<!tpu.dma_semaphore, #tpu.memory_space<semaphore_mem>>) src(%dma_wait3A_110 : memref<80xi32, #tpu.memory_space<hbm>>) dst(%dma_wait3A_107 : memref<80xi32, #tpu.memory_space<vmem>>)
    %eq3A = arith.constant 0 : i32
    %eq3A_111 = arith.cmpi eq, %arg0, %eq3A : i32
    %convert_element_type3A_112 = arith.extui %eq3A_111 : i1 to i32
    %cond3A_113 = arith.constant 0 : i32
    %cond3A_114 = arith.cmpi ne, %convert_element_type3A_112, %cond3A_113 : i32
    scf.if %cond3A_114 {
      %dma_start3A_301 = arith.constant 0 : i32
      %dma_start3A_302 = arith.constant 0 : i32
      %dma_start3A_303 = tpu.memref_slice %arg13[%dma_start3A_301, %dma_start3A_302] : memref<4x80xi32, #tpu.memory_space<vmem>> -> memref<1x80xi32, #tpu.memory_space<vmem>>
      %dma_start3A_304 = tpu.memref_squeeze %dma_start3A_303 : memref<1x80xi32, #tpu.memory_space<vmem>> -> memref<80xi32, #tpu.memory_space<vmem>>
      %dma_start3A_305 = arith.constant 0 : i32
      %dma_start3A_306 = arith.constant 0 : i32
      %dma_start3A_307 = tpu.memref_slice %arg4[%dma_start3A_305, %dma_start3A_306] : memref<10000x128xf32, #tpu.memory_space<hbm>> -> memref<10000x128xf32, #tpu.memory_space<hbm>>
      tpu.enqueue_indirect_dma source(%dma_start3A_307 : memref<10000x128xf32, #tpu.memory_space<hbm>>) target(%arg16 : memref<80x128xf32, #tpu.memory_space<vmem>>) offsets(%dma_start3A_304 : memref<80xi32, #tpu.memory_space<vmem>>) semaphore(%arg25 : memref<!tpu.dma_semaphore, #tpu.memory_space<semaphore_mem>>)
    } else {
    }
    %eq3A_115 = arith.constant 1 : i32
    %eq3A_116 = arith.cmpi eq, %arg0, %eq3A_115 : i32
    %convert_element_type3A_117 = arith.extui %eq3A_116 : i1 to i32
    %cond3A_118 = arith.constant 0 : i32
    %cond3A_119 = arith.cmpi ne, %convert_element_type3A_117, %cond3A_118 : i32
    scf.if %cond3A_119 {
      %dma_start3A_301 = arith.constant 0 : i32
      %dma_start3A_302 = arith.constant 0 : i32
      %dma_start3A_303 = tpu.memref_slice %arg13[%dma_start3A_301, %dma_start3A_302] : memref<4x80xi32, #tpu.memory_space<vmem>> -> memref<1x80xi32, #tpu.memory_space<vmem>>
      %dma_start3A_304 = tpu.memref_squeeze %dma_start3A_303 : memref<1x80xi32, #tpu.memory_space<vmem>> -> memref<80xi32, #tpu.memory_space<vmem>>
      %dma_start3A_305 = arith.constant 0 : i32
      %dma_start3A_306 = arith.constant 0 : i32
      %dma_start3A_307 = tpu.memref_slice %arg5[%dma_start3A_305, %dma_start3A_306] : memref<10000x128xf32, #tpu.memory_space<hbm>> -> memref<10000x128xf32, #tpu.memory_space<hbm>>
      tpu.enqueue_indirect_dma source(%dma_start3A_307 : memref<10000x128xf32, #tpu.memory_space<hbm>>) target(%arg16 : memref<80x128xf32, #tpu.memory_space<vmem>>) offsets(%dma_start3A_304 : memref<80xi32, #tpu.memory_space<vmem>>) semaphore(%arg25 : memref<!tpu.dma_semaphore, #tpu.memory_space<semaphore_mem>>)
    } else {
    }
    %dma_wait3A_120 = arith.constant 0 : i32
    %dma_wait3A_121 = arith.constant 1 : i32
    %dma_wait3A_122 = arith.constant 0 : i32
    %dma_wait3A_123 = tpu.memref_slice %arg13[%dma_wait3A_121, %dma_wait3A_122] : memref<4x80xi32, #tpu.memory_space<vmem>> -> memref<1x80xi32, #tpu.memory_space<vmem>>
    %dma_wait3A_124 = tpu.memref_squeeze %dma_wait3A_123 : memref<1x80xi32, #tpu.memory_space<vmem>> -> memref<80xi32, #tpu.memory_space<vmem>>
    %dma_wait3A_125 = arith.constant 0 : i32
    %dma_wait3A_126 = tpu.memref_slice %arg2[%dma_wait3A_120, %dma_wait3A_125] : memref<2000x80xi32, #tpu.memory_space<hbm>> -> memref<1x80xi32, #tpu.memory_space<hbm>>
    %dma_wait3A_127 = tpu.memref_squeeze %dma_wait3A_126 : memref<1x80xi32, #tpu.memory_space<hbm>> -> memref<80xi32, #tpu.memory_space<hbm>>
    %dma_wait3A_128 = arith.constant 0 : i32
    %dma_wait3A_129 = tpu.memref_slice %arg13[%dma_wait3A_121, %dma_wait3A_128] : memref<4x80xi32, #tpu.memory_space<vmem>> -> memref<1x80xi32, #tpu.memory_space<vmem>>
    %dma_wait3A_130 = tpu.memref_squeeze %dma_wait3A_129 : memref<1x80xi32, #tpu.memory_space<vmem>> -> memref<80xi32, #tpu.memory_space<vmem>>
    %dma_wait3A_131 = arith.constant 0 : i32
    %dma_wait3A_132 = tpu.memref_slice %arg2[%dma_wait3A_120, %dma_wait3A_131] : memref<2000x80xi32, #tpu.memory_space<hbm>> -> memref<1x80xi32, #tpu.memory_space<hbm>>
    %dma_wait3A_133 = tpu.memref_squeeze %dma_wait3A_132 : memref<1x80xi32, #tpu.memory_space<hbm>> -> memref<80xi32, #tpu.memory_space<hbm>>
    tpu.wait_dma2 semaphore(%arg22 : memref<!tpu.dma_semaphore, #tpu.memory_space<semaphore_mem>>) src(%dma_wait3A_133 : memref<80xi32, #tpu.memory_space<hbm>>) dst(%dma_wait3A_130 : memref<80xi32, #tpu.memory_space<vmem>>)
    %dma_wait3A_134 = arith.constant 0 : i32
    %dma_wait3A_135 = arith.constant 1 : i32
    %dma_wait3A_136 = arith.constant 0 : i32
    %dma_wait3A_137 = tpu.memref_slice %arg14[%dma_wait3A_135, %dma_wait3A_136] : memref<4x80xi32, #tpu.memory_space<vmem>> -> memref<1x80xi32, #tpu.memory_space<vmem>>
    %dma_wait3A_138 = tpu.memref_squeeze %dma_wait3A_137 : memref<1x80xi32, #tpu.memory_space<vmem>> -> memref<80xi32, #tpu.memory_space<vmem>>
    %dma_wait3A_139 = arith.constant 0 : i32
    %dma_wait3A_140 = tpu.memref_slice %arg3[%dma_wait3A_134, %dma_wait3A_139] : memref<2000x80xi32, #tpu.memory_space<hbm>> -> memref<1x80xi32, #tpu.memory_space<hbm>>
    %dma_wait3A_141 = tpu.memref_squeeze %dma_wait3A_140 : memref<1x80xi32, #tpu.memory_space<hbm>> -> memref<80xi32, #tpu.memory_space<hbm>>
    %dma_wait3A_142 = arith.constant 0 : i32
    %dma_wait3A_143 = tpu.memref_slice %arg14[%dma_wait3A_135, %dma_wait3A_142] : memref<4x80xi32, #tpu.memory_space<vmem>> -> memref<1x80xi32, #tpu.memory_space<vmem>>
    %dma_wait3A_144 = tpu.memref_squeeze %dma_wait3A_143 : memref<1x80xi32, #tpu.memory_space<vmem>> -> memref<80xi32, #tpu.memory_space<vmem>>
    %dma_wait3A_145 = arith.constant 0 : i32
    %dma_wait3A_146 = tpu.memref_slice %arg3[%dma_wait3A_134, %dma_wait3A_145] : memref<2000x80xi32, #tpu.memory_space<hbm>> -> memref<1x80xi32, #tpu.memory_space<hbm>>
    %dma_wait3A_147 = tpu.memref_squeeze %dma_wait3A_146 : memref<1x80xi32, #tpu.memory_space<hbm>> -> memref<80xi32, #tpu.memory_space<hbm>>
    tpu.wait_dma2 semaphore(%arg22 : memref<!tpu.dma_semaphore, #tpu.memory_space<semaphore_mem>>) src(%dma_wait3A_147 : memref<80xi32, #tpu.memory_space<hbm>>) dst(%dma_wait3A_144 : memref<80xi32, #tpu.memory_space<vmem>>)
    %eq3A_148 = arith.constant 0 : i32
    %eq3A_149 = arith.cmpi eq, %arg0, %eq3A_148 : i32
    %convert_element_type3A_150 = arith.extui %eq3A_149 : i1 to i32
    %cond3A_151 = arith.constant 0 : i32
    %cond3A_152 = arith.cmpi ne, %convert_element_type3A_150, %cond3A_151 : i32
    scf.if %cond3A_152 {
      %dma_start3A_301 = arith.constant 1 : i32
      %dma_start3A_302 = arith.constant 0 : i32
      %dma_start3A_303 = tpu.memref_slice %arg13[%dma_start3A_301, %dma_start3A_302] : memref<4x80xi32, #tpu.memory_space<vmem>> -> memref<1x80xi32, #tpu.memory_space<vmem>>
      %dma_start3A_304 = tpu.memref_squeeze %dma_start3A_303 : memref<1x80xi32, #tpu.memory_space<vmem>> -> memref<80xi32, #tpu.memory_space<vmem>>
      %dma_start3A_305 = arith.constant 0 : i32
      %dma_start3A_306 = arith.constant 0 : i32
      %dma_start3A_307 = tpu.memref_slice %arg4[%dma_start3A_305, %dma_start3A_306] : memref<10000x128xf32, #tpu.memory_space<hbm>> -> memref<10000x128xf32, #tpu.memory_space<hbm>>
      tpu.enqueue_indirect_dma source(%dma_start3A_307 : memref<10000x128xf32, #tpu.memory_space<hbm>>) target(%arg17 : memref<80x128xf32, #tpu.memory_space<vmem>>) offsets(%dma_start3A_304 : memref<80xi32, #tpu.memory_space<vmem>>) semaphore(%arg26 : memref<!tpu.dma_semaphore, #tpu.memory_space<semaphore_mem>>)
    } else {
    }
    %eq3A_153 = arith.constant 1 : i32
    %eq3A_154 = arith.cmpi eq, %arg0, %eq3A_153 : i32
    %convert_element_type3A_155 = arith.extui %eq3A_154 : i1 to i32
    %cond3A_156 = arith.constant 0 : i32
    %cond3A_157 = arith.cmpi ne, %convert_element_type3A_155, %cond3A_156 : i32
    scf.if %cond3A_157 {
      %dma_start3A_301 = arith.constant 1 : i32
      %dma_start3A_302 = arith.constant 0 : i32
      %dma_start3A_303 = tpu.memref_slice %arg13[%dma_start3A_301, %dma_start3A_302] : memref<4x80xi32, #tpu.memory_space<vmem>> -> memref<1x80xi32, #tpu.memory_space<vmem>>
      %dma_start3A_304 = tpu.memref_squeeze %dma_start3A_303 : memref<1x80xi32, #tpu.memory_space<vmem>> -> memref<80xi32, #tpu.memory_space<vmem>>
      %dma_start3A_305 = arith.constant 0 : i32
      %dma_start3A_306 = arith.constant 0 : i32
      %dma_start3A_307 = tpu.memref_slice %arg5[%dma_start3A_305, %dma_start3A_306] : memref<10000x128xf32, #tpu.memory_space<hbm>> -> memref<10000x128xf32, #tpu.memory_space<hbm>>
      tpu.enqueue_indirect_dma source(%dma_start3A_307 : memref<10000x128xf32, #tpu.memory_space<hbm>>) target(%arg17 : memref<80x128xf32, #tpu.memory_space<vmem>>) offsets(%dma_start3A_304 : memref<80xi32, #tpu.memory_space<vmem>>) semaphore(%arg26 : memref<!tpu.dma_semaphore, #tpu.memory_space<semaphore_mem>>)
    } else {
    }
    %dma_wait3A_158 = arith.constant 0 : i32
    %dma_wait3A_159 = arith.constant 0 : i32
    %dma_wait3A_160 = tpu.memref_slice %arg10[%dma_wait3A_158, %dma_wait3A_159] : memref<10000x128xf32, #tpu.memory_space<hbm>> -> memref<80x128xf32, #tpu.memory_space<hbm>>
    %dma_wait3A_161 = arith.constant 0 : i32
    %dma_wait3A_162 = arith.constant 0 : i32
    %dma_wait3A_163 = tpu.memref_slice %arg10[%dma_wait3A_161, %dma_wait3A_162] : memref<10000x128xf32, #tpu.memory_space<hbm>> -> memref<80x128xf32, #tpu.memory_space<hbm>>
    tpu.wait_dma2 semaphore(%arg25 : memref<!tpu.dma_semaphore, #tpu.memory_space<semaphore_mem>>) src(%dma_wait3A_163 : memref<80x128xf32, #tpu.memory_space<hbm>>) dst(%arg16 : memref<80x128xf32, #tpu.memory_space<vmem>>)
    %eq3A_164 = arith.constant 0 : i32
    %eq3A_165 = arith.cmpi eq, %arg0, %eq3A_164 : i32
    %convert_element_type3A_166 = arith.extui %eq3A_165 : i1 to i32
    %cond3A_167 = arith.constant 0 : i32
    %cond3A_168 = arith.cmpi ne, %convert_element_type3A_166, %cond3A_167 : i32
    scf.if %cond3A_168 {
      %dma_start3A_301 = arith.constant 0 : i32
      %dma_start3A_302 = arith.constant 0 : i32
      %dma_start3A_303 = tpu.memref_slice %arg14[%dma_start3A_301, %dma_start3A_302] : memref<4x80xi32, #tpu.memory_space<vmem>> -> memref<1x80xi32, #tpu.memory_space<vmem>>
      %dma_start3A_304 = tpu.memref_squeeze %dma_start3A_303 : memref<1x80xi32, #tpu.memory_space<vmem>> -> memref<80xi32, #tpu.memory_space<vmem>>
      %dma_start3A_305 = arith.constant 0 : i32
      %dma_start3A_306 = arith.constant 0 : i32
      %dma_start3A_307 = tpu.memref_slice %arg6[%dma_start3A_305, %dma_start3A_306] : memref<10000x128xf32, #tpu.memory_space<hbm>> -> memref<10000x128xf32, #tpu.memory_space<hbm>>
      tpu.enqueue_indirect_dma source(%dma_start3A_307 : memref<10000x128xf32, #tpu.memory_space<hbm>>) target(%arg16 : memref<80x128xf32, #tpu.memory_space<vmem>>) offsets(%dma_start3A_304 : memref<80xi32, #tpu.memory_space<vmem>>) semaphore(%arg25 : memref<!tpu.dma_semaphore, #tpu.memory_space<semaphore_mem>>) {add = true}
    } else {
    }
    %eq3A_169 = arith.constant 1 : i32
    %eq3A_170 = arith.cmpi eq, %arg0, %eq3A_169 : i32
    %convert_element_type3A_171 = arith.extui %eq3A_170 : i1 to i32
    %cond3A_172 = arith.constant 0 : i32
    %cond3A_173 = arith.cmpi ne, %convert_element_type3A_171, %cond3A_172 : i32
    scf.if %cond3A_173 {
      %dma_start3A_301 = arith.constant 0 : i32
      %dma_start3A_302 = arith.constant 0 : i32
      %dma_start3A_303 = tpu.memref_slice %arg14[%dma_start3A_301, %dma_start3A_302] : memref<4x80xi32, #tpu.memory_space<vmem>> -> memref<1x80xi32, #tpu.memory_space<vmem>>
      %dma_start3A_304 = tpu.memref_squeeze %dma_start3A_303 : memref<1x80xi32, #tpu.memory_space<vmem>> -> memref<80xi32, #tpu.memory_space<vmem>>
      %dma_start3A_305 = arith.constant 0 : i32
      %dma_start3A_306 = arith.constant 0 : i32
      %dma_start3A_307 = tpu.memref_slice %arg7[%dma_start3A_305, %dma_start3A_306] : memref<10000x128xf32, #tpu.memory_space<hbm>> -> memref<10000x128xf32, #tpu.memory_space<hbm>>
      tpu.enqueue_indirect_dma source(%dma_start3A_307 : memref<10000x128xf32, #tpu.memory_space<hbm>>) target(%arg16 : memref<80x128xf32, #tpu.memory_space<vmem>>) offsets(%dma_start3A_304 : memref<80xi32, #tpu.memory_space<vmem>>) semaphore(%arg25 : memref<!tpu.dma_semaphore, #tpu.memory_space<semaphore_mem>>) {add = true}
    } else {
    }
    %dma_wait3A_174 = arith.constant 0 : i32
    %dma_wait3A_175 = arith.constant 0 : i32
    %dma_wait3A_176 = tpu.memref_slice %arg10[%dma_wait3A_174, %dma_wait3A_175] : memref<10000x128xf32, #tpu.memory_space<hbm>> -> memref<80x128xf32, #tpu.memory_space<hbm>>
    %dma_wait3A_177 = arith.constant 0 : i32
    %dma_wait3A_178 = arith.constant 0 : i32
    %dma_wait3A_179 = tpu.memref_slice %arg10[%dma_wait3A_177, %dma_wait3A_178] : memref<10000x128xf32, #tpu.memory_space<hbm>> -> memref<80x128xf32, #tpu.memory_space<hbm>>
    tpu.wait_dma2 semaphore(%arg25 : memref<!tpu.dma_semaphore, #tpu.memory_space<semaphore_mem>>) src(%dma_wait3A_179 : memref<80x128xf32, #tpu.memory_space<hbm>>) dst(%arg16 : memref<80x128xf32, #tpu.memory_space<vmem>>)
    %add3A_180 = arith.constant 0 : i32
    %add3A_181 = arith.addi %arg1, %add3A_180 : i32
    %mul3A = arith.constant 80 : i32
    %mul3A_182 = arith.muli %add3A_181, %mul3A : i32
    %add3A_183 = arith.constant 0 : i32
    %add3A_184 = arith.addi %mul3A_182, %add3A_183 : i32
    %add3A_185 = vector.broadcast %add3A_184 : i32 to vector<16xi32>
    %add3A_186 = arith.addi %add3A_185, %iota3A : vector<16xi32>
    %swap3A = arith.constant 0 : i32
    %swap3A_187 = arith.index_cast %swap3A : i32 to index
    %swap3A_188 = arith.constant 0 : index
    %swap3A_189 = tpu.vector_load %arg15[%swap3A_187, %swap3A_188] {strides = array<i32>} : memref<4x80xi32, #tpu.memory_space<vmem>>, vector<1x16xi32>,
    %swap3A_190 = vector.shape_cast %swap3A_189 : vector<1x16xi32> to vector<16xi32>
    %swap3A_191 = vector.shape_cast %add3A_186 : vector<16xi32> to vector<1x16xi32>
    tpu.vector_store %arg15[%swap3A_187, %swap3A_188], %swap3A_191 {strides = array<i32>} : memref<4x80xi32, #tpu.memory_space<vmem>>, vector<1x16xi32>,
    %add3A_192 = arith.constant 16 : i32
    %add3A_193 = arith.addi %mul3A_182, %add3A_192 : i32
    %add3A_194 = vector.broadcast %add3A_193 : i32 to vector<16xi32>
    %add3A_195 = arith.addi %add3A_194, %iota3A : vector<16xi32>
    %swap3A_196 = arith.constant 0 : i32
    %swap3A_197 = arith.index_cast %swap3A_196 : i32 to index
    %swap3A_198 = arith.constant 16 : index
    %swap3A_199 = tpu.vector_load %arg15[%swap3A_197, %swap3A_198] {strides = array<i32>} : memref<4x80xi32, #tpu.memory_space<vmem>>, vector<1x16xi32>,
    %swap3A_200 = vector.shape_cast %swap3A_199 : vector<1x16xi32> to vector<16xi32>
    %swap3A_201 = vector.shape_cast %add3A_195 : vector<16xi32> to vector<1x16xi32>
    tpu.vector_store %arg15[%swap3A_197, %swap3A_198], %swap3A_201 {strides = array<i32>} : memref<4x80xi32, #tpu.memory_space<vmem>>, vector<1x16xi32>,
    %add3A_202 = arith.constant 32 : i32
    %add3A_203 = arith.addi %mul3A_182, %add3A_202 : i32
    %add3A_204 = vector.broadcast %add3A_203 : i32 to vector<16xi32>
    %add3A_205 = arith.addi %add3A_204, %iota3A : vector<16xi32>
    %swap3A_206 = arith.constant 0 : i32
    %swap3A_207 = arith.index_cast %swap3A_206 : i32 to index
    %swap3A_208 = arith.constant 32 : index
    %swap3A_209 = tpu.vector_load %arg15[%swap3A_207, %swap3A_208] {strides = array<i32>} : memref<4x80xi32, #tpu.memory_space<vmem>>, vector<1x16xi32>,
    %swap3A_210 = vector.shape_cast %swap3A_209 : vector<1x16xi32> to vector<16xi32>
    %swap3A_211 = vector.shape_cast %add3A_205 : vector<16xi32> to vector<1x16xi32>
    tpu.vector_store %arg15[%swap3A_207, %swap3A_208], %swap3A_211 {strides = array<i32>} : memref<4x80xi32, #tpu.memory_space<vmem>>, vector<1x16xi32>,
    %add3A_212 = arith.constant 48 : i32
    %add3A_213 = arith.addi %mul3A_182, %add3A_212 : i32
    %add3A_214 = vector.broadcast %add3A_213 : i32 to vector<16xi32>
    %add3A_215 = arith.addi %add3A_214, %iota3A : vector<16xi32>
    %swap3A_216 = arith.constant 0 : i32
    %swap3A_217 = arith.index_cast %swap3A_216 : i32 to index
    %swap3A_218 = arith.constant 48 : index
    %swap3A_219 = tpu.vector_load %arg15[%swap3A_217, %swap3A_218] {strides = array<i32>} : memref<4x80xi32, #tpu.memory_space<vmem>>, vector<1x16xi32>,
    %swap3A_220 = vector.shape_cast %swap3A_219 : vector<1x16xi32> to vector<16xi32>
    %swap3A_221 = vector.shape_cast %add3A_215 : vector<16xi32> to vector<1x16xi32>
    tpu.vector_store %arg15[%swap3A_217, %swap3A_218], %swap3A_221 {strides = array<i32>} : memref<4x80xi32, #tpu.memory_space<vmem>>, vector<1x16xi32>,
    %add3A_222 = arith.constant 64 : i32
    %add3A_223 = arith.addi %mul3A_182, %add3A_222 : i32
    %add3A_224 = vector.broadcast %add3A_223 : i32 to vector<16xi32>
    %add3A_225 = arith.addi %add3A_224, %iota3A : vector<16xi32>
    %swap3A_226 = arith.constant 0 : i32
    %swap3A_227 = arith.index_cast %swap3A_226 : i32 to index
    %swap3A_228 = arith.constant 64 : index
    %swap3A_229 = tpu.vector_load %arg15[%swap3A_227, %swap3A_228] {strides = array<i32>} : memref<4x80xi32, #tpu.memory_space<vmem>>, vector<1x16xi32>,
    %swap3A_230 = vector.shape_cast %swap3A_229 : vector<1x16xi32> to vector<16xi32>
    %swap3A_231 = vector.shape_cast %add3A_225 : vector<16xi32> to vector<1x16xi32>
    tpu.vector_store %arg15[%swap3A_227, %swap3A_228], %swap3A_231 {strides = array<i32>} : memref<4x80xi32, #tpu.memory_space<vmem>>, vector<1x16xi32>,
    %eq3A_232 = arith.constant 0 : i32
    %eq3A_233 = arith.cmpi eq, %arg0, %eq3A_232 : i32
    %convert_element_type3A_234 = arith.extui %eq3A_233 : i1 to i32
    %cond3A_235 = arith.constant 0 : i32
    %cond3A_236 = arith.cmpi ne, %convert_element_type3A_234, %cond3A_235 : i32
    scf.if %cond3A_236 {
      %dma_start3A_301 = arith.constant 0 : i32
      %dma_start3A_302 = arith.constant 0 : i32
      %dma_start3A_303 = tpu.memref_slice %arg15[%dma_start3A_301, %dma_start3A_302] : memref<4x80xi32, #tpu.memory_space<vmem>> -> memref<1x80xi32, #tpu.memory_space<vmem>>
      %dma_start3A_304 = tpu.memref_squeeze %dma_start3A_303 : memref<1x80xi32, #tpu.memory_space<vmem>> -> memref<80xi32, #tpu.memory_space<vmem>>
      %dma_start3A_305 = arith.constant 0 : i32
      %dma_start3A_306 = arith.constant 0 : i32
      %dma_start3A_307 = tpu.memref_slice %arg8[%dma_start3A_305, %dma_start3A_306] : memref<160000x128xf32, #tpu.memory_space<hbm>> -> memref<160000x128xf32, #tpu.memory_space<hbm>>
      tpu.enqueue_indirect_dma source(%dma_start3A_307 : memref<160000x128xf32, #tpu.memory_space<hbm>>) target(%arg16 : memref<80x128xf32, #tpu.memory_space<vmem>>) offsets(%dma_start3A_304 : memref<80xi32, #tpu.memory_space<vmem>>) semaphore(%arg25 : memref<!tpu.dma_semaphore, #tpu.memory_space<semaphore_mem>>) {add = true}
    } else {
    }
    %eq3A_237 = arith.constant 1 : i32
    %eq3A_238 = arith.cmpi eq, %arg0, %eq3A_237 : i32
    %convert_element_type3A_239 = arith.extui %eq3A_238 : i1 to i32
    %cond3A_240 = arith.constant 0 : i32
    %cond3A_241 = arith.cmpi ne, %convert_element_type3A_239, %cond3A_240 : i32
    scf.if %cond3A_241 {
      %dma_start3A_301 = arith.constant 0 : i32
      %dma_start3A_302 = arith.constant 0 : i32
      %dma_start3A_303 = tpu.memref_slice %arg15[%dma_start3A_301, %dma_start3A_302] : memref<4x80xi32, #tpu.memory_space<vmem>> -> memref<1x80xi32, #tpu.memory_space<vmem>>
      %dma_start3A_304 = tpu.memref_squeeze %dma_start3A_303 : memref<1x80xi32, #tpu.memory_space<vmem>> -> memref<80xi32, #tpu.memory_space<vmem>>
      %dma_start3A_305 = arith.constant 0 : i32
      %dma_start3A_306 = arith.constant 0 : i32
      %dma_start3A_307 = tpu.memref_slice %arg9[%dma_start3A_305, %dma_start3A_306] : memref<160000x128xf32, #tpu.memory_space<hbm>> -> memref<160000x128xf32, #tpu.memory_space<hbm>>
      tpu.enqueue_indirect_dma source(%dma_start3A_307 : memref<160000x128xf32, #tpu.memory_space<hbm>>) target(%arg16 : memref<80x128xf32, #tpu.memory_space<vmem>>) offsets(%dma_start3A_304 : memref<80xi32, #tpu.memory_space<vmem>>) semaphore(%arg25 : memref<!tpu.dma_semaphore, #tpu.memory_space<semaphore_mem>>) {add = true}
    } else {
    }
    %scan3A = arith.constant 0 : i32
    %scan3A_242 = arith.constant 0 : i32
    %scan3A_243 = arith.constant 32 : i32
    %scan3A_244 = arith.addi %scan3A_242, %scan3A_243 : i32
    %scan3A_245 = arith.constant 1 : i32
    scf.for %scan3A_301 = %scan3A_242 to %scan3A_244 step %scan3A_245  : i32 {
      %mul3A_302 = arith.constant 4 : i32
      %mul3A_303 = arith.muli %mul3A_302, %scan3A_301 : i32
      %add3A_304 = arith.constant 1 : i32
      %add3A_305 = arith.addi %mul3A_303, %add3A_304 : i32
      %lt3A_306 = arith.constant 125 : i32
      %lt3A_307 = arith.cmpi slt, %add3A_305, %lt3A_306 : i32
      %convert_element_type3A_308 = arith.extui %lt3A_307 : i1 to i32
      %cond3A_309 = arith.constant 0 : i32
      %cond3A_310 = arith.cmpi ne, %convert_element_type3A_308, %cond3A_309 : i32
      scf.if %cond3A_310 {
        %dma_wait3A_448 = arith.constant 0 : i32
        %dma_wait3A_449 = arith.constant 0 : i32
        %dma_wait3A_450 = tpu.memref_slice %arg10[%dma_wait3A_448, %dma_wait3A_449] : memref<10000x128xf32, #tpu.memory_space<hbm>> -> memref<80x128xf32, #tpu.memory_space<hbm>>
        %dma_wait3A_451 = arith.constant 0 : i32
        %dma_wait3A_452 = arith.constant 0 : i32
        %dma_wait3A_453 = tpu.memref_slice %arg10[%dma_wait3A_451, %dma_wait3A_452] : memref<10000x128xf32, #tpu.memory_space<hbm>> -> memref<80x128xf32, #tpu.memory_space<hbm>>
        tpu.wait_dma2 semaphore(%arg26 : memref<!tpu.dma_semaphore, #tpu.memory_space<semaphore_mem>>) src(%dma_wait3A_453 : memref<80x128xf32, #tpu.memory_space<hbm>>) dst(%arg17 : memref<80x128xf32, #tpu.memory_space<vmem>>)
        %eq3A_454 = arith.constant 0 : i32
        %eq3A_455 = arith.cmpi eq, %arg0, %eq3A_454 : i32
        %convert_element_type3A_456 = arith.extui %eq3A_455 : i1 to i32
        %cond3A_457 = arith.constant 0 : i32
        %cond3A_458 = arith.cmpi ne, %convert_element_type3A_456, %cond3A_457 : i32
        scf.if %cond3A_458 {
          %dma_start3A_464 = arith.constant 1 : i32
          %dma_start3A_465 = arith.constant 0 : i32
          %dma_start3A_466 = tpu.memref_slice %arg14[%dma_start3A_464, %dma_start3A_465] : memref<4x80xi32, #tpu.memory_space<vmem>> -> memref<1x80xi32, #tpu.memory_space<vmem>>
          %dma_start3A_467 = tpu.memref_squeeze %dma_start3A_466 : memref<1x80xi32, #tpu.memory_space<vmem>> -> memref<80xi32, #tpu.memory_space<vmem>>
          %dma_start3A_468 = arith.constant 0 : i32
          %dma_start3A_469 = arith.constant 0 : i32
          %dma_start3A_470 = tpu.memref_slice %arg6[%dma_start3A_468, %dma_start3A_469] : memref<10000x128xf32, #tpu.memory_space<hbm>> -> memref<10000x128xf32, #tpu.memory_space<hbm>>
          tpu.enqueue_indirect_dma source(%dma_start3A_470 : memref<10000x128xf32, #tpu.memory_space<hbm>>) target(%arg17 : memref<80x128xf32, #tpu.memory_space<vmem>>) offsets(%dma_start3A_467 : memref<80xi32, #tpu.memory_space<vmem>>) semaphore(%arg26 : memref<!tpu.dma_semaphore, #tpu.memory_space<semaphore_mem>>) {add = true}
        } else {
        }
        %eq3A_459 = arith.constant 1 : i32
        %eq3A_460 = arith.cmpi eq, %arg0, %eq3A_459 : i32
        %convert_element_type3A_461 = arith.extui %eq3A_460 : i1 to i32
        %cond3A_462 = arith.constant 0 : i32
        %cond3A_463 = arith.cmpi ne, %convert_element_type3A_461, %cond3A_462 : i32
        scf.if %cond3A_463 {
          %dma_start3A_464 = arith.constant 1 : i32
          %dma_start3A_465 = arith.constant 0 : i32
          %dma_start3A_466 = tpu.memref_slice %arg14[%dma_start3A_464, %dma_start3A_465] : memref<4x80xi32, #tpu.memory_space<vmem>> -> memref<1x80xi32, #tpu.memory_space<vmem>>
          %dma_start3A_467 = tpu.memref_squeeze %dma_start3A_466 : memref<1x80xi32, #tpu.memory_space<vmem>> -> memref<80xi32, #tpu.memory_space<vmem>>
          %dma_start3A_468 = arith.constant 0 : i32
          %dma_start3A_469 = arith.constant 0 : i32
          %dma_start3A_470 = tpu.memref_slice %arg7[%dma_start3A_468, %dma_start3A_469] : memref<10000x128xf32, #tpu.memory_space<hbm>> -> memref<10000x128xf32, #tpu.memory_space<hbm>>
          tpu.enqueue_indirect_dma source(%dma_start3A_470 : memref<10000x128xf32, #tpu.memory_space<hbm>>) target(%arg17 : memref<80x128xf32, #tpu.memory_space<vmem>>) offsets(%dma_start3A_467 : memref<80xi32, #tpu.memory_space<vmem>>) semaphore(%arg26 : memref<!tpu.dma_semaphore, #tpu.memory_space<semaphore_mem>>) {add = true}
        } else {
        }
      } else {
      }
      %add3A_311 = arith.constant 2 : i32
      %add3A_312 = arith.addi %mul3A_303, %add3A_311 : i32
      %lt3A_313 = arith.constant 125 : i32
      %lt3A_314 = arith.cmpi slt, %add3A_312, %lt3A_313 : i32
      %convert_element_type3A_315 = arith.extui %lt3A_314 : i1 to i32
      %cond3A_316 = arith.constant 0 : i32
      %cond3A_317 = arith.cmpi ne, %convert_element_type3A_315, %cond3A_316 : i32
      scf.if %cond3A_317 {
        %dma_wait3A_448 = arith.constant 0 : i32
        %dma_wait3A_449 = arith.constant 2 : i32
        %dma_wait3A_450 = arith.constant 0 : i32
        %dma_wait3A_451 = tpu.memref_slice %arg13[%dma_wait3A_449, %dma_wait3A_450] : memref<4x80xi32, #tpu.memory_space<vmem>> -> memref<1x80xi32, #tpu.memory_space<vmem>>
        %dma_wait3A_452 = tpu.memref_squeeze %dma_wait3A_451 : memref<1x80xi32, #tpu.memory_space<vmem>> -> memref<80xi32, #tpu.memory_space<vmem>>
        %dma_wait3A_453 = arith.constant 0 : i32
        %dma_wait3A_454 = tpu.memref_slice %arg2[%dma_wait3A_448, %dma_wait3A_453] : memref<2000x80xi32, #tpu.memory_space<hbm>> -> memref<1x80xi32, #tpu.memory_space<hbm>>
        %dma_wait3A_455 = tpu.memref_squeeze %dma_wait3A_454 : memref<1x80xi32, #tpu.memory_space<hbm>> -> memref<80xi32, #tpu.memory_space<hbm>>
        %dma_wait3A_456 = arith.constant 0 : i32
        %dma_wait3A_457 = tpu.memref_slice %arg13[%dma_wait3A_449, %dma_wait3A_456] : memref<4x80xi32, #tpu.memory_space<vmem>> -> memref<1x80xi32, #tpu.memory_space<vmem>>
        %dma_wait3A_458 = tpu.memref_squeeze %dma_wait3A_457 : memref<1x80xi32, #tpu.memory_space<vmem>> -> memref<80xi32, #tpu.memory_space<vmem>>
        %dma_wait3A_459 = arith.constant 0 : i32
        %dma_wait3A_460 = tpu.memref_slice %arg2[%dma_wait3A_448, %dma_wait3A_459] : memref<2000x80xi32, #tpu.memory_space<hbm>> -> memref<1x80xi32, #tpu.memory_space<hbm>>
        %dma_wait3A_461 = tpu.memref_squeeze %dma_wait3A_460 : memref<1x80xi32, #tpu.memory_space<hbm>> -> memref<80xi32, #tpu.memory_space<hbm>>
        tpu.wait_dma2 semaphore(%arg23 : memref<!tpu.dma_semaphore, #tpu.memory_space<semaphore_mem>>) src(%dma_wait3A_461 : memref<80xi32, #tpu.memory_space<hbm>>) dst(%dma_wait3A_458 : memref<80xi32, #tpu.memory_space<vmem>>)
        %dma_wait3A_462 = arith.constant 0 : i32
        %dma_wait3A_463 = arith.constant 2 : i32
        %dma_wait3A_464 = arith.constant 0 : i32
        %dma_wait3A_465 = tpu.memref_slice %arg14[%dma_wait3A_463, %dma_wait3A_464] : memref<4x80xi32, #tpu.memory_space<vmem>> -> memref<1x80xi32, #tpu.memory_space<vmem>>
        %dma_wait3A_466 = tpu.memref_squeeze %dma_wait3A_465 : memref<1x80xi32, #tpu.memory_space<vmem>> -> memref<80xi32, #tpu.memory_space<vmem>>
        %dma_wait3A_467 = arith.constant 0 : i32
        %dma_wait3A_468 = tpu.memref_slice %arg3[%dma_wait3A_462, %dma_wait3A_467] : memref<2000x80xi32, #tpu.memory_space<hbm>> -> memref<1x80xi32, #tpu.memory_space<hbm>>
        %dma_wait3A_469 = tpu.memref_squeeze %dma_wait3A_468 : memref<1x80xi32, #tpu.memory_space<hbm>> -> memref<80xi32, #tpu.memory_space<hbm>>
        %dma_wait3A_470 = arith.constant 0 : i32
        %dma_wait3A_471 = tpu.memref_slice %arg14[%dma_wait3A_463, %dma_wait3A_470] : memref<4x80xi32, #tpu.memory_space<vmem>> -> memref<1x80xi32, #tpu.memory_space<vmem>>
        %dma_wait3A_472 = tpu.memref_squeeze %dma_wait3A_471 : memref<1x80xi32, #tpu.memory_space<vmem>> -> memref<80xi32, #tpu.memory_space<vmem>>
        %dma_wait3A_473 = arith.constant 0 : i32
        %dma_wait3A_474 = tpu.memref_slice %arg3[%dma_wait3A_462, %dma_wait3A_473] : memref<2000x80xi32, #tpu.memory_space<hbm>> -> memref<1x80xi32, #tpu.memory_space<hbm>>
        %dma_wait3A_475 = tpu.memref_squeeze %dma_wait3A_474 : memref<1x80xi32, #tpu.memory_space<hbm>> -> memref<80xi32, #tpu.memory_space<hbm>>
        tpu.wait_dma2 semaphore(%arg23 : memref<!tpu.dma_semaphore, #tpu.memory_space<semaphore_mem>>) src(%dma_wait3A_475 : memref<80xi32, #tpu.memory_space<hbm>>) dst(%dma_wait3A_472 : memref<80xi32, #tpu.memory_space<vmem>>)
        %eq3A_476 = arith.constant 0 : i32
        %eq3A_477 = arith.cmpi eq, %arg0, %eq3A_476 : i32
        %convert_element_type3A_478 = arith.extui %eq3A_477 : i1 to i32
        %cond3A_479 = arith.constant 0 : i32
        %cond3A_480 = arith.cmpi ne, %convert_element_type3A_478, %cond3A_479 : i32
        scf.if %cond3A_480 {
          %dma_start3A_486 = arith.constant 2 : i32
          %dma_start3A_487 = arith.constant 0 : i32
          %dma_start3A_488 = tpu.memref_slice %arg13[%dma_start3A_486, %dma_start3A_487] : memref<4x80xi32, #tpu.memory_space<vmem>> -> memref<1x80xi32, #tpu.memory_space<vmem>>
          %dma_start3A_489 = tpu.memref_squeeze %dma_start3A_488 : memref<1x80xi32, #tpu.memory_space<vmem>> -> memref<80xi32, #tpu.memory_space<vmem>>
          %dma_start3A_490 = arith.constant 0 : i32
          %dma_start3A_491 = arith.constant 0 : i32
          %dma_start3A_492 = tpu.memref_slice %arg4[%dma_start3A_490, %dma_start3A_491] : memref<10000x128xf32, #tpu.memory_space<hbm>> -> memref<10000x128xf32, #tpu.memory_space<hbm>>
          tpu.enqueue_indirect_dma source(%dma_start3A_492 : memref<10000x128xf32, #tpu.memory_space<hbm>>) target(%arg18 : memref<80x128xf32, #tpu.memory_space<vmem>>) offsets(%dma_start3A_489 : memref<80xi32, #tpu.memory_space<vmem>>) semaphore(%arg27 : memref<!tpu.dma_semaphore, #tpu.memory_space<semaphore_mem>>)
        } else {
        }
        %eq3A_481 = arith.constant 1 : i32
        %eq3A_482 = arith.cmpi eq, %arg0, %eq3A_481 : i32
        %convert_element_type3A_483 = arith.extui %eq3A_482 : i1 to i32
        %cond3A_484 = arith.constant 0 : i32
        %cond3A_485 = arith.cmpi ne, %convert_element_type3A_483, %cond3A_484 : i32
        scf.if %cond3A_485 {
          %dma_start3A_486 = arith.constant 2 : i32
          %dma_start3A_487 = arith.constant 0 : i32
          %dma_start3A_488 = tpu.memref_slice %arg13[%dma_start3A_486, %dma_start3A_487] : memref<4x80xi32, #tpu.memory_space<vmem>> -> memref<1x80xi32, #tpu.memory_space<vmem>>
          %dma_start3A_489 = tpu.memref_squeeze %dma_start3A_488 : memref<1x80xi32, #tpu.memory_space<vmem>> -> memref<80xi32, #tpu.memory_space<vmem>>
          %dma_start3A_490 = arith.constant 0 : i32
          %dma_start3A_491 = arith.constant 0 : i32
          %dma_start3A_492 = tpu.memref_slice %arg5[%dma_start3A_490, %dma_start3A_491] : memref<10000x128xf32, #tpu.memory_space<hbm>> -> memref<10000x128xf32, #tpu.memory_space<hbm>>
          tpu.enqueue_indirect_dma source(%dma_start3A_492 : memref<10000x128xf32, #tpu.memory_space<hbm>>) target(%arg18 : memref<80x128xf32, #tpu.memory_space<vmem>>) offsets(%dma_start3A_489 : memref<80xi32, #tpu.memory_space<vmem>>) semaphore(%arg27 : memref<!tpu.dma_semaphore, #tpu.memory_space<semaphore_mem>>)
        } else {
        }
      } else {
      }
      %add3A_318 = arith.constant 3 : i32
      %add3A_319 = arith.addi %mul3A_303, %add3A_318 : i32
      %lt3A_320 = arith.constant 125 : i32
      %lt3A_321 = arith.cmpi slt, %add3A_319, %lt3A_320 : i32
      %convert_element_type3A_322 = arith.extui %lt3A_321 : i1 to i32
      %cond3A_323 = arith.constant 0 : i32
      %cond3A_324 = arith.cmpi ne, %convert_element_type3A_322, %cond3A_323 : i32
      scf.if %cond3A_324 {
        %ge3A = arith.constant 1 : i32
        %ge3A_448 = arith.cmpi sge, %mul3A_303, %ge3A : i32
        %convert_element_type3A_449 = arith.extui %ge3A_448 : i1 to i32
        %cond3A_450 = arith.constant 0 : i32
        %cond3A_451 = arith.cmpi ne, %convert_element_type3A_449, %cond3A_450 : i32
        scf.if %cond3A_451 {
          %mul3A_483 = arith.constant 128 : i32
          %mul3A_484 = arith.muli %arg0, %mul3A_483 : i32
          %dma_wait3A_485 = arith.constant 0 : i32
          %dma_wait3A_486 = tpu.memref_slice %arg11[%dma_wait3A_485, %mul3A_484] : memref<160000x256xf32, #tpu.memory_space<hbm>> -> memref<80x128xf32, #tpu.memory_space<hbm>>
          %dma_wait3A_487 = arith.constant 0 : i32
          %dma_wait3A_488 = tpu.memref_slice %arg11[%dma_wait3A_487, %mul3A_484] : memref<160000x256xf32, #tpu.memory_space<hbm>> -> memref<80x128xf32, #tpu.memory_space<hbm>>
          tpu.wait_dma2 semaphore(%arg32 : memref<!tpu.dma_semaphore, #tpu.memory_space<semaphore_mem>>) src(%arg19 : memref<80x128xf32, #tpu.memory_space<vmem>>) dst(%dma_wait3A_488 : memref<80x128xf32, #tpu.memory_space<hbm>>)
          %dma_wait3A_489 = arith.constant 0 : i32
          %dma_wait3A_490 = arith.constant 0 : i32
          %dma_wait3A_491 = tpu.memref_slice %arg10[%dma_wait3A_489, %dma_wait3A_490] : memref<10000x128xf32, #tpu.memory_space<hbm>> -> memref<80x128xf32, #tpu.memory_space<hbm>>
          %dma_wait3A_492 = arith.constant 0 : i32
          %dma_wait3A_493 = arith.constant 0 : i32
          %dma_wait3A_494 = tpu.memref_slice %arg10[%dma_wait3A_492, %dma_wait3A_493] : memref<10000x128xf32, #tpu.memory_space<hbm>> -> memref<80x128xf32, #tpu.memory_space<hbm>>
          tpu.wait_dma2 semaphore(%arg36 : memref<!tpu.dma_semaphore, #tpu.memory_space<semaphore_mem>>) src(%dma_wait3A_494 : memref<80x128xf32, #tpu.memory_space<hbm>>) dst(%arg19 : memref<80x128xf32, #tpu.memory_space<vmem>>)
        } else {
        }
        %add3A_452 = arith.constant 3 : i32
        %add3A_453 = arith.addi %mul3A_303, %add3A_452 : i32
        %mul3A_454 = arith.constant 16 : i32
        %mul3A_455 = arith.muli %mul3A_454, %add3A_453 : i32
        %add3A_456 = arith.addi %arg1, %mul3A_455 : i32
        %dma_start3A_457 = arith.constant 3 : i32
        %dma_start3A_458 = arith.constant 0 : i32
        %dma_start3A_459 = tpu.memref_slice %arg13[%dma_start3A_457, %dma_start3A_458] : memref<4x80xi32, #tpu.memory_space<vmem>> -> memref<1x80xi32, #tpu.memory_space<vmem>>
        %dma_start3A_460 = tpu.memref_squeeze %dma_start3A_459 : memref<1x80xi32, #tpu.memory_space<vmem>> -> memref<80xi32, #tpu.memory_space<vmem>>
        %dma_start3A_461 = arith.constant 0 : i32
        %dma_start3A_462 = tpu.memref_slice %arg2[%add3A_456, %dma_start3A_461] : memref<2000x80xi32, #tpu.memory_space<hbm>> -> memref<1x80xi32, #tpu.memory_space<hbm>>
        %dma_start3A_463 = tpu.memref_squeeze %dma_start3A_462 : memref<1x80xi32, #tpu.memory_space<hbm>> -> memref<80xi32, #tpu.memory_space<hbm>>
        %dma_start3A_464 = arith.constant 0 : i32
        %dma_start3A_465 = tpu.memref_slice %arg13[%dma_start3A_457, %dma_start3A_464] : memref<4x80xi32, #tpu.memory_space<vmem>> -> memref<1x80xi32, #tpu.memory_space<vmem>>
        %dma_start3A_466 = tpu.memref_squeeze %dma_start3A_465 : memref<1x80xi32, #tpu.memory_space<vmem>> -> memref<80xi32, #tpu.memory_space<vmem>>
        %dma_start3A_467 = arith.constant 0 : i32
        %dma_start3A_468 = tpu.memref_slice %arg2[%add3A_456, %dma_start3A_467] : memref<2000x80xi32, #tpu.memory_space<hbm>> -> memref<1x80xi32, #tpu.memory_space<hbm>>
        %dma_start3A_469 = tpu.memref_squeeze %dma_start3A_468 : memref<1x80xi32, #tpu.memory_space<hbm>> -> memref<80xi32, #tpu.memory_space<hbm>>
        tpu.enqueue_dma source(%dma_start3A_469 : memref<80xi32, #tpu.memory_space<hbm>>) target(%dma_start3A_466 : memref<80xi32, #tpu.memory_space<vmem>>) target_semaphore(%arg24 : memref<!tpu.dma_semaphore, #tpu.memory_space<semaphore_mem>>)
        %dma_start3A_470 = arith.constant 3 : i32
        %dma_start3A_471 = arith.constant 0 : i32
        %dma_start3A_472 = tpu.memref_slice %arg14[%dma_start3A_470, %dma_start3A_471] : memref<4x80xi32, #tpu.memory_space<vmem>> -> memref<1x80xi32, #tpu.memory_space<vmem>>
        %dma_start3A_473 = tpu.memref_squeeze %dma_start3A_472 : memref<1x80xi32, #tpu.memory_space<vmem>> -> memref<80xi32, #tpu.memory_space<vmem>>
        %dma_start3A_474 = arith.constant 0 : i32
        %dma_start3A_475 = tpu.memref_slice %arg3[%add3A_456, %dma_start3A_474] : memref<2000x80xi32, #tpu.memory_space<hbm>> -> memref<1x80xi32, #tpu.memory_space<hbm>>
        %dma_start3A_476 = tpu.memref_squeeze %dma_start3A_475 : memref<1x80xi32, #tpu.memory_space<hbm>> -> memref<80xi32, #tpu.memory_space<hbm>>
        %dma_start3A_477 = arith.constant 0 : i32
        %dma_start3A_478 = tpu.memref_slice %arg14[%dma_start3A_470, %dma_start3A_477] : memref<4x80xi32, #tpu.memory_space<vmem>> -> memref<1x80xi32, #tpu.memory_space<vmem>>
        %dma_start3A_479 = tpu.memref_squeeze %dma_start3A_478 : memref<1x80xi32, #tpu.memory_space<vmem>> -> memref<80xi32, #tpu.memory_space<vmem>>
        %dma_start3A_480 = arith.constant 0 : i32
        %dma_start3A_481 = tpu.memref_slice %arg3[%add3A_456, %dma_start3A_480] : memref<2000x80xi32, #tpu.memory_space<hbm>> -> memref<1x80xi32, #tpu.memory_space<hbm>>
        %dma_start3A_482 = tpu.memref_squeeze %dma_start3A_481 : memref<1x80xi32, #tpu.memory_space<hbm>> -> memref<80xi32, #tpu.memory_space<hbm>>
        tpu.enqueue_dma source(%dma_start3A_482 : memref<80xi32, #tpu.memory_space<hbm>>) target(%dma_start3A_479 : memref<80xi32, #tpu.memory_space<vmem>>) target_semaphore(%arg24 : memref<!tpu.dma_semaphore, #tpu.memory_space<semaphore_mem>>)
      } else {
      }
      %lt3A_325 = arith.constant 125 : i32
      %lt3A_326 = arith.cmpi slt, %mul3A_303, %lt3A_325 : i32
      %convert_element_type3A_327 = arith.extui %lt3A_326 : i1 to i32
      %cond3A_328 = arith.constant 0 : i32
      %cond3A_329 = arith.cmpi ne, %convert_element_type3A_327, %cond3A_328 : i32
      scf.if %cond3A_329 {
        %dma_wait3A_448 = arith.constant 0 : i32
        %dma_wait3A_449 = arith.constant 0 : i32
        %dma_wait3A_450 = tpu.memref_slice %arg10[%dma_wait3A_448, %dma_wait3A_449] : memref<10000x128xf32, #tpu.memory_space<hbm>> -> memref<80x128xf32, #tpu.memory_space<hbm>>
        %dma_wait3A_451 = arith.constant 0 : i32
        %dma_wait3A_452 = arith.constant 0 : i32
        %dma_wait3A_453 = tpu.memref_slice %arg10[%dma_wait3A_451, %dma_wait3A_452] : memref<10000x128xf32, #tpu.memory_space<hbm>> -> memref<80x128xf32, #tpu.memory_space<hbm>>
        tpu.wait_dma2 semaphore(%arg25 : memref<!tpu.dma_semaphore, #tpu.memory_space<semaphore_mem>>) src(%dma_wait3A_453 : memref<80x128xf32, #tpu.memory_space<hbm>>) dst(%arg16 : memref<80x128xf32, #tpu.memory_space<vmem>>)
        %scan3A_454 = arith.constant 0 : i32
        %scan3A_455 = arith.constant 0 : i32
        %scan3A_456 = arith.constant 80 : i32
        %scan3A_457 = arith.addi %scan3A_455, %scan3A_456 : i32
        %scan3A_458 = arith.constant 2 : i32
        scf.for %scan3A_476 = %scan3A_455 to %scan3A_457 step %scan3A_458  : i32 {
          %get3A = arith.index_cast %scan3A_476 : i32 to index
          %get3A_477 = arith.constant 0 : index
          %get3A_478 = tpu.vector_load %arg16[%get3A, %get3A_477] {strides = array<i32>} : memref<80x128xf32, #tpu.memory_space<vmem>>, vector<1x16xf32>,
          %get3A_479 = vector.shape_cast %get3A_478 : vector<1x16xf32> to vector<16xf32>
          %max3A = arith.constant 0.000000e+00 : f32
          %max3A_480 = vector.broadcast %max3A : f32 to vector<16xf32>
          %max3A_481 = arith.maximumf %get3A_479, %max3A_480 : vector<16xf32>
          %swap3A_482 = arith.index_cast %scan3A_476 : i32 to index
          %swap3A_483 = arith.constant 0 : index
          %swap3A_484 = tpu.vector_load %arg16[%swap3A_482, %swap3A_483] {strides = array<i32>} : memref<80x128xf32, #tpu.memory_space<vmem>>, vector<1x16xf32>,
          %swap3A_485 = vector.shape_cast %swap3A_484 : vector<1x16xf32> to vector<16xf32>
          %swap3A_486 = vector.shape_cast %max3A_481 : vector<16xf32> to vector<1x16xf32>
          tpu.vector_store %arg16[%swap3A_482, %swap3A_483], %swap3A_486 {strides = array<i32>} : memref<80x128xf32, #tpu.memory_space<vmem>>, vector<1x16xf32>,
          %get3A_487 = arith.index_cast %scan3A_476 : i32 to index
          %get3A_488 = arith.constant 16 : index
          %get3A_489 = tpu.vector_load %arg16[%get3A_487, %get3A_488] {strides = array<i32>} : memref<80x128xf32, #tpu.memory_space<vmem>>, vector<1x16xf32>,
          %get3A_490 = vector.shape_cast %get3A_489 : vector<1x16xf32> to vector<16xf32>
          %max3A_491 = arith.constant 0.000000e+00 : f32
          %max3A_492 = vector.broadcast %max3A_491 : f32 to vector<16xf32>
          %max3A_493 = arith.maximumf %get3A_490, %max3A_492 : vector<16xf32>
          %swap3A_494 = arith.index_cast %scan3A_476 : i32 to index
          %swap3A_495 = arith.constant 16 : index
          %swap3A_496 = tpu.vector_load %arg16[%swap3A_494, %swap3A_495] {strides = array<i32>} : memref<80x128xf32, #tpu.memory_space<vmem>>, vector<1x16xf32>,
          %swap3A_497 = vector.shape_cast %swap3A_496 : vector<1x16xf32> to vector<16xf32>
          %swap3A_498 = vector.shape_cast %max3A_493 : vector<16xf32> to vector<1x16xf32>
          tpu.vector_store %arg16[%swap3A_494, %swap3A_495], %swap3A_498 {strides = array<i32>} : memref<80x128xf32, #tpu.memory_space<vmem>>, vector<1x16xf32>,
          %get3A_499 = arith.index_cast %scan3A_476 : i32 to index
          %get3A_500 = arith.constant 32 : index
          %get3A_501 = tpu.vector_load %arg16[%get3A_499, %get3A_500] {strides = array<i32>} : memref<80x128xf32, #tpu.memory_space<vmem>>, vector<1x16xf32>,
          %get3A_502 = vector.shape_cast %get3A_501 : vector<1x16xf32> to vector<16xf32>
          %max3A_503 = arith.constant 0.000000e+00 : f32
          %max3A_504 = vector.broadcast %max3A_503 : f32 to vector<16xf32>
          %max3A_505 = arith.maximumf %get3A_502, %max3A_504 : vector<16xf32>
          %swap3A_506 = arith.index_cast %scan3A_476 : i32 to index
          %swap3A_507 = arith.constant 32 : index
          %swap3A_508 = tpu.vector_load %arg16[%swap3A_506, %swap3A_507] {strides = array<i32>} : memref<80x128xf32, #tpu.memory_space<vmem>>, vector<1x16xf32>,
          %swap3A_509 = vector.shape_cast %swap3A_508 : vector<1x16xf32> to vector<16xf32>
          %swap3A_510 = vector.shape_cast %max3A_505 : vector<16xf32> to vector<1x16xf32>
          tpu.vector_store %arg16[%swap3A_506, %swap3A_507], %swap3A_510 {strides = array<i32>} : memref<80x128xf32, #tpu.memory_space<vmem>>, vector<1x16xf32>,
          %get3A_511 = arith.index_cast %scan3A_476 : i32 to index
          %get3A_512 = arith.constant 48 : index
          %get3A_513 = tpu.vector_load %arg16[%get3A_511, %get3A_512] {strides = array<i32>} : memref<80x128xf32, #tpu.memory_space<vmem>>, vector<1x16xf32>,
          %get3A_514 = vector.shape_cast %get3A_513 : vector<1x16xf32> to vector<16xf32>
          %max3A_515 = arith.constant 0.000000e+00 : f32
          %max3A_516 = vector.broadcast %max3A_515 : f32 to vector<16xf32>
          %max3A_517 = arith.maximumf %get3A_514, %max3A_516 : vector<16xf32>
          %swap3A_518 = arith.index_cast %scan3A_476 : i32 to index
          %swap3A_519 = arith.constant 48 : index
          %swap3A_520 = tpu.vector_load %arg16[%swap3A_518, %swap3A_519] {strides = array<i32>} : memref<80x128xf32, #tpu.memory_space<vmem>>, vector<1x16xf32>,
          %swap3A_521 = vector.shape_cast %swap3A_520 : vector<1x16xf32> to vector<16xf32>
          %swap3A_522 = vector.shape_cast %max3A_517 : vector<16xf32> to vector<1x16xf32>
          tpu.vector_store %arg16[%swap3A_518, %swap3A_519], %swap3A_522 {strides = array<i32>} : memref<80x128xf32, #tpu.memory_space<vmem>>, vector<1x16xf32>,
          %get3A_523 = arith.index_cast %scan3A_476 : i32 to index
          %get3A_524 = arith.constant 64 : index
          %get3A_525 = tpu.vector_load %arg16[%get3A_523, %get3A_524] {strides = array<i32>} : memref<80x128xf32, #tpu.memory_space<vmem>>, vector<1x16xf32>,
          %get3A_526 = vector.shape_cast %get3A_525 : vector<1x16xf32> to vector<16xf32>
          %max3A_527 = arith.constant 0.000000e+00 : f32
          %max3A_528 = vector.broadcast %max3A_527 : f32 to vector<16xf32>
          %max3A_529 = arith.maximumf %get3A_526, %max3A_528 : vector<16xf32>
          %swap3A_530 = arith.index_cast %scan3A_476 : i32 to index
          %swap3A_531 = arith.constant 64 : index
          %swap3A_532 = tpu.vector_load %arg16[%swap3A_530, %swap3A_531] {strides = array<i32>} : memref<80x128xf32, #tpu.memory_space<vmem>>, vector<1x16xf32>,
          %swap3A_533 = vector.shape_cast %swap3A_532 : vector<1x16xf32> to vector<16xf32>
          %swap3A_534 = vector.shape_cast %max3A_529 : vector<16xf32> to vector<1x16xf32>
          tpu.vector_store %arg16[%swap3A_530, %swap3A_531], %swap3A_534 {strides = array<i32>} : memref<80x128xf32, #tpu.memory_space<vmem>>, vector<1x16xf32>,
          %get3A_535 = arith.index_cast %scan3A_476 : i32 to index
          %get3A_536 = arith.constant 80 : index
          %get3A_537 = tpu.vector_load %arg16[%get3A_535, %get3A_536] {strides = array<i32>} : memref<80x128xf32, #tpu.memory_space<vmem>>, vector<1x16xf32>,
          %get3A_538 = vector.shape_cast %get3A_537 : vector<1x16xf32> to vector<16xf32>
          %max3A_539 = arith.constant 0.000000e+00 : f32
          %max3A_540 = vector.broadcast %max3A_539 : f32 to vector<16xf32>
          %max3A_541 = arith.maximumf %get3A_538, %max3A_540 : vector<16xf32>
          %swap3A_542 = arith.index_cast %scan3A_476 : i32 to index
          %swap3A_543 = arith.constant 80 : index
          %swap3A_544 = tpu.vector_load %arg16[%swap3A_542, %swap3A_543] {strides = array<i32>} : memref<80x128xf32, #tpu.memory_space<vmem>>, vector<1x16xf32>,
          %swap3A_545 = vector.shape_cast %swap3A_544 : vector<1x16xf32> to vector<16xf32>
          %swap3A_546 = vector.shape_cast %max3A_541 : vector<16xf32> to vector<1x16xf32>
          tpu.vector_store %arg16[%swap3A_542, %swap3A_543], %swap3A_546 {strides = array<i32>} : memref<80x128xf32, #tpu.memory_space<vmem>>, vector<1x16xf32>,
          %get3A_547 = arith.index_cast %scan3A_476 : i32 to index
          %get3A_548 = arith.constant 96 : index
          %get3A_549 = tpu.vector_load %arg16[%get3A_547, %get3A_548] {strides = array<i32>} : memref<80x128xf32, #tpu.memory_space<vmem>>, vector<1x16xf32>,
          %get3A_550 = vector.shape_cast %get3A_549 : vector<1x16xf32> to vector<16xf32>
          %max3A_551 = arith.constant 0.000000e+00 : f32
          %max3A_552 = vector.broadcast %max3A_551 : f32 to vector<16xf32>
          %max3A_553 = arith.maximumf %get3A_550, %max3A_552 : vector<16xf32>
          %swap3A_554 = arith.index_cast %scan3A_476 : i32 to index
          %swap3A_555 = arith.constant 96 : index
          %swap3A_556 = tpu.vector_load %arg16[%swap3A_554, %swap3A_555] {strides = array<i32>} : memref<80x128xf32, #tpu.memory_space<vmem>>, vector<1x16xf32>,
          %swap3A_557 = vector.shape_cast %swap3A_556 : vector<1x16xf32> to vector<16xf32>
          %swap3A_558 = vector.shape_cast %max3A_553 : vector<16xf32> to vector<1x16xf32>
          tpu.vector_store %arg16[%swap3A_554, %swap3A_555], %swap3A_558 {strides = array<i32>} : memref<80x128xf32, #tpu.memory_space<vmem>>, vector<1x16xf32>,
          %get3A_559 = arith.index_cast %scan3A_476 : i32 to index
          %get3A_560 = arith.constant 112 : index
          %get3A_561 = tpu.vector_load %arg16[%get3A_559, %get3A_560] {strides = array<i32>} : memref<80x128xf32, #tpu.memory_space<vmem>>, vector<1x16xf32>,
          %get3A_562 = vector.shape_cast %get3A_561 : vector<1x16xf32> to vector<16xf32>
          %max3A_563 = arith.constant 0.000000e+00 : f32
          %max3A_564 = vector.broadcast %max3A_563 : f32 to vector<16xf32>
          %max3A_565 = arith.maximumf %get3A_562, %max3A_564 : vector<16xf32>
          %swap3A_566 = arith.index_cast %scan3A_476 : i32 to index
          %swap3A_567 = arith.constant 112 : index
          %swap3A_568 = tpu.vector_load %arg16[%swap3A_566, %swap3A_567] {strides = array<i32>} : memref<80x128xf32, #tpu.memory_space<vmem>>, vector<1x16xf32>,
          %swap3A_569 = vector.shape_cast %swap3A_568 : vector<1x16xf32> to vector<16xf32>
          %swap3A_570 = vector.shape_cast %max3A_565 : vector<16xf32> to vector<1x16xf32>
          tpu.vector_store %arg16[%swap3A_566, %swap3A_567], %swap3A_570 {strides = array<i32>} : memref<80x128xf32, #tpu.memory_space<vmem>>, vector<1x16xf32>,
          %scan3A_571 = arith.constant 1 : i32
          %scan3A_572 = arith.addi %scan3A_476, %scan3A_571 : i32
          %get3A_573 = arith.index_cast %scan3A_572 : i32 to index
          %get3A_574 = arith.constant 0 : index
          %get3A_575 = tpu.vector_load %arg16[%get3A_573, %get3A_574] {strides = array<i32>} : memref<80x128xf32, #tpu.memory_space<vmem>>, vector<1x16xf32>,
          %get3A_576 = vector.shape_cast %get3A_575 : vector<1x16xf32> to vector<16xf32>
          %max3A_577 = arith.constant 0.000000e+00 : f32
          %max3A_578 = vector.broadcast %max3A_577 : f32 to vector<16xf32>
          %max3A_579 = arith.maximumf %get3A_576, %max3A_578 : vector<16xf32>
          %swap3A_580 = arith.index_cast %scan3A_572 : i32 to index
          %swap3A_581 = arith.constant 0 : index
          %swap3A_582 = tpu.vector_load %arg16[%swap3A_580, %swap3A_581] {strides = array<i32>} : memref<80x128xf32, #tpu.memory_space<vmem>>, vector<1x16xf32>,
          %swap3A_583 = vector.shape_cast %swap3A_582 : vector<1x16xf32> to vector<16xf32>
          %swap3A_584 = vector.shape_cast %max3A_579 : vector<16xf32> to vector<1x16xf32>
          tpu.vector_store %arg16[%swap3A_580, %swap3A_581], %swap3A_584 {strides = array<i32>} : memref<80x128xf32, #tpu.memory_space<vmem>>, vector<1x16xf32>,
          %get3A_585 = arith.index_cast %scan3A_572 : i32 to index
          %get3A_586 = arith.constant 16 : index
          %get3A_587 = tpu.vector_load %arg16[%get3A_585, %get3A_586] {strides = array<i32>} : memref<80x128xf32, #tpu.memory_space<vmem>>, vector<1x16xf32>,
          %get3A_588 = vector.shape_cast %get3A_587 : vector<1x16xf32> to vector<16xf32>
          %max3A_589 = arith.constant 0.000000e+00 : f32
          %max3A_590 = vector.broadcast %max3A_589 : f32 to vector<16xf32>
          %max3A_591 = arith.maximumf %get3A_588, %max3A_590 : vector<16xf32>
          %swap3A_592 = arith.index_cast %scan3A_572 : i32 to index
          %swap3A_593 = arith.constant 16 : index
          %swap3A_594 = tpu.vector_load %arg16[%swap3A_592, %swap3A_593] {strides = array<i32>} : memref<80x128xf32, #tpu.memory_space<vmem>>, vector<1x16xf32>,
          %swap3A_595 = vector.shape_cast %swap3A_594 : vector<1x16xf32> to vector<16xf32>
          %swap3A_596 = vector.shape_cast %max3A_591 : vector<16xf32> to vector<1x16xf32>
          tpu.vector_store %arg16[%swap3A_592, %swap3A_593], %swap3A_596 {strides = array<i32>} : memref<80x128xf32, #tpu.memory_space<vmem>>, vector<1x16xf32>,
          %get3A_597 = arith.index_cast %scan3A_572 : i32 to index
          %get3A_598 = arith.constant 32 : index
          %get3A_599 = tpu.vector_load %arg16[%get3A_597, %get3A_598] {strides = array<i32>} : memref<80x128xf32, #tpu.memory_space<vmem>>, vector<1x16xf32>,
          %get3A_600 = vector.shape_cast %get3A_599 : vector<1x16xf32> to vector<16xf32>
          %max3A_601 = arith.constant 0.000000e+00 : f32
          %max3A_602 = vector.broadcast %max3A_601 : f32 to vector<16xf32>
          %max3A_603 = arith.maximumf %get3A_600, %max3A_602 : vector<16xf32>
          %swap3A_604 = arith.index_cast %scan3A_572 : i32 to index
          %swap3A_605 = arith.constant 32 : index
          %swap3A_606 = tpu.vector_load %arg16[%swap3A_604, %swap3A_605] {strides = array<i32>} : memref<80x128xf32, #tpu.memory_space<vmem>>, vector<1x16xf32>,
          %swap3A_607 = vector.shape_cast %swap3A_606 : vector<1x16xf32> to vector<16xf32>
          %swap3A_608 = vector.shape_cast %max3A_603 : vector<16xf32> to vector<1x16xf32>
          tpu.vector_store %arg16[%swap3A_604, %swap3A_605], %swap3A_608 {strides = array<i32>} : memref<80x128xf32, #tpu.memory_space<vmem>>, vector<1x16xf32>,
          %get3A_609 = arith.index_cast %scan3A_572 : i32 to index
          %get3A_610 = arith.constant 48 : index
          %get3A_611 = tpu.vector_load %arg16[%get3A_609, %get3A_610] {strides = array<i32>} : memref<80x128xf32, #tpu.memory_space<vmem>>, vector<1x16xf32>,
          %get3A_612 = vector.shape_cast %get3A_611 : vector<1x16xf32> to vector<16xf32>
          %max3A_613 = arith.constant 0.000000e+00 : f32
          %max3A_614 = vector.broadcast %max3A_613 : f32 to vector<16xf32>
          %max3A_615 = arith.maximumf %get3A_612, %max3A_614 : vector<16xf32>
          %swap3A_616 = arith.index_cast %scan3A_572 : i32 to index
          %swap3A_617 = arith.constant 48 : index
          %swap3A_618 = tpu.vector_load %arg16[%swap3A_616, %swap3A_617] {strides = array<i32>} : memref<80x128xf32, #tpu.memory_space<vmem>>, vector<1x16xf32>,
          %swap3A_619 = vector.shape_cast %swap3A_618 : vector<1x16xf32> to vector<16xf32>
          %swap3A_620 = vector.shape_cast %max3A_615 : vector<16xf32> to vector<1x16xf32>
          tpu.vector_store %arg16[%swap3A_616, %swap3A_617], %swap3A_620 {strides = array<i32>} : memref<80x128xf32, #tpu.memory_space<vmem>>, vector<1x16xf32>,
          %get3A_621 = arith.index_cast %scan3A_572 : i32 to index
          %get3A_622 = arith.constant 64 : index
          %get3A_623 = tpu.vector_load %arg16[%get3A_621, %get3A_622] {strides = array<i32>} : memref<80x128xf32, #tpu.memory_space<vmem>>, vector<1x16xf32>,
          %get3A_624 = vector.shape_cast %get3A_623 : vector<1x16xf32> to vector<16xf32>
          %max3A_625 = arith.constant 0.000000e+00 : f32
          %max3A_626 = vector.broadcast %max3A_625 : f32 to vector<16xf32>
          %max3A_627 = arith.maximumf %get3A_624, %max3A_626 : vector<16xf32>
          %swap3A_628 = arith.index_cast %scan3A_572 : i32 to index
          %swap3A_629 = arith.constant 64 : index
          %swap3A_630 = tpu.vector_load %arg16[%swap3A_628, %swap3A_629] {strides = array<i32>} : memref<80x128xf32, #tpu.memory_space<vmem>>, vector<1x16xf32>,
          %swap3A_631 = vector.shape_cast %swap3A_630 : vector<1x16xf32> to vector<16xf32>
          %swap3A_632 = vector.shape_cast %max3A_627 : vector<16xf32> to vector<1x16xf32>
          tpu.vector_store %arg16[%swap3A_628, %swap3A_629], %swap3A_632 {strides = array<i32>} : memref<80x128xf32, #tpu.memory_space<vmem>>, vector<1x16xf32>,
          %get3A_633 = arith.index_cast %scan3A_572 : i32 to index
          %get3A_634 = arith.constant 80 : index
          %get3A_635 = tpu.vector_load %arg16[%get3A_633, %get3A_634] {strides = array<i32>} : memref<80x128xf32, #tpu.memory_space<vmem>>, vector<1x16xf32>,
          %get3A_636 = vector.shape_cast %get3A_635 : vector<1x16xf32> to vector<16xf32>
          %max3A_637 = arith.constant 0.000000e+00 : f32
          %max3A_638 = vector.broadcast %max3A_637 : f32 to vector<16xf32>
          %max3A_639 = arith.maximumf %get3A_636, %max3A_638 : vector<16xf32>
          %swap3A_640 = arith.index_cast %scan3A_572 : i32 to index
          %swap3A_641 = arith.constant 80 : index
          %swap3A_642 = tpu.vector_load %arg16[%swap3A_640, %swap3A_641] {strides = array<i32>} : memref<80x128xf32, #tpu.memory_space<vmem>>, vector<1x16xf32>,
          %swap3A_643 = vector.shape_cast %swap3A_642 : vector<1x16xf32> to vector<16xf32>
          %swap3A_644 = vector.shape_cast %max3A_639 : vector<16xf32> to vector<1x16xf32>
          tpu.vector_store %arg16[%swap3A_640, %swap3A_641], %swap3A_644 {strides = array<i32>} : memref<80x128xf32, #tpu.memory_space<vmem>>, vector<1x16xf32>,
          %get3A_645 = arith.index_cast %scan3A_572 : i32 to index
          %get3A_646 = arith.constant 96 : index
          %get3A_647 = tpu.vector_load %arg16[%get3A_645, %get3A_646] {strides = array<i32>} : memref<80x128xf32, #tpu.memory_space<vmem>>, vector<1x16xf32>,
          %get3A_648 = vector.shape_cast %get3A_647 : vector<1x16xf32> to vector<16xf32>
          %max3A_649 = arith.constant 0.000000e+00 : f32
          %max3A_650 = vector.broadcast %max3A_649 : f32 to vector<16xf32>
          %max3A_651 = arith.maximumf %get3A_648, %max3A_650 : vector<16xf32>
          %swap3A_652 = arith.index_cast %scan3A_572 : i32 to index
          %swap3A_653 = arith.constant 96 : index
          %swap3A_654 = tpu.vector_load %arg16[%swap3A_652, %swap3A_653] {strides = array<i32>} : memref<80x128xf32, #tpu.memory_space<vmem>>, vector<1x16xf32>,
          %swap3A_655 = vector.shape_cast %swap3A_654 : vector<1x16xf32> to vector<16xf32>
          %swap3A_656 = vector.shape_cast %max3A_651 : vector<16xf32> to vector<1x16xf32>
          tpu.vector_store %arg16[%swap3A_652, %swap3A_653], %swap3A_656 {strides = array<i32>} : memref<80x128xf32, #tpu.memory_space<vmem>>, vector<1x16xf32>,
          %get3A_657 = arith.index_cast %scan3A_572 : i32 to index
          %get3A_658 = arith.constant 112 : index
          %get3A_659 = tpu.vector_load %arg16[%get3A_657, %get3A_658] {strides = array<i32>} : memref<80x128xf32, #tpu.memory_space<vmem>>, vector<1x16xf32>,
          %get3A_660 = vector.shape_cast %get3A_659 : vector<1x16xf32> to vector<16xf32>
          %max3A_661 = arith.constant 0.000000e+00 : f32
          %max3A_662 = vector.broadcast %max3A_661 : f32 to vector<16xf32>
          %max3A_663 = arith.maximumf %get3A_660, %max3A_662 : vector<16xf32>
          %swap3A_664 = arith.index_cast %scan3A_572 : i32 to index
          %swap3A_665 = arith.constant 112 : index
          %swap3A_666 = tpu.vector_load %arg16[%swap3A_664, %swap3A_665] {strides = array<i32>} : memref<80x128xf32, #tpu.memory_space<vmem>>, vector<1x16xf32>,
          %swap3A_667 = vector.shape_cast %swap3A_666 : vector<1x16xf32> to vector<16xf32>
          %swap3A_668 = vector.shape_cast %max3A_663 : vector<16xf32> to vector<1x16xf32>
          tpu.vector_store %arg16[%swap3A_664, %swap3A_665], %swap3A_668 {strides = array<i32>} : memref<80x128xf32, #tpu.memory_space<vmem>>, vector<1x16xf32>,
        }
        %scan3A_459 = arith.constant 80 : i32
        %mul3A_460 = arith.constant 16 : i32
        %mul3A_461 = arith.muli %mul3A_460, %mul3A_303 : i32
        %add3A_462 = arith.addi %arg1, %mul3A_461 : i32
        %mul3A_463 = arith.constant 80 : i32
        %mul3A_464 = arith.muli %add3A_462, %mul3A_463 : i32
        %mul3A_465 = arith.constant 128 : i32
        %mul3A_466 = arith.muli %arg0, %mul3A_465 : i32
        %dma_start3A_467 = tpu.memref_slice %arg11[%mul3A_464, %mul3A_466] : memref<160000x256xf32, #tpu.memory_space<hbm>> -> memref<80x128xf32, #tpu.memory_space<hbm>>
        %dma_start3A_468 = tpu.memref_slice %arg11[%mul3A_464, %mul3A_466] : memref<160000x256xf32, #tpu.memory_space<hbm>> -> memref<80x128xf32, #tpu.memory_space<hbm>>
        tpu.enqueue_dma source(%arg16 : memref<80x128xf32, #tpu.memory_space<vmem>>) target(%dma_start3A_468 : memref<80x128xf32, #tpu.memory_space<hbm>>) target_semaphore(%arg29 : memref<!tpu.dma_semaphore, #tpu.memory_space<semaphore_mem>>)
        %dma_start3A_469 = arith.constant 0 : i32
        %dma_start3A_470 = arith.constant 0 : i32
        %dma_start3A_471 = tpu.memref_slice %arg14[%dma_start3A_469, %dma_start3A_470] : memref<4x80xi32, #tpu.memory_space<vmem>> -> memref<1x80xi32, #tpu.memory_space<vmem>>
        %dma_start3A_472 = tpu.memref_squeeze %dma_start3A_471 : memref<1x80xi32, #tpu.memory_space<vmem>> -> memref<80xi32, #tpu.memory_space<vmem>>
        %dma_start3A_473 = arith.constant 0 : i32
        %dma_start3A_474 = arith.constant 0 : i32
        %dma_start3A_475 = tpu.memref_slice %arg20[%dma_start3A_473, %dma_start3A_474] : memref<10000x128xf32, #tpu.memory_space<vmem_shared>> -> memref<10000x128xf32, #tpu.memory_space<vmem_shared>>
        tpu.enqueue_indirect_dma source(%arg16 : memref<80x128xf32, #tpu.memory_space<vmem>>) target(%dma_start3A_475 : memref<10000x128xf32, #tpu.memory_space<vmem_shared>>) offsets(%dma_start3A_472 : memref<80xi32, #tpu.memory_space<vmem>>) semaphore(%arg33 : memref<!tpu.dma_semaphore, #tpu.memory_space<semaphore_mem>>) {add = true}
      } else {
      }
      %add3A_330 = arith.constant 1 : i32
      %add3A_331 = arith.addi %mul3A_303, %add3A_330 : i32
      %lt3A_332 = arith.constant 125 : i32
      %lt3A_333 = arith.cmpi slt, %add3A_331, %lt3A_332 : i32
      %convert_element_type3A_334 = arith.extui %lt3A_333 : i1 to i32
      %cond3A_335 = arith.constant 0 : i32
      %cond3A_336 = arith.cmpi ne, %convert_element_type3A_334, %cond3A_335 : i32
      scf.if %cond3A_336 {
        %dma_wait3A_448 = arith.constant 0 : i32
        %dma_wait3A_449 = arith.constant 0 : i32
        %dma_wait3A_450 = tpu.memref_slice %arg10[%dma_wait3A_448, %dma_wait3A_449] : memref<10000x128xf32, #tpu.memory_space<hbm>> -> memref<80x128xf32, #tpu.memory_space<hbm>>
        %dma_wait3A_451 = arith.constant 0 : i32
        %dma_wait3A_452 = arith.constant 0 : i32
        %dma_wait3A_453 = tpu.memref_slice %arg10[%dma_wait3A_451, %dma_wait3A_452] : memref<10000x128xf32, #tpu.memory_space<hbm>> -> memref<80x128xf32, #tpu.memory_space<hbm>>
        tpu.wait_dma2 semaphore(%arg26 : memref<!tpu.dma_semaphore, #tpu.memory_space<semaphore_mem>>) src(%dma_wait3A_453 : memref<80x128xf32, #tpu.memory_space<hbm>>) dst(%arg17 : memref<80x128xf32, #tpu.memory_space<vmem>>)
        %add3A_454 = arith.constant 1 : i32
        %add3A_455 = arith.addi %mul3A_303, %add3A_454 : i32
        %mul3A_456 = arith.constant 16 : i32
        %mul3A_457 = arith.muli %mul3A_456, %add3A_455 : i32
        %add3A_458 = arith.addi %arg1, %mul3A_457 : i32
        %mul3A_459 = arith.constant 80 : i32
        %mul3A_460 = arith.muli %add3A_458, %mul3A_459 : i32
        %add3A_461 = arith.constant 0 : i32
        %add3A_462 = arith.addi %mul3A_460, %add3A_461 : i32
        %add3A_463 = vector.broadcast %add3A_462 : i32 to vector<16xi32>
        %add3A_464 = arith.addi %add3A_463, %iota3A : vector<16xi32>
        %swap3A_465 = arith.constant 1 : i32
        %swap3A_466 = arith.index_cast %swap3A_465 : i32 to index
        %swap3A_467 = arith.constant 0 : index
        %swap3A_468 = tpu.vector_load %arg15[%swap3A_466, %swap3A_467] {strides = array<i32>} : memref<4x80xi32, #tpu.memory_space<vmem>>, vector<1x16xi32>,
        %swap3A_469 = vector.shape_cast %swap3A_468 : vector<1x16xi32> to vector<16xi32>
        %swap3A_470 = vector.shape_cast %add3A_464 : vector<16xi32> to vector<1x16xi32>
        tpu.vector_store %arg15[%swap3A_466, %swap3A_467], %swap3A_470 {strides = array<i32>} : memref<4x80xi32, #tpu.memory_space<vmem>>, vector<1x16xi32>,
        %add3A_471 = arith.constant 16 : i32
        %add3A_472 = arith.addi %mul3A_460, %add3A_471 : i32
        %add3A_473 = vector.broadcast %add3A_472 : i32 to vector<16xi32>
        %add3A_474 = arith.addi %add3A_473, %iota3A : vector<16xi32>
        %swap3A_475 = arith.constant 1 : i32
        %swap3A_476 = arith.index_cast %swap3A_475 : i32 to index
        %swap3A_477 = arith.constant 16 : index
        %swap3A_478 = tpu.vector_load %arg15[%swap3A_476, %swap3A_477] {strides = array<i32>} : memref<4x80xi32, #tpu.memory_space<vmem>>, vector<1x16xi32>,
        %swap3A_479 = vector.shape_cast %swap3A_478 : vector<1x16xi32> to vector<16xi32>
        %swap3A_480 = vector.shape_cast %add3A_474 : vector<16xi32> to vector<1x16xi32>
        tpu.vector_store %arg15[%swap3A_476, %swap3A_477], %swap3A_480 {strides = array<i32>} : memref<4x80xi32, #tpu.memory_space<vmem>>, vector<1x16xi32>,
        %add3A_481 = arith.constant 32 : i32
        %add3A_482 = arith.addi %mul3A_460, %add3A_481 : i32
        %add3A_483 = vector.broadcast %add3A_482 : i32 to vector<16xi32>
        %add3A_484 = arith.addi %add3A_483, %iota3A : vector<16xi32>
        %swap3A_485 = arith.constant 1 : i32
        %swap3A_486 = arith.index_cast %swap3A_485 : i32 to index
        %swap3A_487 = arith.constant 32 : index
        %swap3A_488 = tpu.vector_load %arg15[%swap3A_486, %swap3A_487] {strides = array<i32>} : memref<4x80xi32, #tpu.memory_space<vmem>>, vector<1x16xi32>,
        %swap3A_489 = vector.shape_cast %swap3A_488 : vector<1x16xi32> to vector<16xi32>
        %swap3A_490 = vector.shape_cast %add3A_484 : vector<16xi32> to vector<1x16xi32>
        tpu.vector_store %arg15[%swap3A_486, %swap3A_487], %swap3A_490 {strides = array<i32>} : memref<4x80xi32, #tpu.memory_space<vmem>>, vector<1x16xi32>,
        %add3A_491 = arith.constant 48 : i32
        %add3A_492 = arith.addi %mul3A_460, %add3A_491 : i32
        %add3A_493 = vector.broadcast %add3A_492 : i32 to vector<16xi32>
        %add3A_494 = arith.addi %add3A_493, %iota3A : vector<16xi32>
        %swap3A_495 = arith.constant 1 : i32
        %swap3A_496 = arith.index_cast %swap3A_495 : i32 to index
        %swap3A_497 = arith.constant 48 : index
        %swap3A_498 = tpu.vector_load %arg15[%swap3A_496, %swap3A_497] {strides = array<i32>} : memref<4x80xi32, #tpu.memory_space<vmem>>, vector<1x16xi32>,
        %swap3A_499 = vector.shape_cast %swap3A_498 : vector<1x16xi32> to vector<16xi32>
        %swap3A_500 = vector.shape_cast %add3A_494 : vector<16xi32> to vector<1x16xi32>
        tpu.vector_store %arg15[%swap3A_496, %swap3A_497], %swap3A_500 {strides = array<i32>} : memref<4x80xi32, #tpu.memory_space<vmem>>, vector<1x16xi32>,
        %add3A_501 = arith.constant 64 : i32
        %add3A_502 = arith.addi %mul3A_460, %add3A_501 : i32
        %add3A_503 = vector.broadcast %add3A_502 : i32 to vector<16xi32>
        %add3A_504 = arith.addi %add3A_503, %iota3A : vector<16xi32>
        %swap3A_505 = arith.constant 1 : i32
        %swap3A_506 = arith.index_cast %swap3A_505 : i32 to index
        %swap3A_507 = arith.constant 64 : index
        %swap3A_508 = tpu.vector_load %arg15[%swap3A_506, %swap3A_507] {strides = array<i32>} : memref<4x80xi32, #tpu.memory_space<vmem>>, vector<1x16xi32>,
        %swap3A_509 = vector.shape_cast %swap3A_508 : vector<1x16xi32> to vector<16xi32>
        %swap3A_510 = vector.shape_cast %add3A_504 : vector<16xi32> to vector<1x16xi32>
        tpu.vector_store %arg15[%swap3A_506, %swap3A_507], %swap3A_510 {strides = array<i32>} : memref<4x80xi32, #tpu.memory_space<vmem>>, vector<1x16xi32>,
        %eq3A_511 = arith.constant 0 : i32
        %eq3A_512 = arith.cmpi eq, %arg0, %eq3A_511 : i32
        %convert_element_type3A_513 = arith.extui %eq3A_512 : i1 to i32
        %cond3A_514 = arith.constant 0 : i32
        %cond3A_515 = arith.cmpi ne, %convert_element_type3A_513, %cond3A_514 : i32
        scf.if %cond3A_515 {
          %dma_start3A_521 = arith.constant 1 : i32
          %dma_start3A_522 = arith.constant 0 : i32
          %dma_start3A_523 = tpu.memref_slice %arg15[%dma_start3A_521, %dma_start3A_522] : memref<4x80xi32, #tpu.memory_space<vmem>> -> memref<1x80xi32, #tpu.memory_space<vmem>>
          %dma_start3A_524 = tpu.memref_squeeze %dma_start3A_523 : memref<1x80xi32, #tpu.memory_space<vmem>> -> memref<80xi32, #tpu.memory_space<vmem>>
          %dma_start3A_525 = arith.constant 0 : i32
          %dma_start3A_526 = arith.constant 0 : i32
          %dma_start3A_527 = tpu.memref_slice %arg8[%dma_start3A_525, %dma_start3A_526] : memref<160000x128xf32, #tpu.memory_space<hbm>> -> memref<160000x128xf32, #tpu.memory_space<hbm>>
          tpu.enqueue_indirect_dma source(%dma_start3A_527 : memref<160000x128xf32, #tpu.memory_space<hbm>>) target(%arg17 : memref<80x128xf32, #tpu.memory_space<vmem>>) offsets(%dma_start3A_524 : memref<80xi32, #tpu.memory_space<vmem>>) semaphore(%arg26 : memref<!tpu.dma_semaphore, #tpu.memory_space<semaphore_mem>>) {add = true}
        } else {
        }
        %eq3A_516 = arith.constant 1 : i32
        %eq3A_517 = arith.cmpi eq, %arg0, %eq3A_516 : i32
        %convert_element_type3A_518 = arith.extui %eq3A_517 : i1 to i32
        %cond3A_519 = arith.constant 0 : i32
        %cond3A_520 = arith.cmpi ne, %convert_element_type3A_518, %cond3A_519 : i32
        scf.if %cond3A_520 {
          %dma_start3A_521 = arith.constant 1 : i32
          %dma_start3A_522 = arith.constant 0 : i32
          %dma_start3A_523 = tpu.memref_slice %arg15[%dma_start3A_521, %dma_start3A_522] : memref<4x80xi32, #tpu.memory_space<vmem>> -> memref<1x80xi32, #tpu.memory_space<vmem>>
          %dma_start3A_524 = tpu.memref_squeeze %dma_start3A_523 : memref<1x80xi32, #tpu.memory_space<vmem>> -> memref<80xi32, #tpu.memory_space<vmem>>
          %dma_start3A_525 = arith.constant 0 : i32
          %dma_start3A_526 = arith.constant 0 : i32
          %dma_start3A_527 = tpu.memref_slice %arg9[%dma_start3A_525, %dma_start3A_526] : memref<160000x128xf32, #tpu.memory_space<hbm>> -> memref<160000x128xf32, #tpu.memory_space<hbm>>
          tpu.enqueue_indirect_dma source(%dma_start3A_527 : memref<160000x128xf32, #tpu.memory_space<hbm>>) target(%arg17 : memref<80x128xf32, #tpu.memory_space<vmem>>) offsets(%dma_start3A_524 : memref<80xi32, #tpu.memory_space<vmem>>) semaphore(%arg26 : memref<!tpu.dma_semaphore, #tpu.memory_space<semaphore_mem>>) {add = true}
        } else {
        }
      } else {
      }
      %mul3A_337 = arith.constant 4 : i32
      %mul3A_338 = arith.muli %mul3A_337, %scan3A_301 : i32
      %add3A_339 = arith.constant 1 : i32
      %add3A_340 = arith.addi %mul3A_338, %add3A_339 : i32
      %add3A_341 = arith.constant 1 : i32
      %add3A_342 = arith.addi %add3A_340, %add3A_341 : i32
      %lt3A_343 = arith.constant 125 : i32
      %lt3A_344 = arith.cmpi slt, %add3A_342, %lt3A_343 : i32
      %convert_element_type3A_345 = arith.extui %lt3A_344 : i1 to i32
      %cond3A_346 = arith.constant 0 : i32
      %cond3A_347 = arith.cmpi ne, %convert_element_type3A_345, %cond3A_346 : i32
      scf.if %cond3A_347 {
        %dma_wait3A_448 = arith.constant 0 : i32
        %dma_wait3A_449 = arith.constant 0 : i32
        %dma_wait3A_450 = tpu.memref_slice %arg10[%dma_wait3A_448, %dma_wait3A_449] : memref<10000x128xf32, #tpu.memory_space<hbm>> -> memref<80x128xf32, #tpu.memory_space<hbm>>
        %dma_wait3A_451 = arith.constant 0 : i32
        %dma_wait3A_452 = arith.constant 0 : i32
        %dma_wait3A_453 = tpu.memref_slice %arg10[%dma_wait3A_451, %dma_wait3A_452] : memref<10000x128xf32, #tpu.memory_space<hbm>> -> memref<80x128xf32, #tpu.memory_space<hbm>>
        tpu.wait_dma2 semaphore(%arg27 : memref<!tpu.dma_semaphore, #tpu.memory_space<semaphore_mem>>) src(%dma_wait3A_453 : memref<80x128xf32, #tpu.memory_space<hbm>>) dst(%arg18 : memref<80x128xf32, #tpu.memory_space<vmem>>)
        %eq3A_454 = arith.constant 0 : i32
        %eq3A_455 = arith.cmpi eq, %arg0, %eq3A_454 : i32
        %convert_element_type3A_456 = arith.extui %eq3A_455 : i1 to i32
        %cond3A_457 = arith.constant 0 : i32
        %cond3A_458 = arith.cmpi ne, %convert_element_type3A_456, %cond3A_457 : i32
        scf.if %cond3A_458 {
          %dma_start3A_464 = arith.constant 2 : i32
          %dma_start3A_465 = arith.constant 0 : i32
          %dma_start3A_466 = tpu.memref_slice %arg14[%dma_start3A_464, %dma_start3A_465] : memref<4x80xi32, #tpu.memory_space<vmem>> -> memref<1x80xi32, #tpu.memory_space<vmem>>
          %dma_start3A_467 = tpu.memref_squeeze %dma_start3A_466 : memref<1x80xi32, #tpu.memory_space<vmem>> -> memref<80xi32, #tpu.memory_space<vmem>>
          %dma_start3A_468 = arith.constant 0 : i32
          %dma_start3A_469 = arith.constant 0 : i32
          %dma_start3A_470 = tpu.memref_slice %arg6[%dma_start3A_468, %dma_start3A_469] : memref<10000x128xf32, #tpu.memory_space<hbm>> -> memref<10000x128xf32, #tpu.memory_space<hbm>>
          tpu.enqueue_indirect_dma source(%dma_start3A_470 : memref<10000x128xf32, #tpu.memory_space<hbm>>) target(%arg18 : memref<80x128xf32, #tpu.memory_space<vmem>>) offsets(%dma_start3A_467 : memref<80xi32, #tpu.memory_space<vmem>>) semaphore(%arg27 : memref<!tpu.dma_semaphore, #tpu.memory_space<semaphore_mem>>) {add = true}
        } else {
        }
        %eq3A_459 = arith.constant 1 : i32
        %eq3A_460 = arith.cmpi eq, %arg0, %eq3A_459 : i32
        %convert_element_type3A_461 = arith.extui %eq3A_460 : i1 to i32
        %cond3A_462 = arith.constant 0 : i32
        %cond3A_463 = arith.cmpi ne, %convert_element_type3A_461, %cond3A_462 : i32
        scf.if %cond3A_463 {
          %dma_start3A_464 = arith.constant 2 : i32
          %dma_start3A_465 = arith.constant 0 : i32
          %dma_start3A_466 = tpu.memref_slice %arg14[%dma_start3A_464, %dma_start3A_465] : memref<4x80xi32, #tpu.memory_space<vmem>> -> memref<1x80xi32, #tpu.memory_space<vmem>>
          %dma_start3A_467 = tpu.memref_squeeze %dma_start3A_466 : memref<1x80xi32, #tpu.memory_space<vmem>> -> memref<80xi32, #tpu.memory_space<vmem>>
          %dma_start3A_468 = arith.constant 0 : i32
          %dma_start3A_469 = arith.constant 0 : i32
          %dma_start3A_470 = tpu.memref_slice %arg7[%dma_start3A_468, %dma_start3A_469] : memref<10000x128xf32, #tpu.memory_space<hbm>> -> memref<10000x128xf32, #tpu.memory_space<hbm>>
          tpu.enqueue_indirect_dma source(%dma_start3A_470 : memref<10000x128xf32, #tpu.memory_space<hbm>>) target(%arg18 : memref<80x128xf32, #tpu.memory_space<vmem>>) offsets(%dma_start3A_467 : memref<80xi32, #tpu.memory_space<vmem>>) semaphore(%arg27 : memref<!tpu.dma_semaphore, #tpu.memory_space<semaphore_mem>>) {add = true}
        } else {
        }
      } else {
      }
      %add3A_348 = arith.constant 2 : i32
      %add3A_349 = arith.addi %add3A_340, %add3A_348 : i32
      %lt3A_350 = arith.constant 125 : i32
      %lt3A_351 = arith.cmpi slt, %add3A_349, %lt3A_350 : i32
      %convert_element_type3A_352 = arith.extui %lt3A_351 : i1 to i32
      %cond3A_353 = arith.constant 0 : i32
      %cond3A_354 = arith.cmpi ne, %convert_element_type3A_352, %cond3A_353 : i32
      scf.if %cond3A_354 {
        %dma_wait3A_448 = arith.constant 0 : i32
        %dma_wait3A_449 = arith.constant 3 : i32
        %dma_wait3A_450 = arith.constant 0 : i32
        %dma_wait3A_451 = tpu.memref_slice %arg13[%dma_wait3A_449, %dma_wait3A_450] : memref<4x80xi32, #tpu.memory_space<vmem>> -> memref<1x80xi32, #tpu.memory_space<vmem>>
        %dma_wait3A_452 = tpu.memref_squeeze %dma_wait3A_451 : memref<1x80xi32, #tpu.memory_space<vmem>> -> memref<80xi32, #tpu.memory_space<vmem>>
        %dma_wait3A_453 = arith.constant 0 : i32
        %dma_wait3A_454 = tpu.memref_slice %arg2[%dma_wait3A_448, %dma_wait3A_453] : memref<2000x80xi32, #tpu.memory_space<hbm>> -> memref<1x80xi32, #tpu.memory_space<hbm>>
        %dma_wait3A_455 = tpu.memref_squeeze %dma_wait3A_454 : memref<1x80xi32, #tpu.memory_space<hbm>> -> memref<80xi32, #tpu.memory_space<hbm>>
        %dma_wait3A_456 = arith.constant 0 : i32
        %dma_wait3A_457 = tpu.memref_slice %arg13[%dma_wait3A_449, %dma_wait3A_456] : memref<4x80xi32, #tpu.memory_space<vmem>> -> memref<1x80xi32, #tpu.memory_space<vmem>>
        %dma_wait3A_458 = tpu.memref_squeeze %dma_wait3A_457 : memref<1x80xi32, #tpu.memory_space<vmem>> -> memref<80xi32, #tpu.memory_space<vmem>>
        %dma_wait3A_459 = arith.constant 0 : i32
        %dma_wait3A_460 = tpu.memref_slice %arg2[%dma_wait3A_448, %dma_wait3A_459] : memref<2000x80xi32, #tpu.memory_space<hbm>> -> memref<1x80xi32, #tpu.memory_space<hbm>>
        %dma_wait3A_461 = tpu.memref_squeeze %dma_wait3A_460 : memref<1x80xi32, #tpu.memory_space<hbm>> -> memref<80xi32, #tpu.memory_space<hbm>>
        tpu.wait_dma2 semaphore(%arg24 : memref<!tpu.dma_semaphore, #tpu.memory_space<semaphore_mem>>) src(%dma_wait3A_461 : memref<80xi32, #tpu.memory_space<hbm>>) dst(%dma_wait3A_458 : memref<80xi32, #tpu.memory_space<vmem>>)
        %dma_wait3A_462 = arith.constant 0 : i32
        %dma_wait3A_463 = arith.constant 3 : i32
        %dma_wait3A_464 = arith.constant 0 : i32
        %dma_wait3A_465 = tpu.memref_slice %arg14[%dma_wait3A_463, %dma_wait3A_464] : memref<4x80xi32, #tpu.memory_space<vmem>> -> memref<1x80xi32, #tpu.memory_space<vmem>>
        %dma_wait3A_466 = tpu.memref_squeeze %dma_wait3A_465 : memref<1x80xi32, #tpu.memory_space<vmem>> -> memref<80xi32, #tpu.memory_space<vmem>>
        %dma_wait3A_467 = arith.constant 0 : i32
        %dma_wait3A_468 = tpu.memref_slice %arg3[%dma_wait3A_462, %dma_wait3A_467] : memref<2000x80xi32, #tpu.memory_space<hbm>> -> memref<1x80xi32, #tpu.memory_space<hbm>>
        %dma_wait3A_469 = tpu.memref_squeeze %dma_wait3A_468 : memref<1x80xi32, #tpu.memory_space<hbm>> -> memref<80xi32, #tpu.memory_space<hbm>>
        %dma_wait3A_470 = arith.constant 0 : i32
        %dma_wait3A_471 = tpu.memref_slice %arg14[%dma_wait3A_463, %dma_wait3A_470] : memref<4x80xi32, #tpu.memory_space<vmem>> -> memref<1x80xi32, #tpu.memory_space<vmem>>
        %dma_wait3A_472 = tpu.memref_squeeze %dma_wait3A_471 : memref<1x80xi32, #tpu.memory_space<vmem>> -> memref<80xi32, #tpu.memory_space<vmem>>
        %dma_wait3A_473 = arith.constant 0 : i32
        %dma_wait3A_474 = tpu.memref_slice %arg3[%dma_wait3A_462, %dma_wait3A_473] : memref<2000x80xi32, #tpu.memory_space<hbm>> -> memref<1x80xi32, #tpu.memory_space<hbm>>
        %dma_wait3A_475 = tpu.memref_squeeze %dma_wait3A_474 : memref<1x80xi32, #tpu.memory_space<hbm>> -> memref<80xi32, #tpu.memory_space<hbm>>
        tpu.wait_dma2 semaphore(%arg24 : memref<!tpu.dma_semaphore, #tpu.memory_space<semaphore_mem>>) src(%dma_wait3A_475 : memref<80xi32, #tpu.memory_space<hbm>>) dst(%dma_wait3A_472 : memref<80xi32, #tpu.memory_space<vmem>>)
        %eq3A_476 = arith.constant 0 : i32
        %eq3A_477 = arith.cmpi eq, %arg0, %eq3A_476 : i32
        %convert_element_type3A_478 = arith.extui %eq3A_477 : i1 to i32
        %cond3A_479 = arith.constant 0 : i32
        %cond3A_480 = arith.cmpi ne, %convert_element_type3A_478, %cond3A_479 : i32
        scf.if %cond3A_480 {
          %dma_start3A_486 = arith.constant 3 : i32
          %dma_start3A_487 = arith.constant 0 : i32
          %dma_start3A_488 = tpu.memref_slice %arg13[%dma_start3A_486, %dma_start3A_487] : memref<4x80xi32, #tpu.memory_space<vmem>> -> memref<1x80xi32, #tpu.memory_space<vmem>>
          %dma_start3A_489 = tpu.memref_squeeze %dma_start3A_488 : memref<1x80xi32, #tpu.memory_space<vmem>> -> memref<80xi32, #tpu.memory_space<vmem>>
          %dma_start3A_490 = arith.constant 0 : i32
          %dma_start3A_491 = arith.constant 0 : i32
          %dma_start3A_492 = tpu.memref_slice %arg4[%dma_start3A_490, %dma_start3A_491] : memref<10000x128xf32, #tpu.memory_space<hbm>> -> memref<10000x128xf32, #tpu.memory_space<hbm>>
          tpu.enqueue_indirect_dma source(%dma_start3A_492 : memref<10000x128xf32, #tpu.memory_space<hbm>>) target(%arg19 : memref<80x128xf32, #tpu.memory_space<vmem>>) offsets(%dma_start3A_489 : memref<80xi32, #tpu.memory_space<vmem>>) semaphore(%arg28 : memref<!tpu.dma_semaphore, #tpu.memory_space<semaphore_mem>>)
        } else {
        }
        %eq3A_481 = arith.constant 1 : i32
        %eq3A_482 = arith.cmpi eq, %arg0, %eq3A_481 : i32
        %convert_element_type3A_483 = arith.extui %eq3A_482 : i1 to i32
        %cond3A_484 = arith.constant 0 : i32
        %cond3A_485 = arith.cmpi ne, %convert_element_type3A_483, %cond3A_484 : i32
        scf.if %cond3A_485 {
          %dma_start3A_486 = arith.constant 3 : i32
          %dma_start3A_487 = arith.constant 0 : i32
          %dma_start3A_488 = tpu.memref_slice %arg13[%dma_start3A_486, %dma_start3A_487] : memref<4x80xi32, #tpu.memory_space<vmem>> -> memref<1x80xi32, #tpu.memory_space<vmem>>
          %dma_start3A_489 = tpu.memref_squeeze %dma_start3A_488 : memref<1x80xi32, #tpu.memory_space<vmem>> -> memref<80xi32, #tpu.memory_space<vmem>>
          %dma_start3A_490 = arith.constant 0 : i32
          %dma_start3A_491 = arith.constant 0 : i32
          %dma_start3A_492 = tpu.memref_slice %arg5[%dma_start3A_490, %dma_start3A_491] : memref<10000x128xf32, #tpu.memory_space<hbm>> -> memref<10000x128xf32, #tpu.memory_space<hbm>>
          tpu.enqueue_indirect_dma source(%dma_start3A_492 : memref<10000x128xf32, #tpu.memory_space<hbm>>) target(%arg19 : memref<80x128xf32, #tpu.memory_space<vmem>>) offsets(%dma_start3A_489 : memref<80xi32, #tpu.memory_space<vmem>>) semaphore(%arg28 : memref<!tpu.dma_semaphore, #tpu.memory_space<semaphore_mem>>)
        } else {
        }
      } else {
      }
      %add3A_355 = arith.constant 3 : i32
      %add3A_356 = arith.addi %add3A_340, %add3A_355 : i32
      %lt3A_357 = arith.constant 125 : i32
      %lt3A_358 = arith.cmpi slt, %add3A_356, %lt3A_357 : i32
      %convert_element_type3A_359 = arith.extui %lt3A_358 : i1 to i32
      %cond3A_360 = arith.constant 0 : i32
      %cond3A_361 = arith.cmpi ne, %convert_element_type3A_359, %cond3A_360 : i32
      scf.if %cond3A_361 {
        %ge3A = arith.constant 1 : i32
        %ge3A_448 = arith.cmpi sge, %add3A_340, %ge3A : i32
        %convert_element_type3A_449 = arith.extui %ge3A_448 : i1 to i32
        %cond3A_450 = arith.constant 0 : i32
        %cond3A_451 = arith.cmpi ne, %convert_element_type3A_449, %cond3A_450 : i32
        scf.if %cond3A_451 {
          %mul3A_483 = arith.constant 128 : i32
          %mul3A_484 = arith.muli %arg0, %mul3A_483 : i32
          %dma_wait3A_485 = arith.constant 0 : i32
          %dma_wait3A_486 = tpu.memref_slice %arg11[%dma_wait3A_485, %mul3A_484] : memref<160000x256xf32, #tpu.memory_space<hbm>> -> memref<80x128xf32, #tpu.memory_space<hbm>>
          %dma_wait3A_487 = arith.constant 0 : i32
          %dma_wait3A_488 = tpu.memref_slice %arg11[%dma_wait3A_487, %mul3A_484] : memref<160000x256xf32, #tpu.memory_space<hbm>> -> memref<80x128xf32, #tpu.memory_space<hbm>>
          tpu.wait_dma2 semaphore(%arg29 : memref<!tpu.dma_semaphore, #tpu.memory_space<semaphore_mem>>) src(%arg16 : memref<80x128xf32, #tpu.memory_space<vmem>>) dst(%dma_wait3A_488 : memref<80x128xf32, #tpu.memory_space<hbm>>)
          %dma_wait3A_489 = arith.constant 0 : i32
          %dma_wait3A_490 = arith.constant 0 : i32
          %dma_wait3A_491 = tpu.memref_slice %arg10[%dma_wait3A_489, %dma_wait3A_490] : memref<10000x128xf32, #tpu.memory_space<hbm>> -> memref<80x128xf32, #tpu.memory_space<hbm>>
          %dma_wait3A_492 = arith.constant 0 : i32
          %dma_wait3A_493 = arith.constant 0 : i32
          %dma_wait3A_494 = tpu.memref_slice %arg10[%dma_wait3A_492, %dma_wait3A_493] : memref<10000x128xf32, #tpu.memory_space<hbm>> -> memref<80x128xf32, #tpu.memory_space<hbm>>
          tpu.wait_dma2 semaphore(%arg33 : memref<!tpu.dma_semaphore, #tpu.memory_space<semaphore_mem>>) src(%dma_wait3A_494 : memref<80x128xf32, #tpu.memory_space<hbm>>) dst(%arg16 : memref<80x128xf32, #tpu.memory_space<vmem>>)
        } else {
        }
        %add3A_452 = arith.constant 3 : i32
        %add3A_453 = arith.addi %add3A_340, %add3A_452 : i32
        %mul3A_454 = arith.constant 16 : i32
        %mul3A_455 = arith.muli %mul3A_454, %add3A_453 : i32
        %add3A_456 = arith.addi %arg1, %mul3A_455 : i32
        %dma_start3A_457 = arith.constant 0 : i32
        %dma_start3A_458 = arith.constant 0 : i32
        %dma_start3A_459 = tpu.memref_slice %arg13[%dma_start3A_457, %dma_start3A_458] : memref<4x80xi32, #tpu.memory_space<vmem>> -> memref<1x80xi32, #tpu.memory_space<vmem>>
        %dma_start3A_460 = tpu.memref_squeeze %dma_start3A_459 : memref<1x80xi32, #tpu.memory_space<vmem>> -> memref<80xi32, #tpu.memory_space<vmem>>
        %dma_start3A_461 = arith.constant 0 : i32
        %dma_start3A_462 = tpu.memref_slice %arg2[%add3A_456, %dma_start3A_461] : memref<2000x80xi32, #tpu.memory_space<hbm>> -> memref<1x80xi32, #tpu.memory_space<hbm>>
        %dma_start3A_463 = tpu.memref_squeeze %dma_start3A_462 : memref<1x80xi32, #tpu.memory_space<hbm>> -> memref<80xi32, #tpu.memory_space<hbm>>
        %dma_start3A_464 = arith.constant 0 : i32
        %dma_start3A_465 = tpu.memref_slice %arg13[%dma_start3A_457, %dma_start3A_464] : memref<4x80xi32, #tpu.memory_space<vmem>> -> memref<1x80xi32, #tpu.memory_space<vmem>>
        %dma_start3A_466 = tpu.memref_squeeze %dma_start3A_465 : memref<1x80xi32, #tpu.memory_space<vmem>> -> memref<80xi32, #tpu.memory_space<vmem>>
        %dma_start3A_467 = arith.constant 0 : i32
        %dma_start3A_468 = tpu.memref_slice %arg2[%add3A_456, %dma_start3A_467] : memref<2000x80xi32, #tpu.memory_space<hbm>> -> memref<1x80xi32, #tpu.memory_space<hbm>>
        %dma_start3A_469 = tpu.memref_squeeze %dma_start3A_468 : memref<1x80xi32, #tpu.memory_space<hbm>> -> memref<80xi32, #tpu.memory_space<hbm>>
        tpu.enqueue_dma source(%dma_start3A_469 : memref<80xi32, #tpu.memory_space<hbm>>) target(%dma_start3A_466 : memref<80xi32, #tpu.memory_space<vmem>>) target_semaphore(%arg21 : memref<!tpu.dma_semaphore, #tpu.memory_space<semaphore_mem>>)
        %dma_start3A_470 = arith.constant 0 : i32
        %dma_start3A_471 = arith.constant 0 : i32
        %dma_start3A_472 = tpu.memref_slice %arg14[%dma_start3A_470, %dma_start3A_471] : memref<4x80xi32, #tpu.memory_space<vmem>> -> memref<1x80xi32, #tpu.memory_space<vmem>>
        %dma_start3A_473 = tpu.memref_squeeze %dma_start3A_472 : memref<1x80xi32, #tpu.memory_space<vmem>> -> memref<80xi32, #tpu.memory_space<vmem>>
        %dma_start3A_474 = arith.constant 0 : i32
        %dma_start3A_475 = tpu.memref_slice %arg3[%add3A_456, %dma_start3A_474] : memref<2000x80xi32, #tpu.memory_space<hbm>> -> memref<1x80xi32, #tpu.memory_space<hbm>>
        %dma_start3A_476 = tpu.memref_squeeze %dma_start3A_475 : memref<1x80xi32, #tpu.memory_space<hbm>> -> memref<80xi32, #tpu.memory_space<hbm>>
        %dma_start3A_477 = arith.constant 0 : i32
        %dma_start3A_478 = tpu.memref_slice %arg14[%dma_start3A_470, %dma_start3A_477] : memref<4x80xi32, #tpu.memory_space<vmem>> -> memref<1x80xi32, #tpu.memory_space<vmem>>
        %dma_start3A_479 = tpu.memref_squeeze %dma_start3A_478 : memref<1x80xi32, #tpu.memory_space<vmem>> -> memref<80xi32, #tpu.memory_space<vmem>>
        %dma_start3A_480 = arith.constant 0 : i32
        %dma_start3A_481 = tpu.memref_slice %arg3[%add3A_456, %dma_start3A_480] : memref<2000x80xi32, #tpu.memory_space<hbm>> -> memref<1x80xi32, #tpu.memory_space<hbm>>
        %dma_start3A_482 = tpu.memref_squeeze %dma_start3A_481 : memref<1x80xi32, #tpu.memory_space<hbm>> -> memref<80xi32, #tpu.memory_space<hbm>>
        tpu.enqueue_dma source(%dma_start3A_482 : memref<80xi32, #tpu.memory_space<hbm>>) target(%dma_start3A_479 : memref<80xi32, #tpu.memory_space<vmem>>) target_semaphore(%arg21 : memref<!tpu.dma_semaphore, #tpu.memory_space<semaphore_mem>>)
      } else {
      }
      %lt3A_362 = arith.constant 125 : i32
      %lt3A_363 = arith.cmpi slt, %add3A_340, %lt3A_362 : i32
      %convert_element_type3A_364 = arith.extui %lt3A_363 : i1 to i32
      %cond3A_365 = arith.constant 0 : i32
      %cond3A_366 = arith.cmpi ne, %convert_element_type3A_364, %cond3A_365 : i32
      scf.if %cond3A_366 {
        %dma_wait3A_448 = arith.constant 0 : i32
        %dma_wait3A_449 = arith.constant 0 : i32
        %dma_wait3A_450 = tpu.memref_slice %arg10[%dma_wait3A_448, %dma_wait3A_449] : memref<10000x128xf32, #tpu.memory_space<hbm>> -> memref<80x128xf32, #tpu.memory_space<hbm>>
        %dma_wait3A_451 = arith.constant 0 : i32
        %dma_wait3A_452 = arith.constant 0 : i32
        %dma_wait3A_453 = tpu.memref_slice %arg10[%dma_wait3A_451, %dma_wait3A_452] : memref<10000x128xf32, #tpu.memory_space<hbm>> -> memref<80x128xf32, #tpu.memory_space<hbm>>
        tpu.wait_dma2 semaphore(%arg26 : memref<!tpu.dma_semaphore, #tpu.memory_space<semaphore_mem>>) src(%dma_wait3A_453 : memref<80x128xf32, #tpu.memory_space<hbm>>) dst(%arg17 : memref<80x128xf32, #tpu.memory_space<vmem>>)
        %scan3A_454 = arith.constant 0 : i32
        %scan3A_455 = arith.constant 0 : i32
        %scan3A_456 = arith.constant 80 : i32
        %scan3A_457 = arith.addi %scan3A_455, %scan3A_456 : i32
        %scan3A_458 = arith.constant 2 : i32
        scf.for %scan3A_476 = %scan3A_455 to %scan3A_457 step %scan3A_458  : i32 {
          %get3A = arith.index_cast %scan3A_476 : i32 to index
          %get3A_477 = arith.constant 0 : index
          %get3A_478 = tpu.vector_load %arg17[%get3A, %get3A_477] {strides = array<i32>} : memref<80x128xf32, #tpu.memory_space<vmem>>, vector<1x16xf32>,
          %get3A_479 = vector.shape_cast %get3A_478 : vector<1x16xf32> to vector<16xf32>
          %max3A = arith.constant 0.000000e+00 : f32
          %max3A_480 = vector.broadcast %max3A : f32 to vector<16xf32>
          %max3A_481 = arith.maximumf %get3A_479, %max3A_480 : vector<16xf32>
          %swap3A_482 = arith.index_cast %scan3A_476 : i32 to index
          %swap3A_483 = arith.constant 0 : index
          %swap3A_484 = tpu.vector_load %arg17[%swap3A_482, %swap3A_483] {strides = array<i32>} : memref<80x128xf32, #tpu.memory_space<vmem>>, vector<1x16xf32>,
          %swap3A_485 = vector.shape_cast %swap3A_484 : vector<1x16xf32> to vector<16xf32>
          %swap3A_486 = vector.shape_cast %max3A_481 : vector<16xf32> to vector<1x16xf32>
          tpu.vector_store %arg17[%swap3A_482, %swap3A_483], %swap3A_486 {strides = array<i32>} : memref<80x128xf32, #tpu.memory_space<vmem>>, vector<1x16xf32>,
          %get3A_487 = arith.index_cast %scan3A_476 : i32 to index
          %get3A_488 = arith.constant 16 : index
          %get3A_489 = tpu.vector_load %arg17[%get3A_487, %get3A_488] {strides = array<i32>} : memref<80x128xf32, #tpu.memory_space<vmem>>, vector<1x16xf32>,
          %get3A_490 = vector.shape_cast %get3A_489 : vector<1x16xf32> to vector<16xf32>
          %max3A_491 = arith.constant 0.000000e+00 : f32
          %max3A_492 = vector.broadcast %max3A_491 : f32 to vector<16xf32>
          %max3A_493 = arith.maximumf %get3A_490, %max3A_492 : vector<16xf32>
          %swap3A_494 = arith.index_cast %scan3A_476 : i32 to index
          %swap3A_495 = arith.constant 16 : index
          %swap3A_496 = tpu.vector_load %arg17[%swap3A_494, %swap3A_495] {strides = array<i32>} : memref<80x128xf32, #tpu.memory_space<vmem>>, vector<1x16xf32>,
          %swap3A_497 = vector.shape_cast %swap3A_496 : vector<1x16xf32> to vector<16xf32>
          %swap3A_498 = vector.shape_cast %max3A_493 : vector<16xf32> to vector<1x16xf32>
          tpu.vector_store %arg17[%swap3A_494, %swap3A_495], %swap3A_498 {strides = array<i32>} : memref<80x128xf32, #tpu.memory_space<vmem>>, vector<1x16xf32>,
          %get3A_499 = arith.index_cast %scan3A_476 : i32 to index
          %get3A_500 = arith.constant 32 : index
          %get3A_501 = tpu.vector_load %arg17[%get3A_499, %get3A_500] {strides = array<i32>} : memref<80x128xf32, #tpu.memory_space<vmem>>, vector<1x16xf32>,
          %get3A_502 = vector.shape_cast %get3A_501 : vector<1x16xf32> to vector<16xf32>
          %max3A_503 = arith.constant 0.000000e+00 : f32
          %max3A_504 = vector.broadcast %max3A_503 : f32 to vector<16xf32>
          %max3A_505 = arith.maximumf %get3A_502, %max3A_504 : vector<16xf32>
          %swap3A_506 = arith.index_cast %scan3A_476 : i32 to index
          %swap3A_507 = arith.constant 32 : index
          %swap3A_508 = tpu.vector_load %arg17[%swap3A_506, %swap3A_507] {strides = array<i32>} : memref<80x128xf32, #tpu.memory_space<vmem>>, vector<1x16xf32>,
          %swap3A_509 = vector.shape_cast %swap3A_508 : vector<1x16xf32> to vector<16xf32>
          %swap3A_510 = vector.shape_cast %max3A_505 : vector<16xf32> to vector<1x16xf32>
          tpu.vector_store %arg17[%swap3A_506, %swap3A_507], %swap3A_510 {strides = array<i32>} : memref<80x128xf32, #tpu.memory_space<vmem>>, vector<1x16xf32>,
          %get3A_511 = arith.index_cast %scan3A_476 : i32 to index
          %get3A_512 = arith.constant 48 : index
          %get3A_513 = tpu.vector_load %arg17[%get3A_511, %get3A_512] {strides = array<i32>} : memref<80x128xf32, #tpu.memory_space<vmem>>, vector<1x16xf32>,
          %get3A_514 = vector.shape_cast %get3A_513 : vector<1x16xf32> to vector<16xf32>
          %max3A_515 = arith.constant 0.000000e+00 : f32
          %max3A_516 = vector.broadcast %max3A_515 : f32 to vector<16xf32>
          %max3A_517 = arith.maximumf %get3A_514, %max3A_516 : vector<16xf32>
          %swap3A_518 = arith.index_cast %scan3A_476 : i32 to index
          %swap3A_519 = arith.constant 48 : index
          %swap3A_520 = tpu.vector_load %arg17[%swap3A_518, %swap3A_519] {strides = array<i32>} : memref<80x128xf32, #tpu.memory_space<vmem>>, vector<1x16xf32>,
          %swap3A_521 = vector.shape_cast %swap3A_520 : vector<1x16xf32> to vector<16xf32>
          %swap3A_522 = vector.shape_cast %max3A_517 : vector<16xf32> to vector<1x16xf32>
          tpu.vector_store %arg17[%swap3A_518, %swap3A_519], %swap3A_522 {strides = array<i32>} : memref<80x128xf32, #tpu.memory_space<vmem>>, vector<1x16xf32>,
          %get3A_523 = arith.index_cast %scan3A_476 : i32 to index
          %get3A_524 = arith.constant 64 : index
          %get3A_525 = tpu.vector_load %arg17[%get3A_523, %get3A_524] {strides = array<i32>} : memref<80x128xf32, #tpu.memory_space<vmem>>, vector<1x16xf32>,
          %get3A_526 = vector.shape_cast %get3A_525 : vector<1x16xf32> to vector<16xf32>
          %max3A_527 = arith.constant 0.000000e+00 : f32
          %max3A_528 = vector.broadcast %max3A_527 : f32 to vector<16xf32>
          %max3A_529 = arith.maximumf %get3A_526, %max3A_528 : vector<16xf32>
          %swap3A_530 = arith.index_cast %scan3A_476 : i32 to index
          %swap3A_531 = arith.constant 64 : index
          %swap3A_532 = tpu.vector_load %arg17[%swap3A_530, %swap3A_531] {strides = array<i32>} : memref<80x128xf32, #tpu.memory_space<vmem>>, vector<1x16xf32>,
          %swap3A_533 = vector.shape_cast %swap3A_532 : vector<1x16xf32> to vector<16xf32>
          %swap3A_534 = vector.shape_cast %max3A_529 : vector<16xf32> to vector<1x16xf32>
          tpu.vector_store %arg17[%swap3A_530, %swap3A_531], %swap3A_534 {strides = array<i32>} : memref<80x128xf32, #tpu.memory_space<vmem>>, vector<1x16xf32>,
          %get3A_535 = arith.index_cast %scan3A_476 : i32 to index
          %get3A_536 = arith.constant 80 : index
          %get3A_537 = tpu.vector_load %arg17[%get3A_535, %get3A_536] {strides = array<i32>} : memref<80x128xf32, #tpu.memory_space<vmem>>, vector<1x16xf32>,
          %get3A_538 = vector.shape_cast %get3A_537 : vector<1x16xf32> to vector<16xf32>
          %max3A_539 = arith.constant 0.000000e+00 : f32
          %max3A_540 = vector.broadcast %max3A_539 : f32 to vector<16xf32>
          %max3A_541 = arith.maximumf %get3A_538, %max3A_540 : vector<16xf32>
          %swap3A_542 = arith.index_cast %scan3A_476 : i32 to index
          %swap3A_543 = arith.constant 80 : index
          %swap3A_544 = tpu.vector_load %arg17[%swap3A_542, %swap3A_543] {strides = array<i32>} : memref<80x128xf32, #tpu.memory_space<vmem>>, vector<1x16xf32>,
          %swap3A_545 = vector.shape_cast %swap3A_544 : vector<1x16xf32> to vector<16xf32>
          %swap3A_546 = vector.shape_cast %max3A_541 : vector<16xf32> to vector<1x16xf32>
          tpu.vector_store %arg17[%swap3A_542, %swap3A_543], %swap3A_546 {strides = array<i32>} : memref<80x128xf32, #tpu.memory_space<vmem>>, vector<1x16xf32>,
          %get3A_547 = arith.index_cast %scan3A_476 : i32 to index
          %get3A_548 = arith.constant 96 : index
          %get3A_549 = tpu.vector_load %arg17[%get3A_547, %get3A_548] {strides = array<i32>} : memref<80x128xf32, #tpu.memory_space<vmem>>, vector<1x16xf32>,
          %get3A_550 = vector.shape_cast %get3A_549 : vector<1x16xf32> to vector<16xf32>
          %max3A_551 = arith.constant 0.000000e+00 : f32
          %max3A_552 = vector.broadcast %max3A_551 : f32 to vector<16xf32>
          %max3A_553 = arith.maximumf %get3A_550, %max3A_552 : vector<16xf32>
          %swap3A_554 = arith.index_cast %scan3A_476 : i32 to index
          %swap3A_555 = arith.constant 96 : index
          %swap3A_556 = tpu.vector_load %arg17[%swap3A_554, %swap3A_555] {strides = array<i32>} : memref<80x128xf32, #tpu.memory_space<vmem>>, vector<1x16xf32>,
          %swap3A_557 = vector.shape_cast %swap3A_556 : vector<1x16xf32> to vector<16xf32>
          %swap3A_558 = vector.shape_cast %max3A_553 : vector<16xf32> to vector<1x16xf32>
          tpu.vector_store %arg17[%swap3A_554, %swap3A_555], %swap3A_558 {strides = array<i32>} : memref<80x128xf32, #tpu.memory_space<vmem>>, vector<1x16xf32>,
          %get3A_559 = arith.index_cast %scan3A_476 : i32 to index
          %get3A_560 = arith.constant 112 : index
          %get3A_561 = tpu.vector_load %arg17[%get3A_559, %get3A_560] {strides = array<i32>} : memref<80x128xf32, #tpu.memory_space<vmem>>, vector<1x16xf32>,
          %get3A_562 = vector.shape_cast %get3A_561 : vector<1x16xf32> to vector<16xf32>
          %max3A_563 = arith.constant 0.000000e+00 : f32
          %max3A_564 = vector.broadcast %max3A_563 : f32 to vector<16xf32>
          %max3A_565 = arith.maximumf %get3A_562, %max3A_564 : vector<16xf32>
          %swap3A_566 = arith.index_cast %scan3A_476 : i32 to index
          %swap3A_567 = arith.constant 112 : index
          %swap3A_568 = tpu.vector_load %arg17[%swap3A_566, %swap3A_567] {strides = array<i32>} : memref<80x128xf32, #tpu.memory_space<vmem>>, vector<1x16xf32>,
          %swap3A_569 = vector.shape_cast %swap3A_568 : vector<1x16xf32> to vector<16xf32>
          %swap3A_570 = vector.shape_cast %max3A_565 : vector<16xf32> to vector<1x16xf32>
          tpu.vector_store %arg17[%swap3A_566, %swap3A_567], %swap3A_570 {strides = array<i32>} : memref<80x128xf32, #tpu.memory_space<vmem>>, vector<1x16xf32>,
          %scan3A_571 = arith.constant 1 : i32
          %scan3A_572 = arith.addi %scan3A_476, %scan3A_571 : i32
          %get3A_573 = arith.index_cast %scan3A_572 : i32 to index
          %get3A_574 = arith.constant 0 : index
          %get3A_575 = tpu.vector_load %arg17[%get3A_573, %get3A_574] {strides = array<i32>} : memref<80x128xf32, #tpu.memory_space<vmem>>, vector<1x16xf32>,
          %get3A_576 = vector.shape_cast %get3A_575 : vector<1x16xf32> to vector<16xf32>
          %max3A_577 = arith.constant 0.000000e+00 : f32
          %max3A_578 = vector.broadcast %max3A_577 : f32 to vector<16xf32>
          %max3A_579 = arith.maximumf %get3A_576, %max3A_578 : vector<16xf32>
          %swap3A_580 = arith.index_cast %scan3A_572 : i32 to index
          %swap3A_581 = arith.constant 0 : index
          %swap3A_582 = tpu.vector_load %arg17[%swap3A_580, %swap3A_581] {strides = array<i32>} : memref<80x128xf32, #tpu.memory_space<vmem>>, vector<1x16xf32>,
          %swap3A_583 = vector.shape_cast %swap3A_582 : vector<1x16xf32> to vector<16xf32>
          %swap3A_584 = vector.shape_cast %max3A_579 : vector<16xf32> to vector<1x16xf32>
          tpu.vector_store %arg17[%swap3A_580, %swap3A_581], %swap3A_584 {strides = array<i32>} : memref<80x128xf32, #tpu.memory_space<vmem>>, vector<1x16xf32>,
          %get3A_585 = arith.index_cast %scan3A_572 : i32 to index
          %get3A_586 = arith.constant 16 : index
          %get3A_587 = tpu.vector_load %arg17[%get3A_585, %get3A_586] {strides = array<i32>} : memref<80x128xf32, #tpu.memory_space<vmem>>, vector<1x16xf32>,
          %get3A_588 = vector.shape_cast %get3A_587 : vector<1x16xf32> to vector<16xf32>
          %max3A_589 = arith.constant 0.000000e+00 : f32
          %max3A_590 = vector.broadcast %max3A_589 : f32 to vector<16xf32>
          %max3A_591 = arith.maximumf %get3A_588, %max3A_590 : vector<16xf32>
          %swap3A_592 = arith.index_cast %scan3A_572 : i32 to index
          %swap3A_593 = arith.constant 16 : index
          %swap3A_594 = tpu.vector_load %arg17[%swap3A_592, %swap3A_593] {strides = array<i32>} : memref<80x128xf32, #tpu.memory_space<vmem>>, vector<1x16xf32>,
          %swap3A_595 = vector.shape_cast %swap3A_594 : vector<1x16xf32> to vector<16xf32>
          %swap3A_596 = vector.shape_cast %max3A_591 : vector<16xf32> to vector<1x16xf32>
          tpu.vector_store %arg17[%swap3A_592, %swap3A_593], %swap3A_596 {strides = array<i32>} : memref<80x128xf32, #tpu.memory_space<vmem>>, vector<1x16xf32>,
          %get3A_597 = arith.index_cast %scan3A_572 : i32 to index
          %get3A_598 = arith.constant 32 : index
          %get3A_599 = tpu.vector_load %arg17[%get3A_597, %get3A_598] {strides = array<i32>} : memref<80x128xf32, #tpu.memory_space<vmem>>, vector<1x16xf32>,
          %get3A_600 = vector.shape_cast %get3A_599 : vector<1x16xf32> to vector<16xf32>
          %max3A_601 = arith.constant 0.000000e+00 : f32
          %max3A_602 = vector.broadcast %max3A_601 : f32 to vector<16xf32>
          %max3A_603 = arith.maximumf %get3A_600, %max3A_602 : vector<16xf32>
          %swap3A_604 = arith.index_cast %scan3A_572 : i32 to index
          %swap3A_605 = arith.constant 32 : index
          %swap3A_606 = tpu.vector_load %arg17[%swap3A_604, %swap3A_605] {strides = array<i32>} : memref<80x128xf32, #tpu.memory_space<vmem>>, vector<1x16xf32>,
          %swap3A_607 = vector.shape_cast %swap3A_606 : vector<1x16xf32> to vector<16xf32>
          %swap3A_608 = vector.shape_cast %max3A_603 : vector<16xf32> to vector<1x16xf32>
          tpu.vector_store %arg17[%swap3A_604, %swap3A_605], %swap3A_608 {strides = array<i32>} : memref<80x128xf32, #tpu.memory_space<vmem>>, vector<1x16xf32>,
          %get3A_609 = arith.index_cast %scan3A_572 : i32 to index
          %get3A_610 = arith.constant 48 : index
          %get3A_611 = tpu.vector_load %arg17[%get3A_609, %get3A_610] {strides = array<i32>} : memref<80x128xf32, #tpu.memory_space<vmem>>, vector<1x16xf32>,
          %get3A_612 = vector.shape_cast %get3A_611 : vector<1x16xf32> to vector<16xf32>
          %max3A_613 = arith.constant 0.000000e+00 : f32
          %max3A_614 = vector.broadcast %max3A_613 : f32 to vector<16xf32>
          %max3A_615 = arith.maximumf %get3A_612, %max3A_614 : vector<16xf32>
          %swap3A_616 = arith.index_cast %scan3A_572 : i32 to index
          %swap3A_617 = arith.constant 48 : index
          %swap3A_618 = tpu.vector_load %arg17[%swap3A_616, %swap3A_617] {strides = array<i32>} : memref<80x128xf32, #tpu.memory_space<vmem>>, vector<1x16xf32>,
          %swap3A_619 = vector.shape_cast %swap3A_618 : vector<1x16xf32> to vector<16xf32>
          %swap3A_620 = vector.shape_cast %max3A_615 : vector<16xf32> to vector<1x16xf32>
          tpu.vector_store %arg17[%swap3A_616, %swap3A_617], %swap3A_620 {strides = array<i32>} : memref<80x128xf32, #tpu.memory_space<vmem>>, vector<1x16xf32>,
          %get3A_621 = arith.index_cast %scan3A_572 : i32 to index
          %get3A_622 = arith.constant 64 : index
          %get3A_623 = tpu.vector_load %arg17[%get3A_621, %get3A_622] {strides = array<i32>} : memref<80x128xf32, #tpu.memory_space<vmem>>, vector<1x16xf32>,
          %get3A_624 = vector.shape_cast %get3A_623 : vector<1x16xf32> to vector<16xf32>
          %max3A_625 = arith.constant 0.000000e+00 : f32
          %max3A_626 = vector.broadcast %max3A_625 : f32 to vector<16xf32>
          %max3A_627 = arith.maximumf %get3A_624, %max3A_626 : vector<16xf32>
          %swap3A_628 = arith.index_cast %scan3A_572 : i32 to index
          %swap3A_629 = arith.constant 64 : index
          %swap3A_630 = tpu.vector_load %arg17[%swap3A_628, %swap3A_629] {strides = array<i32>} : memref<80x128xf32, #tpu.memory_space<vmem>>, vector<1x16xf32>,
          %swap3A_631 = vector.shape_cast %swap3A_630 : vector<1x16xf32> to vector<16xf32>
          %swap3A_632 = vector.shape_cast %max3A_627 : vector<16xf32> to vector<1x16xf32>
          tpu.vector_store %arg17[%swap3A_628, %swap3A_629], %swap3A_632 {strides = array<i32>} : memref<80x128xf32, #tpu.memory_space<vmem>>, vector<1x16xf32>,
          %get3A_633 = arith.index_cast %scan3A_572 : i32 to index
          %get3A_634 = arith.constant 80 : index
          %get3A_635 = tpu.vector_load %arg17[%get3A_633, %get3A_634] {strides = array<i32>} : memref<80x128xf32, #tpu.memory_space<vmem>>, vector<1x16xf32>,
          %get3A_636 = vector.shape_cast %get3A_635 : vector<1x16xf32> to vector<16xf32>
          %max3A_637 = arith.constant 0.000000e+00 : f32
          %max3A_638 = vector.broadcast %max3A_637 : f32 to vector<16xf32>
          %max3A_639 = arith.maximumf %get3A_636, %max3A_638 : vector<16xf32>
          %swap3A_640 = arith.index_cast %scan3A_572 : i32 to index
          %swap3A_641 = arith.constant 80 : index
          %swap3A_642 = tpu.vector_load %arg17[%swap3A_640, %swap3A_641] {strides = array<i32>} : memref<80x128xf32, #tpu.memory_space<vmem>>, vector<1x16xf32>,
          %swap3A_643 = vector.shape_cast %swap3A_642 : vector<1x16xf32> to vector<16xf32>
          %swap3A_644 = vector.shape_cast %max3A_639 : vector<16xf32> to vector<1x16xf32>
          tpu.vector_store %arg17[%swap3A_640, %swap3A_641], %swap3A_644 {strides = array<i32>} : memref<80x128xf32, #tpu.memory_space<vmem>>, vector<1x16xf32>,
          %get3A_645 = arith.index_cast %scan3A_572 : i32 to index
          %get3A_646 = arith.constant 96 : index
          %get3A_647 = tpu.vector_load %arg17[%get3A_645, %get3A_646] {strides = array<i32>} : memref<80x128xf32, #tpu.memory_space<vmem>>, vector<1x16xf32>,
          %get3A_648 = vector.shape_cast %get3A_647 : vector<1x16xf32> to vector<16xf32>
          %max3A_649 = arith.constant 0.000000e+00 : f32
          %max3A_650 = vector.broadcast %max3A_649 : f32 to vector<16xf32>
          %max3A_651 = arith.maximumf %get3A_648, %max3A_650 : vector<16xf32>
          %swap3A_652 = arith.index_cast %scan3A_572 : i32 to index
          %swap3A_653 = arith.constant 96 : index
          %swap3A_654 = tpu.vector_load %arg17[%swap3A_652, %swap3A_653] {strides = array<i32>} : memref<80x128xf32, #tpu.memory_space<vmem>>, vector<1x16xf32>,
          %swap3A_655 = vector.shape_cast %swap3A_654 : vector<1x16xf32> to vector<16xf32>
          %swap3A_656 = vector.shape_cast %max3A_651 : vector<16xf32> to vector<1x16xf32>
          tpu.vector_store %arg17[%swap3A_652, %swap3A_653], %swap3A_656 {strides = array<i32>} : memref<80x128xf32, #tpu.memory_space<vmem>>, vector<1x16xf32>,
          %get3A_657 = arith.index_cast %scan3A_572 : i32 to index
          %get3A_658 = arith.constant 112 : index
          %get3A_659 = tpu.vector_load %arg17[%get3A_657, %get3A_658] {strides = array<i32>} : memref<80x128xf32, #tpu.memory_space<vmem>>, vector<1x16xf32>,
          %get3A_660 = vector.shape_cast %get3A_659 : vector<1x16xf32> to vector<16xf32>
          %max3A_661 = arith.constant 0.000000e+00 : f32
          %max3A_662 = vector.broadcast %max3A_661 : f32 to vector<16xf32>
          %max3A_663 = arith.maximumf %get3A_660, %max3A_662 : vector<16xf32>
          %swap3A_664 = arith.index_cast %scan3A_572 : i32 to index
          %swap3A_665 = arith.constant 112 : index
          %swap3A_666 = tpu.vector_load %arg17[%swap3A_664, %swap3A_665] {strides = array<i32>} : memref<80x128xf32, #tpu.memory_space<vmem>>, vector<1x16xf32>,
          %swap3A_667 = vector.shape_cast %swap3A_666 : vector<1x16xf32> to vector<16xf32>
          %swap3A_668 = vector.shape_cast %max3A_663 : vector<16xf32> to vector<1x16xf32>
          tpu.vector_store %arg17[%swap3A_664, %swap3A_665], %swap3A_668 {strides = array<i32>} : memref<80x128xf32, #tpu.memory_space<vmem>>, vector<1x16xf32>,
        }
        %scan3A_459 = arith.constant 80 : i32
        %mul3A_460 = arith.constant 16 : i32
        %mul3A_461 = arith.muli %mul3A_460, %add3A_340 : i32
        %add3A_462 = arith.addi %arg1, %mul3A_461 : i32
        %mul3A_463 = arith.constant 80 : i32
        %mul3A_464 = arith.muli %add3A_462, %mul3A_463 : i32
        %mul3A_465 = arith.constant 128 : i32
        %mul3A_466 = arith.muli %arg0, %mul3A_465 : i32
        %dma_start3A_467 = tpu.memref_slice %arg11[%mul3A_464, %mul3A_466] : memref<160000x256xf32, #tpu.memory_space<hbm>> -> memref<80x128xf32, #tpu.memory_space<hbm>>
        %dma_start3A_468 = tpu.memref_slice %arg11[%mul3A_464, %mul3A_466] : memref<160000x256xf32, #tpu.memory_space<hbm>> -> memref<80x128xf32, #tpu.memory_space<hbm>>
        tpu.enqueue_dma source(%arg17 : memref<80x128xf32, #tpu.memory_space<vmem>>) target(%dma_start3A_468 : memref<80x128xf32, #tpu.memory_space<hbm>>) target_semaphore(%arg30 : memref<!tpu.dma_semaphore, #tpu.memory_space<semaphore_mem>>)
        %dma_start3A_469 = arith.constant 1 : i32
        %dma_start3A_470 = arith.constant 0 : i32
        %dma_start3A_471 = tpu.memref_slice %arg14[%dma_start3A_469, %dma_start3A_470] : memref<4x80xi32, #tpu.memory_space<vmem>> -> memref<1x80xi32, #tpu.memory_space<vmem>>
        %dma_start3A_472 = tpu.memref_squeeze %dma_start3A_471 : memref<1x80xi32, #tpu.memory_space<vmem>> -> memref<80xi32, #tpu.memory_space<vmem>>
        %dma_start3A_473 = arith.constant 0 : i32
        %dma_start3A_474 = arith.constant 0 : i32
        %dma_start3A_475 = tpu.memref_slice %arg20[%dma_start3A_473, %dma_start3A_474] : memref<10000x128xf32, #tpu.memory_space<vmem_shared>> -> memref<10000x128xf32, #tpu.memory_space<vmem_shared>>
        tpu.enqueue_indirect_dma source(%arg17 : memref<80x128xf32, #tpu.memory_space<vmem>>) target(%dma_start3A_475 : memref<10000x128xf32, #tpu.memory_space<vmem_shared>>) offsets(%dma_start3A_472 : memref<80xi32, #tpu.memory_space<vmem>>) semaphore(%arg34 : memref<!tpu.dma_semaphore, #tpu.memory_space<semaphore_mem>>) {add = true}
      } else {
      }
      %add3A_367 = arith.constant 1 : i32
      %add3A_368 = arith.addi %add3A_340, %add3A_367 : i32
      %lt3A_369 = arith.constant 125 : i32
      %lt3A_370 = arith.cmpi slt, %add3A_368, %lt3A_369 : i32
      %convert_element_type3A_371 = arith.extui %lt3A_370 : i1 to i32
      %cond3A_372 = arith.constant 0 : i32
      %cond3A_373 = arith.cmpi ne, %convert_element_type3A_371, %cond3A_372 : i32
      scf.if %cond3A_373 {
        %dma_wait3A_448 = arith.constant 0 : i32
        %dma_wait3A_449 = arith.constant 0 : i32
        %dma_wait3A_450 = tpu.memref_slice %arg10[%dma_wait3A_448, %dma_wait3A_449] : memref<10000x128xf32, #tpu.memory_space<hbm>> -> memref<80x128xf32, #tpu.memory_space<hbm>>
        %dma_wait3A_451 = arith.constant 0 : i32
        %dma_wait3A_452 = arith.constant 0 : i32
        %dma_wait3A_453 = tpu.memref_slice %arg10[%dma_wait3A_451, %dma_wait3A_452] : memref<10000x128xf32, #tpu.memory_space<hbm>> -> memref<80x128xf32, #tpu.memory_space<hbm>>
        tpu.wait_dma2 semaphore(%arg27 : memref<!tpu.dma_semaphore, #tpu.memory_space<semaphore_mem>>) src(%dma_wait3A_453 : memref<80x128xf32, #tpu.memory_space<hbm>>) dst(%arg18 : memref<80x128xf32, #tpu.memory_space<vmem>>)
        %add3A_454 = arith.constant 1 : i32
        %add3A_455 = arith.addi %add3A_340, %add3A_454 : i32
        %mul3A_456 = arith.constant 16 : i32
        %mul3A_457 = arith.muli %mul3A_456, %add3A_455 : i32
        %add3A_458 = arith.addi %arg1, %mul3A_457 : i32
        %mul3A_459 = arith.constant 80 : i32
        %mul3A_460 = arith.muli %add3A_458, %mul3A_459 : i32
        %add3A_461 = arith.constant 0 : i32
        %add3A_462 = arith.addi %mul3A_460, %add3A_461 : i32
        %add3A_463 = vector.broadcast %add3A_462 : i32 to vector<16xi32>
        %add3A_464 = arith.addi %add3A_463, %iota3A : vector<16xi32>
        %swap3A_465 = arith.constant 2 : i32
        %swap3A_466 = arith.index_cast %swap3A_465 : i32 to index
        %swap3A_467 = arith.constant 0 : index
        %swap3A_468 = tpu.vector_load %arg15[%swap3A_466, %swap3A_467] {strides = array<i32>} : memref<4x80xi32, #tpu.memory_space<vmem>>, vector<1x16xi32>,
        %swap3A_469 = vector.shape_cast %swap3A_468 : vector<1x16xi32> to vector<16xi32>
        %swap3A_470 = vector.shape_cast %add3A_464 : vector<16xi32> to vector<1x16xi32>
        tpu.vector_store %arg15[%swap3A_466, %swap3A_467], %swap3A_470 {strides = array<i32>} : memref<4x80xi32, #tpu.memory_space<vmem>>, vector<1x16xi32>,
        %add3A_471 = arith.constant 16 : i32
        %add3A_472 = arith.addi %mul3A_460, %add3A_471 : i32
        %add3A_473 = vector.broadcast %add3A_472 : i32 to vector<16xi32>
        %add3A_474 = arith.addi %add3A_473, %iota3A : vector<16xi32>
        %swap3A_475 = arith.constant 2 : i32
        %swap3A_476 = arith.index_cast %swap3A_475 : i32 to index
        %swap3A_477 = arith.constant 16 : index
        %swap3A_478 = tpu.vector_load %arg15[%swap3A_476, %swap3A_477] {strides = array<i32>} : memref<4x80xi32, #tpu.memory_space<vmem>>, vector<1x16xi32>,
        %swap3A_479 = vector.shape_cast %swap3A_478 : vector<1x16xi32> to vector<16xi32>
        %swap3A_480 = vector.shape_cast %add3A_474 : vector<16xi32> to vector<1x16xi32>
        tpu.vector_store %arg15[%swap3A_476, %swap3A_477], %swap3A_480 {strides = array<i32>} : memref<4x80xi32, #tpu.memory_space<vmem>>, vector<1x16xi32>,
        %add3A_481 = arith.constant 32 : i32
        %add3A_482 = arith.addi %mul3A_460, %add3A_481 : i32
        %add3A_483 = vector.broadcast %add3A_482 : i32 to vector<16xi32>
        %add3A_484 = arith.addi %add3A_483, %iota3A : vector<16xi32>
        %swap3A_485 = arith.constant 2 : i32
        %swap3A_486 = arith.index_cast %swap3A_485 : i32 to index
        %swap3A_487 = arith.constant 32 : index
        %swap3A_488 = tpu.vector_load %arg15[%swap3A_486, %swap3A_487] {strides = array<i32>} : memref<4x80xi32, #tpu.memory_space<vmem>>, vector<1x16xi32>,
        %swap3A_489 = vector.shape_cast %swap3A_488 : vector<1x16xi32> to vector<16xi32>
        %swap3A_490 = vector.shape_cast %add3A_484 : vector<16xi32> to vector<1x16xi32>
        tpu.vector_store %arg15[%swap3A_486, %swap3A_487], %swap3A_490 {strides = array<i32>} : memref<4x80xi32, #tpu.memory_space<vmem>>, vector<1x16xi32>,
        %add3A_491 = arith.constant 48 : i32
        %add3A_492 = arith.addi %mul3A_460, %add3A_491 : i32
        %add3A_493 = vector.broadcast %add3A_492 : i32 to vector<16xi32>
        %add3A_494 = arith.addi %add3A_493, %iota3A : vector<16xi32>
        %swap3A_495 = arith.constant 2 : i32
        %swap3A_496 = arith.index_cast %swap3A_495 : i32 to index
        %swap3A_497 = arith.constant 48 : index
        %swap3A_498 = tpu.vector_load %arg15[%swap3A_496, %swap3A_497] {strides = array<i32>} : memref<4x80xi32, #tpu.memory_space<vmem>>, vector<1x16xi32>,
        %swap3A_499 = vector.shape_cast %swap3A_498 : vector<1x16xi32> to vector<16xi32>
        %swap3A_500 = vector.shape_cast %add3A_494 : vector<16xi32> to vector<1x16xi32>
        tpu.vector_store %arg15[%swap3A_496, %swap3A_497], %swap3A_500 {strides = array<i32>} : memref<4x80xi32, #tpu.memory_space<vmem>>, vector<1x16xi32>,
        %add3A_501 = arith.constant 64 : i32
        %add3A_502 = arith.addi %mul3A_460, %add3A_501 : i32
        %add3A_503 = vector.broadcast %add3A_502 : i32 to vector<16xi32>
        %add3A_504 = arith.addi %add3A_503, %iota3A : vector<16xi32>
        %swap3A_505 = arith.constant 2 : i32
        %swap3A_506 = arith.index_cast %swap3A_505 : i32 to index
        %swap3A_507 = arith.constant 64 : index
        %swap3A_508 = tpu.vector_load %arg15[%swap3A_506, %swap3A_507] {strides = array<i32>} : memref<4x80xi32, #tpu.memory_space<vmem>>, vector<1x16xi32>,
        %swap3A_509 = vector.shape_cast %swap3A_508 : vector<1x16xi32> to vector<16xi32>
        %swap3A_510 = vector.shape_cast %add3A_504 : vector<16xi32> to vector<1x16xi32>
        tpu.vector_store %arg15[%swap3A_506, %swap3A_507], %swap3A_510 {strides = array<i32>} : memref<4x80xi32, #tpu.memory_space<vmem>>, vector<1x16xi32>,
        %eq3A_511 = arith.constant 0 : i32
        %eq3A_512 = arith.cmpi eq, %arg0, %eq3A_511 : i32
        %convert_element_type3A_513 = arith.extui %eq3A_512 : i1 to i32
        %cond3A_514 = arith.constant 0 : i32
        %cond3A_515 = arith.cmpi ne, %convert_element_type3A_513, %cond3A_514 : i32
        scf.if %cond3A_515 {
          %dma_start3A_521 = arith.constant 2 : i32
          %dma_start3A_522 = arith.constant 0 : i32
          %dma_start3A_523 = tpu.memref_slice %arg15[%dma_start3A_521, %dma_start3A_522] : memref<4x80xi32, #tpu.memory_space<vmem>> -> memref<1x80xi32, #tpu.memory_space<vmem>>
          %dma_start3A_524 = tpu.memref_squeeze %dma_start3A_523 : memref<1x80xi32, #tpu.memory_space<vmem>> -> memref<80xi32, #tpu.memory_space<vmem>>
          %dma_start3A_525 = arith.constant 0 : i32
          %dma_start3A_526 = arith.constant 0 : i32
          %dma_start3A_527 = tpu.memref_slice %arg8[%dma_start3A_525, %dma_start3A_526] : memref<160000x128xf32, #tpu.memory_space<hbm>> -> memref<160000x128xf32, #tpu.memory_space<hbm>>
          tpu.enqueue_indirect_dma source(%dma_start3A_527 : memref<160000x128xf32, #tpu.memory_space<hbm>>) target(%arg18 : memref<80x128xf32, #tpu.memory_space<vmem>>) offsets(%dma_start3A_524 : memref<80xi32, #tpu.memory_space<vmem>>) semaphore(%arg27 : memref<!tpu.dma_semaphore, #tpu.memory_space<semaphore_mem>>) {add = true}
        } else {
        }
        %eq3A_516 = arith.constant 1 : i32
        %eq3A_517 = arith.cmpi eq, %arg0, %eq3A_516 : i32
        %convert_element_type3A_518 = arith.extui %eq3A_517 : i1 to i32
        %cond3A_519 = arith.constant 0 : i32
        %cond3A_520 = arith.cmpi ne, %convert_element_type3A_518, %cond3A_519 : i32
        scf.if %cond3A_520 {
          %dma_start3A_521 = arith.constant 2 : i32
          %dma_start3A_522 = arith.constant 0 : i32
          %dma_start3A_523 = tpu.memref_slice %arg15[%dma_start3A_521, %dma_start3A_522] : memref<4x80xi32, #tpu.memory_space<vmem>> -> memref<1x80xi32, #tpu.memory_space<vmem>>
          %dma_start3A_524 = tpu.memref_squeeze %dma_start3A_523 : memref<1x80xi32, #tpu.memory_space<vmem>> -> memref<80xi32, #tpu.memory_space<vmem>>
          %dma_start3A_525 = arith.constant 0 : i32
          %dma_start3A_526 = arith.constant 0 : i32
          %dma_start3A_527 = tpu.memref_slice %arg9[%dma_start3A_525, %dma_start3A_526] : memref<160000x128xf32, #tpu.memory_space<hbm>> -> memref<160000x128xf32, #tpu.memory_space<hbm>>
          tpu.enqueue_indirect_dma source(%dma_start3A_527 : memref<160000x128xf32, #tpu.memory_space<hbm>>) target(%arg18 : memref<80x128xf32, #tpu.memory_space<vmem>>) offsets(%dma_start3A_524 : memref<80xi32, #tpu.memory_space<vmem>>) semaphore(%arg27 : memref<!tpu.dma_semaphore, #tpu.memory_space<semaphore_mem>>) {add = true}
        } else {
        }
      } else {
      }
      %mul3A_374 = arith.constant 4 : i32
      %mul3A_375 = arith.muli %mul3A_374, %scan3A_301 : i32
      %add3A_376 = arith.constant 2 : i32
      %add3A_377 = arith.addi %mul3A_375, %add3A_376 : i32
      %add3A_378 = arith.constant 1 : i32
      %add3A_379 = arith.addi %add3A_377, %add3A_378 : i32
      %lt3A_380 = arith.constant 125 : i32
      %lt3A_381 = arith.cmpi slt, %add3A_379, %lt3A_380 : i32
      %convert_element_type3A_382 = arith.extui %lt3A_381 : i1 to i32
      %cond3A_383 = arith.constant 0 : i32
      %cond3A_384 = arith.cmpi ne, %convert_element_type3A_382, %cond3A_383 : i32
      scf.if %cond3A_384 {
        %dma_wait3A_448 = arith.constant 0 : i32
        %dma_wait3A_449 = arith.constant 0 : i32
        %dma_wait3A_450 = tpu.memref_slice %arg10[%dma_wait3A_448, %dma_wait3A_449] : memref<10000x128xf32, #tpu.memory_space<hbm>> -> memref<80x128xf32, #tpu.memory_space<hbm>>
        %dma_wait3A_451 = arith.constant 0 : i32
        %dma_wait3A_452 = arith.constant 0 : i32
        %dma_wait3A_453 = tpu.memref_slice %arg10[%dma_wait3A_451, %dma_wait3A_452] : memref<10000x128xf32, #tpu.memory_space<hbm>> -> memref<80x128xf32, #tpu.memory_space<hbm>>
        tpu.wait_dma2 semaphore(%arg28 : memref<!tpu.dma_semaphore, #tpu.memory_space<semaphore_mem>>) src(%dma_wait3A_453 : memref<80x128xf32, #tpu.memory_space<hbm>>) dst(%arg19 : memref<80x128xf32, #tpu.memory_space<vmem>>)
        %eq3A_454 = arith.constant 0 : i32
        %eq3A_455 = arith.cmpi eq, %arg0, %eq3A_454 : i32
        %convert_element_type3A_456 = arith.extui %eq3A_455 : i1 to i32
        %cond3A_457 = arith.constant 0 : i32
        %cond3A_458 = arith.cmpi ne, %convert_element_type3A_456, %cond3A_457 : i32
        scf.if %cond3A_458 {
          %dma_start3A_464 = arith.constant 3 : i32
          %dma_start3A_465 = arith.constant 0 : i32
          %dma_start3A_466 = tpu.memref_slice %arg14[%dma_start3A_464, %dma_start3A_465] : memref<4x80xi32, #tpu.memory_space<vmem>> -> memref<1x80xi32, #tpu.memory_space<vmem>>
          %dma_start3A_467 = tpu.memref_squeeze %dma_start3A_466 : memref<1x80xi32, #tpu.memory_space<vmem>> -> memref<80xi32, #tpu.memory_space<vmem>>
          %dma_start3A_468 = arith.constant 0 : i32
          %dma_start3A_469 = arith.constant 0 : i32
          %dma_start3A_470 = tpu.memref_slice %arg6[%dma_start3A_468, %dma_start3A_469] : memref<10000x128xf32, #tpu.memory_space<hbm>> -> memref<10000x128xf32, #tpu.memory_space<hbm>>
          tpu.enqueue_indirect_dma source(%dma_start3A_470 : memref<10000x128xf32, #tpu.memory_space<hbm>>) target(%arg19 : memref<80x128xf32, #tpu.memory_space<vmem>>) offsets(%dma_start3A_467 : memref<80xi32, #tpu.memory_space<vmem>>) semaphore(%arg28 : memref<!tpu.dma_semaphore, #tpu.memory_space<semaphore_mem>>) {add = true}
        } else {
        }
        %eq3A_459 = arith.constant 1 : i32
        %eq3A_460 = arith.cmpi eq, %arg0, %eq3A_459 : i32
        %convert_element_type3A_461 = arith.extui %eq3A_460 : i1 to i32
        %cond3A_462 = arith.constant 0 : i32
        %cond3A_463 = arith.cmpi ne, %convert_element_type3A_461, %cond3A_462 : i32
        scf.if %cond3A_463 {
          %dma_start3A_464 = arith.constant 3 : i32
          %dma_start3A_465 = arith.constant 0 : i32
          %dma_start3A_466 = tpu.memref_slice %arg14[%dma_start3A_464, %dma_start3A_465] : memref<4x80xi32, #tpu.memory_space<vmem>> -> memref<1x80xi32, #tpu.memory_space<vmem>>
          %dma_start3A_467 = tpu.memref_squeeze %dma_start3A_466 : memref<1x80xi32, #tpu.memory_space<vmem>> -> memref<80xi32, #tpu.memory_space<vmem>>
          %dma_start3A_468 = arith.constant 0 : i32
          %dma_start3A_469 = arith.constant 0 : i32
          %dma_start3A_470 = tpu.memref_slice %arg7[%dma_start3A_468, %dma_start3A_469] : memref<10000x128xf32, #tpu.memory_space<hbm>> -> memref<10000x128xf32, #tpu.memory_space<hbm>>
          tpu.enqueue_indirect_dma source(%dma_start3A_470 : memref<10000x128xf32, #tpu.memory_space<hbm>>) target(%arg19 : memref<80x128xf32, #tpu.memory_space<vmem>>) offsets(%dma_start3A_467 : memref<80xi32, #tpu.memory_space<vmem>>) semaphore(%arg28 : memref<!tpu.dma_semaphore, #tpu.memory_space<semaphore_mem>>) {add = true}
        } else {
        }
      } else {
      }
      %add3A_385 = arith.constant 2 : i32
      %add3A_386 = arith.addi %add3A_377, %add3A_385 : i32
      %lt3A_387 = arith.constant 125 : i32
      %lt3A_388 = arith.cmpi slt, %add3A_386, %lt3A_387 : i32
      %convert_element_type3A_389 = arith.extui %lt3A_388 : i1 to i32
      %cond3A_390 = arith.constant 0 : i32
      %cond3A_391 = arith.cmpi ne, %convert_element_type3A_389, %cond3A_390 : i32
      scf.if %cond3A_391 {
        %dma_wait3A_448 = arith.constant 0 : i32
        %dma_wait3A_449 = arith.constant 0 : i32
        %dma_wait3A_450 = arith.constant 0 : i32
        %dma_wait3A_451 = tpu.memref_slice %arg13[%dma_wait3A_449, %dma_wait3A_450] : memref<4x80xi32, #tpu.memory_space<vmem>> -> memref<1x80xi32, #tpu.memory_space<vmem>>
        %dma_wait3A_452 = tpu.memref_squeeze %dma_wait3A_451 : memref<1x80xi32, #tpu.memory_space<vmem>> -> memref<80xi32, #tpu.memory_space<vmem>>
        %dma_wait3A_453 = arith.constant 0 : i32
        %dma_wait3A_454 = tpu.memref_slice %arg2[%dma_wait3A_448, %dma_wait3A_453] : memref<2000x80xi32, #tpu.memory_space<hbm>> -> memref<1x80xi32, #tpu.memory_space<hbm>>
        %dma_wait3A_455 = tpu.memref_squeeze %dma_wait3A_454 : memref<1x80xi32, #tpu.memory_space<hbm>> -> memref<80xi32, #tpu.memory_space<hbm>>
        %dma_wait3A_456 = arith.constant 0 : i32
        %dma_wait3A_457 = tpu.memref_slice %arg13[%dma_wait3A_449, %dma_wait3A_456] : memref<4x80xi32, #tpu.memory_space<vmem>> -> memref<1x80xi32, #tpu.memory_space<vmem>>
        %dma_wait3A_458 = tpu.memref_squeeze %dma_wait3A_457 : memref<1x80xi32, #tpu.memory_space<vmem>> -> memref<80xi32, #tpu.memory_space<vmem>>
        %dma_wait3A_459 = arith.constant 0 : i32
        %dma_wait3A_460 = tpu.memref_slice %arg2[%dma_wait3A_448, %dma_wait3A_459] : memref<2000x80xi32, #tpu.memory_space<hbm>> -> memref<1x80xi32, #tpu.memory_space<hbm>>
        %dma_wait3A_461 = tpu.memref_squeeze %dma_wait3A_460 : memref<1x80xi32, #tpu.memory_space<hbm>> -> memref<80xi32, #tpu.memory_space<hbm>>
        tpu.wait_dma2 semaphore(%arg21 : memref<!tpu.dma_semaphore, #tpu.memory_space<semaphore_mem>>) src(%dma_wait3A_461 : memref<80xi32, #tpu.memory_space<hbm>>) dst(%dma_wait3A_458 : memref<80xi32, #tpu.memory_space<vmem>>)
        %dma_wait3A_462 = arith.constant 0 : i32
        %dma_wait3A_463 = arith.constant 0 : i32
        %dma_wait3A_464 = arith.constant 0 : i32
        %dma_wait3A_465 = tpu.memref_slice %arg14[%dma_wait3A_463, %dma_wait3A_464] : memref<4x80xi32, #tpu.memory_space<vmem>> -> memref<1x80xi32, #tpu.memory_space<vmem>>
        %dma_wait3A_466 = tpu.memref_squeeze %dma_wait3A_465 : memref<1x80xi32, #tpu.memory_space<vmem>> -> memref<80xi32, #tpu.memory_space<vmem>>
        %dma_wait3A_467 = arith.constant 0 : i32
        %dma_wait3A_468 = tpu.memref_slice %arg3[%dma_wait3A_462, %dma_wait3A_467] : memref<2000x80xi32, #tpu.memory_space<hbm>> -> memref<1x80xi32, #tpu.memory_space<hbm>>
        %dma_wait3A_469 = tpu.memref_squeeze %dma_wait3A_468 : memref<1x80xi32, #tpu.memory_space<hbm>> -> memref<80xi32, #tpu.memory_space<hbm>>
        %dma_wait3A_470 = arith.constant 0 : i32
        %dma_wait3A_471 = tpu.memref_slice %arg14[%dma_wait3A_463, %dma_wait3A_470] : memref<4x80xi32, #tpu.memory_space<vmem>> -> memref<1x80xi32, #tpu.memory_space<vmem>>
        %dma_wait3A_472 = tpu.memref_squeeze %dma_wait3A_471 : memref<1x80xi32, #tpu.memory_space<vmem>> -> memref<80xi32, #tpu.memory_space<vmem>>
        %dma_wait3A_473 = arith.constant 0 : i32
        %dma_wait3A_474 = tpu.memref_slice %arg3[%dma_wait3A_462, %dma_wait3A_473] : memref<2000x80xi32, #tpu.memory_space<hbm>> -> memref<1x80xi32, #tpu.memory_space<hbm>>
        %dma_wait3A_475 = tpu.memref_squeeze %dma_wait3A_474 : memref<1x80xi32, #tpu.memory_space<hbm>> -> memref<80xi32, #tpu.memory_space<hbm>>
        tpu.wait_dma2 semaphore(%arg21 : memref<!tpu.dma_semaphore, #tpu.memory_space<semaphore_mem>>) src(%dma_wait3A_475 : memref<80xi32, #tpu.memory_space<hbm>>) dst(%dma_wait3A_472 : memref<80xi32, #tpu.memory_space<vmem>>)
        %eq3A_476 = arith.constant 0 : i32
        %eq3A_477 = arith.cmpi eq, %arg0, %eq3A_476 : i32
        %convert_element_type3A_478 = arith.extui %eq3A_477 : i1 to i32
        %cond3A_479 = arith.constant 0 : i32
        %cond3A_480 = arith.cmpi ne, %convert_element_type3A_478, %cond3A_479 : i32
        scf.if %cond3A_480 {
          %dma_start3A_486 = arith.constant 0 : i32
          %dma_start3A_487 = arith.constant 0 : i32
          %dma_start3A_488 = tpu.memref_slice %arg13[%dma_start3A_486, %dma_start3A_487] : memref<4x80xi32, #tpu.memory_space<vmem>> -> memref<1x80xi32, #tpu.memory_space<vmem>>
          %dma_start3A_489 = tpu.memref_squeeze %dma_start3A_488 : memref<1x80xi32, #tpu.memory_space<vmem>> -> memref<80xi32, #tpu.memory_space<vmem>>
          %dma_start3A_490 = arith.constant 0 : i32
          %dma_start3A_491 = arith.constant 0 : i32
          %dma_start3A_492 = tpu.memref_slice %arg4[%dma_start3A_490, %dma_start3A_491] : memref<10000x128xf32, #tpu.memory_space<hbm>> -> memref<10000x128xf32, #tpu.memory_space<hbm>>
          tpu.enqueue_indirect_dma source(%dma_start3A_492 : memref<10000x128xf32, #tpu.memory_space<hbm>>) target(%arg16 : memref<80x128xf32, #tpu.memory_space<vmem>>) offsets(%dma_start3A_489 : memref<80xi32, #tpu.memory_space<vmem>>) semaphore(%arg25 : memref<!tpu.dma_semaphore, #tpu.memory_space<semaphore_mem>>)
        } else {
        }
        %eq3A_481 = arith.constant 1 : i32
        %eq3A_482 = arith.cmpi eq, %arg0, %eq3A_481 : i32
        %convert_element_type3A_483 = arith.extui %eq3A_482 : i1 to i32
        %cond3A_484 = arith.constant 0 : i32
        %cond3A_485 = arith.cmpi ne, %convert_element_type3A_483, %cond3A_484 : i32
        scf.if %cond3A_485 {
          %dma_start3A_486 = arith.constant 0 : i32
          %dma_start3A_487 = arith.constant 0 : i32
          %dma_start3A_488 = tpu.memref_slice %arg13[%dma_start3A_486, %dma_start3A_487] : memref<4x80xi32, #tpu.memory_space<vmem>> -> memref<1x80xi32, #tpu.memory_space<vmem>>
          %dma_start3A_489 = tpu.memref_squeeze %dma_start3A_488 : memref<1x80xi32, #tpu.memory_space<vmem>> -> memref<80xi32, #tpu.memory_space<vmem>>
          %dma_start3A_490 = arith.constant 0 : i32
          %dma_start3A_491 = arith.constant 0 : i32
          %dma_start3A_492 = tpu.memref_slice %arg5[%dma_start3A_490, %dma_start3A_491] : memref<10000x128xf32, #tpu.memory_space<hbm>> -> memref<10000x128xf32, #tpu.memory_space<hbm>>
          tpu.enqueue_indirect_dma source(%dma_start3A_492 : memref<10000x128xf32, #tpu.memory_space<hbm>>) target(%arg16 : memref<80x128xf32, #tpu.memory_space<vmem>>) offsets(%dma_start3A_489 : memref<80xi32, #tpu.memory_space<vmem>>) semaphore(%arg25 : memref<!tpu.dma_semaphore, #tpu.memory_space<semaphore_mem>>)
        } else {
        }
      } else {
      }
      %add3A_392 = arith.constant 3 : i32
      %add3A_393 = arith.addi %add3A_377, %add3A_392 : i32
      %lt3A_394 = arith.constant 125 : i32
      %lt3A_395 = arith.cmpi slt, %add3A_393, %lt3A_394 : i32
      %convert_element_type3A_396 = arith.extui %lt3A_395 : i1 to i32
      %cond3A_397 = arith.constant 0 : i32
      %cond3A_398 = arith.cmpi ne, %convert_element_type3A_396, %cond3A_397 : i32
      scf.if %cond3A_398 {
        %ge3A = arith.constant 1 : i32
        %ge3A_448 = arith.cmpi sge, %add3A_377, %ge3A : i32
        %convert_element_type3A_449 = arith.extui %ge3A_448 : i1 to i32
        %cond3A_450 = arith.constant 0 : i32
        %cond3A_451 = arith.cmpi ne, %convert_element_type3A_449, %cond3A_450 : i32
        scf.if %cond3A_451 {
          %mul3A_483 = arith.constant 128 : i32
          %mul3A_484 = arith.muli %arg0, %mul3A_483 : i32
          %dma_wait3A_485 = arith.constant 0 : i32
          %dma_wait3A_486 = tpu.memref_slice %arg11[%dma_wait3A_485, %mul3A_484] : memref<160000x256xf32, #tpu.memory_space<hbm>> -> memref<80x128xf32, #tpu.memory_space<hbm>>
          %dma_wait3A_487 = arith.constant 0 : i32
          %dma_wait3A_488 = tpu.memref_slice %arg11[%dma_wait3A_487, %mul3A_484] : memref<160000x256xf32, #tpu.memory_space<hbm>> -> memref<80x128xf32, #tpu.memory_space<hbm>>
          tpu.wait_dma2 semaphore(%arg30 : memref<!tpu.dma_semaphore, #tpu.memory_space<semaphore_mem>>) src(%arg17 : memref<80x128xf32, #tpu.memory_space<vmem>>) dst(%dma_wait3A_488 : memref<80x128xf32, #tpu.memory_space<hbm>>)
          %dma_wait3A_489 = arith.constant 0 : i32
          %dma_wait3A_490 = arith.constant 0 : i32
          %dma_wait3A_491 = tpu.memref_slice %arg10[%dma_wait3A_489, %dma_wait3A_490] : memref<10000x128xf32, #tpu.memory_space<hbm>> -> memref<80x128xf32, #tpu.memory_space<hbm>>
          %dma_wait3A_492 = arith.constant 0 : i32
          %dma_wait3A_493 = arith.constant 0 : i32
          %dma_wait3A_494 = tpu.memref_slice %arg10[%dma_wait3A_492, %dma_wait3A_493] : memref<10000x128xf32, #tpu.memory_space<hbm>> -> memref<80x128xf32, #tpu.memory_space<hbm>>
          tpu.wait_dma2 semaphore(%arg34 : memref<!tpu.dma_semaphore, #tpu.memory_space<semaphore_mem>>) src(%dma_wait3A_494 : memref<80x128xf32, #tpu.memory_space<hbm>>) dst(%arg17 : memref<80x128xf32, #tpu.memory_space<vmem>>)
        } else {
        }
        %add3A_452 = arith.constant 3 : i32
        %add3A_453 = arith.addi %add3A_377, %add3A_452 : i32
        %mul3A_454 = arith.constant 16 : i32
        %mul3A_455 = arith.muli %mul3A_454, %add3A_453 : i32
        %add3A_456 = arith.addi %arg1, %mul3A_455 : i32
        %dma_start3A_457 = arith.constant 1 : i32
        %dma_start3A_458 = arith.constant 0 : i32
        %dma_start3A_459 = tpu.memref_slice %arg13[%dma_start3A_457, %dma_start3A_458] : memref<4x80xi32, #tpu.memory_space<vmem>> -> memref<1x80xi32, #tpu.memory_space<vmem>>
        %dma_start3A_460 = tpu.memref_squeeze %dma_start3A_459 : memref<1x80xi32, #tpu.memory_space<vmem>> -> memref<80xi32, #tpu.memory_space<vmem>>
        %dma_start3A_461 = arith.constant 0 : i32
        %dma_start3A_462 = tpu.memref_slice %arg2[%add3A_456, %dma_start3A_461] : memref<2000x80xi32, #tpu.memory_space<hbm>> -> memref<1x80xi32, #tpu.memory_space<hbm>>
        %dma_start3A_463 = tpu.memref_squeeze %dma_start3A_462 : memref<1x80xi32, #tpu.memory_space<hbm>> -> memref<80xi32, #tpu.memory_space<hbm>>
        %dma_start3A_464 = arith.constant 0 : i32
        %dma_start3A_465 = tpu.memref_slice %arg13[%dma_start3A_457, %dma_start3A_464] : memref<4x80xi32, #tpu.memory_space<vmem>> -> memref<1x80xi32, #tpu.memory_space<vmem>>
        %dma_start3A_466 = tpu.memref_squeeze %dma_start3A_465 : memref<1x80xi32, #tpu.memory_space<vmem>> -> memref<80xi32, #tpu.memory_space<vmem>>
        %dma_start3A_467 = arith.constant 0 : i32
        %dma_start3A_468 = tpu.memref_slice %arg2[%add3A_456, %dma_start3A_467] : memref<2000x80xi32, #tpu.memory_space<hbm>> -> memref<1x80xi32, #tpu.memory_space<hbm>>
        %dma_start3A_469 = tpu.memref_squeeze %dma_start3A_468 : memref<1x80xi32, #tpu.memory_space<hbm>> -> memref<80xi32, #tpu.memory_space<hbm>>
        tpu.enqueue_dma source(%dma_start3A_469 : memref<80xi32, #tpu.memory_space<hbm>>) target(%dma_start3A_466 : memref<80xi32, #tpu.memory_space<vmem>>) target_semaphore(%arg22 : memref<!tpu.dma_semaphore, #tpu.memory_space<semaphore_mem>>)
        %dma_start3A_470 = arith.constant 1 : i32
        %dma_start3A_471 = arith.constant 0 : i32
        %dma_start3A_472 = tpu.memref_slice %arg14[%dma_start3A_470, %dma_start3A_471] : memref<4x80xi32, #tpu.memory_space<vmem>> -> memref<1x80xi32, #tpu.memory_space<vmem>>
        %dma_start3A_473 = tpu.memref_squeeze %dma_start3A_472 : memref<1x80xi32, #tpu.memory_space<vmem>> -> memref<80xi32, #tpu.memory_space<vmem>>
        %dma_start3A_474 = arith.constant 0 : i32
        %dma_start3A_475 = tpu.memref_slice %arg3[%add3A_456, %dma_start3A_474] : memref<2000x80xi32, #tpu.memory_space<hbm>> -> memref<1x80xi32, #tpu.memory_space<hbm>>
        %dma_start3A_476 = tpu.memref_squeeze %dma_start3A_475 : memref<1x80xi32, #tpu.memory_space<hbm>> -> memref<80xi32, #tpu.memory_space<hbm>>
        %dma_start3A_477 = arith.constant 0 : i32
        %dma_start3A_478 = tpu.memref_slice %arg14[%dma_start3A_470, %dma_start3A_477] : memref<4x80xi32, #tpu.memory_space<vmem>> -> memref<1x80xi32, #tpu.memory_space<vmem>>
        %dma_start3A_479 = tpu.memref_squeeze %dma_start3A_478 : memref<1x80xi32, #tpu.memory_space<vmem>> -> memref<80xi32, #tpu.memory_space<vmem>>
        %dma_start3A_480 = arith.constant 0 : i32
        %dma_start3A_481 = tpu.memref_slice %arg3[%add3A_456, %dma_start3A_480] : memref<2000x80xi32, #tpu.memory_space<hbm>> -> memref<1x80xi32, #tpu.memory_space<hbm>>
        %dma_start3A_482 = tpu.memref_squeeze %dma_start3A_481 : memref<1x80xi32, #tpu.memory_space<hbm>> -> memref<80xi32, #tpu.memory_space<hbm>>
        tpu.enqueue_dma source(%dma_start3A_482 : memref<80xi32, #tpu.memory_space<hbm>>) target(%dma_start3A_479 : memref<80xi32, #tpu.memory_space<vmem>>) target_semaphore(%arg22 : memref<!tpu.dma_semaphore, #tpu.memory_space<semaphore_mem>>)
      } else {
      }
      %lt3A_399 = arith.constant 125 : i32
      %lt3A_400 = arith.cmpi slt, %add3A_377, %lt3A_399 : i32
      %convert_element_type3A_401 = arith.extui %lt3A_400 : i1 to i32
      %cond3A_402 = arith.constant 0 : i32
      %cond3A_403 = arith.cmpi ne, %convert_element_type3A_401, %cond3A_402 : i32
      scf.if %cond3A_403 {
        %dma_wait3A_448 = arith.constant 0 : i32
        %dma_wait3A_449 = arith.constant 0 : i32
        %dma_wait3A_450 = tpu.memref_slice %arg10[%dma_wait3A_448, %dma_wait3A_449] : memref<10000x128xf32, #tpu.memory_space<hbm>> -> memref<80x128xf32, #tpu.memory_space<hbm>>
        %dma_wait3A_451 = arith.constant 0 : i32
        %dma_wait3A_452 = arith.constant 0 : i32
        %dma_wait3A_453 = tpu.memref_slice %arg10[%dma_wait3A_451, %dma_wait3A_452] : memref<10000x128xf32, #tpu.memory_space<hbm>> -> memref<80x128xf32, #tpu.memory_space<hbm>>
        tpu.wait_dma2 semaphore(%arg27 : memref<!tpu.dma_semaphore, #tpu.memory_space<semaphore_mem>>) src(%dma_wait3A_453 : memref<80x128xf32, #tpu.memory_space<hbm>>) dst(%arg18 : memref<80x128xf32, #tpu.memory_space<vmem>>)
        %scan3A_454 = arith.constant 0 : i32
        %scan3A_455 = arith.constant 0 : i32
        %scan3A_456 = arith.constant 80 : i32
        %scan3A_457 = arith.addi %scan3A_455, %scan3A_456 : i32
        %scan3A_458 = arith.constant 2 : i32
        scf.for %scan3A_476 = %scan3A_455 to %scan3A_457 step %scan3A_458  : i32 {
          %get3A = arith.index_cast %scan3A_476 : i32 to index
          %get3A_477 = arith.constant 0 : index
          %get3A_478 = tpu.vector_load %arg18[%get3A, %get3A_477] {strides = array<i32>} : memref<80x128xf32, #tpu.memory_space<vmem>>, vector<1x16xf32>,
          %get3A_479 = vector.shape_cast %get3A_478 : vector<1x16xf32> to vector<16xf32>
          %max3A = arith.constant 0.000000e+00 : f32
          %max3A_480 = vector.broadcast %max3A : f32 to vector<16xf32>
          %max3A_481 = arith.maximumf %get3A_479, %max3A_480 : vector<16xf32>
          %swap3A_482 = arith.index_cast %scan3A_476 : i32 to index
          %swap3A_483 = arith.constant 0 : index
          %swap3A_484 = tpu.vector_load %arg18[%swap3A_482, %swap3A_483] {strides = array<i32>} : memref<80x128xf32, #tpu.memory_space<vmem>>, vector<1x16xf32>,
          %swap3A_485 = vector.shape_cast %swap3A_484 : vector<1x16xf32> to vector<16xf32>
          %swap3A_486 = vector.shape_cast %max3A_481 : vector<16xf32> to vector<1x16xf32>
          tpu.vector_store %arg18[%swap3A_482, %swap3A_483], %swap3A_486 {strides = array<i32>} : memref<80x128xf32, #tpu.memory_space<vmem>>, vector<1x16xf32>,
          %get3A_487 = arith.index_cast %scan3A_476 : i32 to index
          %get3A_488 = arith.constant 16 : index
          %get3A_489 = tpu.vector_load %arg18[%get3A_487, %get3A_488] {strides = array<i32>} : memref<80x128xf32, #tpu.memory_space<vmem>>, vector<1x16xf32>,
          %get3A_490 = vector.shape_cast %get3A_489 : vector<1x16xf32> to vector<16xf32>
          %max3A_491 = arith.constant 0.000000e+00 : f32
          %max3A_492 = vector.broadcast %max3A_491 : f32 to vector<16xf32>
          %max3A_493 = arith.maximumf %get3A_490, %max3A_492 : vector<16xf32>
          %swap3A_494 = arith.index_cast %scan3A_476 : i32 to index
          %swap3A_495 = arith.constant 16 : index
          %swap3A_496 = tpu.vector_load %arg18[%swap3A_494, %swap3A_495] {strides = array<i32>} : memref<80x128xf32, #tpu.memory_space<vmem>>, vector<1x16xf32>,
          %swap3A_497 = vector.shape_cast %swap3A_496 : vector<1x16xf32> to vector<16xf32>
          %swap3A_498 = vector.shape_cast %max3A_493 : vector<16xf32> to vector<1x16xf32>
          tpu.vector_store %arg18[%swap3A_494, %swap3A_495], %swap3A_498 {strides = array<i32>} : memref<80x128xf32, #tpu.memory_space<vmem>>, vector<1x16xf32>,
          %get3A_499 = arith.index_cast %scan3A_476 : i32 to index
          %get3A_500 = arith.constant 32 : index
          %get3A_501 = tpu.vector_load %arg18[%get3A_499, %get3A_500] {strides = array<i32>} : memref<80x128xf32, #tpu.memory_space<vmem>>, vector<1x16xf32>,
          %get3A_502 = vector.shape_cast %get3A_501 : vector<1x16xf32> to vector<16xf32>
          %max3A_503 = arith.constant 0.000000e+00 : f32
          %max3A_504 = vector.broadcast %max3A_503 : f32 to vector<16xf32>
          %max3A_505 = arith.maximumf %get3A_502, %max3A_504 : vector<16xf32>
          %swap3A_506 = arith.index_cast %scan3A_476 : i32 to index
          %swap3A_507 = arith.constant 32 : index
          %swap3A_508 = tpu.vector_load %arg18[%swap3A_506, %swap3A_507] {strides = array<i32>} : memref<80x128xf32, #tpu.memory_space<vmem>>, vector<1x16xf32>,
          %swap3A_509 = vector.shape_cast %swap3A_508 : vector<1x16xf32> to vector<16xf32>
          %swap3A_510 = vector.shape_cast %max3A_505 : vector<16xf32> to vector<1x16xf32>
          tpu.vector_store %arg18[%swap3A_506, %swap3A_507], %swap3A_510 {strides = array<i32>} : memref<80x128xf32, #tpu.memory_space<vmem>>, vector<1x16xf32>,
          %get3A_511 = arith.index_cast %scan3A_476 : i32 to index
          %get3A_512 = arith.constant 48 : index
          %get3A_513 = tpu.vector_load %arg18[%get3A_511, %get3A_512] {strides = array<i32>} : memref<80x128xf32, #tpu.memory_space<vmem>>, vector<1x16xf32>,
          %get3A_514 = vector.shape_cast %get3A_513 : vector<1x16xf32> to vector<16xf32>
          %max3A_515 = arith.constant 0.000000e+00 : f32
          %max3A_516 = vector.broadcast %max3A_515 : f32 to vector<16xf32>
          %max3A_517 = arith.maximumf %get3A_514, %max3A_516 : vector<16xf32>
          %swap3A_518 = arith.index_cast %scan3A_476 : i32 to index
          %swap3A_519 = arith.constant 48 : index
          %swap3A_520 = tpu.vector_load %arg18[%swap3A_518, %swap3A_519] {strides = array<i32>} : memref<80x128xf32, #tpu.memory_space<vmem>>, vector<1x16xf32>,
          %swap3A_521 = vector.shape_cast %swap3A_520 : vector<1x16xf32> to vector<16xf32>
          %swap3A_522 = vector.shape_cast %max3A_517 : vector<16xf32> to vector<1x16xf32>
          tpu.vector_store %arg18[%swap3A_518, %swap3A_519], %swap3A_522 {strides = array<i32>} : memref<80x128xf32, #tpu.memory_space<vmem>>, vector<1x16xf32>,
          %get3A_523 = arith.index_cast %scan3A_476 : i32 to index
          %get3A_524 = arith.constant 64 : index
          %get3A_525 = tpu.vector_load %arg18[%get3A_523, %get3A_524] {strides = array<i32>} : memref<80x128xf32, #tpu.memory_space<vmem>>, vector<1x16xf32>,
          %get3A_526 = vector.shape_cast %get3A_525 : vector<1x16xf32> to vector<16xf32>
          %max3A_527 = arith.constant 0.000000e+00 : f32
          %max3A_528 = vector.broadcast %max3A_527 : f32 to vector<16xf32>
          %max3A_529 = arith.maximumf %get3A_526, %max3A_528 : vector<16xf32>
          %swap3A_530 = arith.index_cast %scan3A_476 : i32 to index
          %swap3A_531 = arith.constant 64 : index
          %swap3A_532 = tpu.vector_load %arg18[%swap3A_530, %swap3A_531] {strides = array<i32>} : memref<80x128xf32, #tpu.memory_space<vmem>>, vector<1x16xf32>,
          %swap3A_533 = vector.shape_cast %swap3A_532 : vector<1x16xf32> to vector<16xf32>
          %swap3A_534 = vector.shape_cast %max3A_529 : vector<16xf32> to vector<1x16xf32>
          tpu.vector_store %arg18[%swap3A_530, %swap3A_531], %swap3A_534 {strides = array<i32>} : memref<80x128xf32, #tpu.memory_space<vmem>>, vector<1x16xf32>,
          %get3A_535 = arith.index_cast %scan3A_476 : i32 to index
          %get3A_536 = arith.constant 80 : index
          %get3A_537 = tpu.vector_load %arg18[%get3A_535, %get3A_536] {strides = array<i32>} : memref<80x128xf32, #tpu.memory_space<vmem>>, vector<1x16xf32>,
          %get3A_538 = vector.shape_cast %get3A_537 : vector<1x16xf32> to vector<16xf32>
          %max3A_539 = arith.constant 0.000000e+00 : f32
          %max3A_540 = vector.broadcast %max3A_539 : f32 to vector<16xf32>
          %max3A_541 = arith.maximumf %get3A_538, %max3A_540 : vector<16xf32>
          %swap3A_542 = arith.index_cast %scan3A_476 : i32 to index
          %swap3A_543 = arith.constant 80 : index
          %swap3A_544 = tpu.vector_load %arg18[%swap3A_542, %swap3A_543] {strides = array<i32>} : memref<80x128xf32, #tpu.memory_space<vmem>>, vector<1x16xf32>,
          %swap3A_545 = vector.shape_cast %swap3A_544 : vector<1x16xf32> to vector<16xf32>
          %swap3A_546 = vector.shape_cast %max3A_541 : vector<16xf32> to vector<1x16xf32>
          tpu.vector_store %arg18[%swap3A_542, %swap3A_543], %swap3A_546 {strides = array<i32>} : memref<80x128xf32, #tpu.memory_space<vmem>>, vector<1x16xf32>,
          %get3A_547 = arith.index_cast %scan3A_476 : i32 to index
          %get3A_548 = arith.constant 96 : index
          %get3A_549 = tpu.vector_load %arg18[%get3A_547, %get3A_548] {strides = array<i32>} : memref<80x128xf32, #tpu.memory_space<vmem>>, vector<1x16xf32>,
          %get3A_550 = vector.shape_cast %get3A_549 : vector<1x16xf32> to vector<16xf32>
          %max3A_551 = arith.constant 0.000000e+00 : f32
          %max3A_552 = vector.broadcast %max3A_551 : f32 to vector<16xf32>
          %max3A_553 = arith.maximumf %get3A_550, %max3A_552 : vector<16xf32>
          %swap3A_554 = arith.index_cast %scan3A_476 : i32 to index
          %swap3A_555 = arith.constant 96 : index
          %swap3A_556 = tpu.vector_load %arg18[%swap3A_554, %swap3A_555] {strides = array<i32>} : memref<80x128xf32, #tpu.memory_space<vmem>>, vector<1x16xf32>,
          %swap3A_557 = vector.shape_cast %swap3A_556 : vector<1x16xf32> to vector<16xf32>
          %swap3A_558 = vector.shape_cast %max3A_553 : vector<16xf32> to vector<1x16xf32>
          tpu.vector_store %arg18[%swap3A_554, %swap3A_555], %swap3A_558 {strides = array<i32>} : memref<80x128xf32, #tpu.memory_space<vmem>>, vector<1x16xf32>,
          %get3A_559 = arith.index_cast %scan3A_476 : i32 to index
          %get3A_560 = arith.constant 112 : index
          %get3A_561 = tpu.vector_load %arg18[%get3A_559, %get3A_560] {strides = array<i32>} : memref<80x128xf32, #tpu.memory_space<vmem>>, vector<1x16xf32>,
          %get3A_562 = vector.shape_cast %get3A_561 : vector<1x16xf32> to vector<16xf32>
          %max3A_563 = arith.constant 0.000000e+00 : f32
          %max3A_564 = vector.broadcast %max3A_563 : f32 to vector<16xf32>
          %max3A_565 = arith.maximumf %get3A_562, %max3A_564 : vector<16xf32>
          %swap3A_566 = arith.index_cast %scan3A_476 : i32 to index
          %swap3A_567 = arith.constant 112 : index
          %swap3A_568 = tpu.vector_load %arg18[%swap3A_566, %swap3A_567] {strides = array<i32>} : memref<80x128xf32, #tpu.memory_space<vmem>>, vector<1x16xf32>,
          %swap3A_569 = vector.shape_cast %swap3A_568 : vector<1x16xf32> to vector<16xf32>
          %swap3A_570 = vector.shape_cast %max3A_565 : vector<16xf32> to vector<1x16xf32>
          tpu.vector_store %arg18[%swap3A_566, %swap3A_567], %swap3A_570 {strides = array<i32>} : memref<80x128xf32, #tpu.memory_space<vmem>>, vector<1x16xf32>,
          %scan3A_571 = arith.constant 1 : i32
          %scan3A_572 = arith.addi %scan3A_476, %scan3A_571 : i32
          %get3A_573 = arith.index_cast %scan3A_572 : i32 to index
          %get3A_574 = arith.constant 0 : index
          %get3A_575 = tpu.vector_load %arg18[%get3A_573, %get3A_574] {strides = array<i32>} : memref<80x128xf32, #tpu.memory_space<vmem>>, vector<1x16xf32>,
          %get3A_576 = vector.shape_cast %get3A_575 : vector<1x16xf32> to vector<16xf32>
          %max3A_577 = arith.constant 0.000000e+00 : f32
          %max3A_578 = vector.broadcast %max3A_577 : f32 to vector<16xf32>
          %max3A_579 = arith.maximumf %get3A_576, %max3A_578 : vector<16xf32>
          %swap3A_580 = arith.index_cast %scan3A_572 : i32 to index
          %swap3A_581 = arith.constant 0 : index
          %swap3A_582 = tpu.vector_load %arg18[%swap3A_580, %swap3A_581] {strides = array<i32>} : memref<80x128xf32, #tpu.memory_space<vmem>>, vector<1x16xf32>,
          %swap3A_583 = vector.shape_cast %swap3A_582 : vector<1x16xf32> to vector<16xf32>
          %swap3A_584 = vector.shape_cast %max3A_579 : vector<16xf32> to vector<1x16xf32>
          tpu.vector_store %arg18[%swap3A_580, %swap3A_581], %swap3A_584 {strides = array<i32>} : memref<80x128xf32, #tpu.memory_space<vmem>>, vector<1x16xf32>,
          %get3A_585 = arith.index_cast %scan3A_572 : i32 to index
          %get3A_586 = arith.constant 16 : index
          %get3A_587 = tpu.vector_load %arg18[%get3A_585, %get3A_586] {strides = array<i32>} : memref<80x128xf32, #tpu.memory_space<vmem>>, vector<1x16xf32>,
          %get3A_588 = vector.shape_cast %get3A_587 : vector<1x16xf32> to vector<16xf32>
          %max3A_589 = arith.constant 0.000000e+00 : f32
          %max3A_590 = vector.broadcast %max3A_589 : f32 to vector<16xf32>
          %max3A_591 = arith.maximumf %get3A_588, %max3A_590 : vector<16xf32>
          %swap3A_592 = arith.index_cast %scan3A_572 : i32 to index
          %swap3A_593 = arith.constant 16 : index
          %swap3A_594 = tpu.vector_load %arg18[%swap3A_592, %swap3A_593] {strides = array<i32>} : memref<80x128xf32, #tpu.memory_space<vmem>>, vector<1x16xf32>,
          %swap3A_595 = vector.shape_cast %swap3A_594 : vector<1x16xf32> to vector<16xf32>
          %swap3A_596 = vector.shape_cast %max3A_591 : vector<16xf32> to vector<1x16xf32>
          tpu.vector_store %arg18[%swap3A_592, %swap3A_593], %swap3A_596 {strides = array<i32>} : memref<80x128xf32, #tpu.memory_space<vmem>>, vector<1x16xf32>,
          %get3A_597 = arith.index_cast %scan3A_572 : i32 to index
          %get3A_598 = arith.constant 32 : index
          %get3A_599 = tpu.vector_load %arg18[%get3A_597, %get3A_598] {strides = array<i32>} : memref<80x128xf32, #tpu.memory_space<vmem>>, vector<1x16xf32>,
          %get3A_600 = vector.shape_cast %get3A_599 : vector<1x16xf32> to vector<16xf32>
          %max3A_601 = arith.constant 0.000000e+00 : f32
          %max3A_602 = vector.broadcast %max3A_601 : f32 to vector<16xf32>
          %max3A_603 = arith.maximumf %get3A_600, %max3A_602 : vector<16xf32>
          %swap3A_604 = arith.index_cast %scan3A_572 : i32 to index
          %swap3A_605 = arith.constant 32 : index
          %swap3A_606 = tpu.vector_load %arg18[%swap3A_604, %swap3A_605] {strides = array<i32>} : memref<80x128xf32, #tpu.memory_space<vmem>>, vector<1x16xf32>,
          %swap3A_607 = vector.shape_cast %swap3A_606 : vector<1x16xf32> to vector<16xf32>
          %swap3A_608 = vector.shape_cast %max3A_603 : vector<16xf32> to vector<1x16xf32>
          tpu.vector_store %arg18[%swap3A_604, %swap3A_605], %swap3A_608 {strides = array<i32>} : memref<80x128xf32, #tpu.memory_space<vmem>>, vector<1x16xf32>,
          %get3A_609 = arith.index_cast %scan3A_572 : i32 to index
          %get3A_610 = arith.constant 48 : index
          %get3A_611 = tpu.vector_load %arg18[%get3A_609, %get3A_610] {strides = array<i32>} : memref<80x128xf32, #tpu.memory_space<vmem>>, vector<1x16xf32>,
          %get3A_612 = vector.shape_cast %get3A_611 : vector<1x16xf32> to vector<16xf32>
          %max3A_613 = arith.constant 0.000000e+00 : f32
          %max3A_614 = vector.broadcast %max3A_613 : f32 to vector<16xf32>
          %max3A_615 = arith.maximumf %get3A_612, %max3A_614 : vector<16xf32>
          %swap3A_616 = arith.index_cast %scan3A_572 : i32 to index
          %swap3A_617 = arith.constant 48 : index
          %swap3A_618 = tpu.vector_load %arg18[%swap3A_616, %swap3A_617] {strides = array<i32>} : memref<80x128xf32, #tpu.memory_space<vmem>>, vector<1x16xf32>,
          %swap3A_619 = vector.shape_cast %swap3A_618 : vector<1x16xf32> to vector<16xf32>
          %swap3A_620 = vector.shape_cast %max3A_615 : vector<16xf32> to vector<1x16xf32>
          tpu.vector_store %arg18[%swap3A_616, %swap3A_617], %swap3A_620 {strides = array<i32>} : memref<80x128xf32, #tpu.memory_space<vmem>>, vector<1x16xf32>,
          %get3A_621 = arith.index_cast %scan3A_572 : i32 to index
          %get3A_622 = arith.constant 64 : index
          %get3A_623 = tpu.vector_load %arg18[%get3A_621, %get3A_622] {strides = array<i32>} : memref<80x128xf32, #tpu.memory_space<vmem>>, vector<1x16xf32>,
          %get3A_624 = vector.shape_cast %get3A_623 : vector<1x16xf32> to vector<16xf32>
          %max3A_625 = arith.constant 0.000000e+00 : f32
          %max3A_626 = vector.broadcast %max3A_625 : f32 to vector<16xf32>
          %max3A_627 = arith.maximumf %get3A_624, %max3A_626 : vector<16xf32>
          %swap3A_628 = arith.index_cast %scan3A_572 : i32 to index
          %swap3A_629 = arith.constant 64 : index
          %swap3A_630 = tpu.vector_load %arg18[%swap3A_628, %swap3A_629] {strides = array<i32>} : memref<80x128xf32, #tpu.memory_space<vmem>>, vector<1x16xf32>,
          %swap3A_631 = vector.shape_cast %swap3A_630 : vector<1x16xf32> to vector<16xf32>
          %swap3A_632 = vector.shape_cast %max3A_627 : vector<16xf32> to vector<1x16xf32>
          tpu.vector_store %arg18[%swap3A_628, %swap3A_629], %swap3A_632 {strides = array<i32>} : memref<80x128xf32, #tpu.memory_space<vmem>>, vector<1x16xf32>,
          %get3A_633 = arith.index_cast %scan3A_572 : i32 to index
          %get3A_634 = arith.constant 80 : index
          %get3A_635 = tpu.vector_load %arg18[%get3A_633, %get3A_634] {strides = array<i32>} : memref<80x128xf32, #tpu.memory_space<vmem>>, vector<1x16xf32>,
          %get3A_636 = vector.shape_cast %get3A_635 : vector<1x16xf32> to vector<16xf32>
          %max3A_637 = arith.constant 0.000000e+00 : f32
          %max3A_638 = vector.broadcast %max3A_637 : f32 to vector<16xf32>
          %max3A_639 = arith.maximumf %get3A_636, %max3A_638 : vector<16xf32>
          %swap3A_640 = arith.index_cast %scan3A_572 : i32 to index
          %swap3A_641 = arith.constant 80 : index
          %swap3A_642 = tpu.vector_load %arg18[%swap3A_640, %swap3A_641] {strides = array<i32>} : memref<80x128xf32, #tpu.memory_space<vmem>>, vector<1x16xf32>,
          %swap3A_643 = vector.shape_cast %swap3A_642 : vector<1x16xf32> to vector<16xf32>
          %swap3A_644 = vector.shape_cast %max3A_639 : vector<16xf32> to vector<1x16xf32>
          tpu.vector_store %arg18[%swap3A_640, %swap3A_641], %swap3A_644 {strides = array<i32>} : memref<80x128xf32, #tpu.memory_space<vmem>>, vector<1x16xf32>,
          %get3A_645 = arith.index_cast %scan3A_572 : i32 to index
          %get3A_646 = arith.constant 96 : index
          %get3A_647 = tpu.vector_load %arg18[%get3A_645, %get3A_646] {strides = array<i32>} : memref<80x128xf32, #tpu.memory_space<vmem>>, vector<1x16xf32>,
          %get3A_648 = vector.shape_cast %get3A_647 : vector<1x16xf32> to vector<16xf32>
          %max3A_649 = arith.constant 0.000000e+00 : f32
          %max3A_650 = vector.broadcast %max3A_649 : f32 to vector<16xf32>
          %max3A_651 = arith.maximumf %get3A_648, %max3A_650 : vector<16xf32>
          %swap3A_652 = arith.index_cast %scan3A_572 : i32 to index
          %swap3A_653 = arith.constant 96 : index
          %swap3A_654 = tpu.vector_load %arg18[%swap3A_652, %swap3A_653] {strides = array<i32>} : memref<80x128xf32, #tpu.memory_space<vmem>>, vector<1x16xf32>,
          %swap3A_655 = vector.shape_cast %swap3A_654 : vector<1x16xf32> to vector<16xf32>
          %swap3A_656 = vector.shape_cast %max3A_651 : vector<16xf32> to vector<1x16xf32>
          tpu.vector_store %arg18[%swap3A_652, %swap3A_653], %swap3A_656 {strides = array<i32>} : memref<80x128xf32, #tpu.memory_space<vmem>>, vector<1x16xf32>,
          %get3A_657 = arith.index_cast %scan3A_572 : i32 to index
          %get3A_658 = arith.constant 112 : index
          %get3A_659 = tpu.vector_load %arg18[%get3A_657, %get3A_658] {strides = array<i32>} : memref<80x128xf32, #tpu.memory_space<vmem>>, vector<1x16xf32>,
          %get3A_660 = vector.shape_cast %get3A_659 : vector<1x16xf32> to vector<16xf32>
          %max3A_661 = arith.constant 0.000000e+00 : f32
          %max3A_662 = vector.broadcast %max3A_661 : f32 to vector<16xf32>
          %max3A_663 = arith.maximumf %get3A_660, %max3A_662 : vector<16xf32>
          %swap3A_664 = arith.index_cast %scan3A_572 : i32 to index
          %swap3A_665 = arith.constant 112 : index
          %swap3A_666 = tpu.vector_load %arg18[%swap3A_664, %swap3A_665] {strides = array<i32>} : memref<80x128xf32, #tpu.memory_space<vmem>>, vector<1x16xf32>,
          %swap3A_667 = vector.shape_cast %swap3A_666 : vector<1x16xf32> to vector<16xf32>
          %swap3A_668 = vector.shape_cast %max3A_663 : vector<16xf32> to vector<1x16xf32>
          tpu.vector_store %arg18[%swap3A_664, %swap3A_665], %swap3A_668 {strides = array<i32>} : memref<80x128xf32, #tpu.memory_space<vmem>>, vector<1x16xf32>,
        }
        %scan3A_459 = arith.constant 80 : i32
        %mul3A_460 = arith.constant 16 : i32
        %mul3A_461 = arith.muli %mul3A_460, %add3A_377 : i32
        %add3A_462 = arith.addi %arg1, %mul3A_461 : i32
        %mul3A_463 = arith.constant 80 : i32
        %mul3A_464 = arith.muli %add3A_462, %mul3A_463 : i32
        %mul3A_465 = arith.constant 128 : i32
        %mul3A_466 = arith.muli %arg0, %mul3A_465 : i32
        %dma_start3A_467 = tpu.memref_slice %arg11[%mul3A_464, %mul3A_466] : memref<160000x256xf32, #tpu.memory_space<hbm>> -> memref<80x128xf32, #tpu.memory_space<hbm>>
        %dma_start3A_468 = tpu.memref_slice %arg11[%mul3A_464, %mul3A_466] : memref<160000x256xf32, #tpu.memory_space<hbm>> -> memref<80x128xf32, #tpu.memory_space<hbm>>
        tpu.enqueue_dma source(%arg18 : memref<80x128xf32, #tpu.memory_space<vmem>>) target(%dma_start3A_468 : memref<80x128xf32, #tpu.memory_space<hbm>>) target_semaphore(%arg31 : memref<!tpu.dma_semaphore, #tpu.memory_space<semaphore_mem>>)
        %dma_start3A_469 = arith.constant 2 : i32
        %dma_start3A_470 = arith.constant 0 : i32
        %dma_start3A_471 = tpu.memref_slice %arg14[%dma_start3A_469, %dma_start3A_470] : memref<4x80xi32, #tpu.memory_space<vmem>> -> memref<1x80xi32, #tpu.memory_space<vmem>>
        %dma_start3A_472 = tpu.memref_squeeze %dma_start3A_471 : memref<1x80xi32, #tpu.memory_space<vmem>> -> memref<80xi32, #tpu.memory_space<vmem>>
        %dma_start3A_473 = arith.constant 0 : i32
        %dma_start3A_474 = arith.constant 0 : i32
        %dma_start3A_475 = tpu.memref_slice %arg20[%dma_start3A_473, %dma_start3A_474] : memref<10000x128xf32, #tpu.memory_space<vmem_shared>> -> memref<10000x128xf32, #tpu.memory_space<vmem_shared>>
        tpu.enqueue_indirect_dma source(%arg18 : memref<80x128xf32, #tpu.memory_space<vmem>>) target(%dma_start3A_475 : memref<10000x128xf32, #tpu.memory_space<vmem_shared>>) offsets(%dma_start3A_472 : memref<80xi32, #tpu.memory_space<vmem>>) semaphore(%arg35 : memref<!tpu.dma_semaphore, #tpu.memory_space<semaphore_mem>>) {add = true}
      } else {
      }
      %add3A_404 = arith.constant 1 : i32
      %add3A_405 = arith.addi %add3A_377, %add3A_404 : i32
      %lt3A_406 = arith.constant 125 : i32
      %lt3A_407 = arith.cmpi slt, %add3A_405, %lt3A_406 : i32
      %convert_element_type3A_408 = arith.extui %lt3A_407 : i1 to i32
      %cond3A_409 = arith.constant 0 : i32
      %cond3A_410 = arith.cmpi ne, %convert_element_type3A_408, %cond3A_409 : i32
      scf.if %cond3A_410 {
        %dma_wait3A_448 = arith.constant 0 : i32
        %dma_wait3A_449 = arith.constant 0 : i32
        %dma_wait3A_450 = tpu.memref_slice %arg10[%dma_wait3A_448, %dma_wait3A_449] : memref<10000x128xf32, #tpu.memory_space<hbm>> -> memref<80x128xf32, #tpu.memory_space<hbm>>
        %dma_wait3A_451 = arith.constant 0 : i32
        %dma_wait3A_452 = arith.constant 0 : i32
        %dma_wait3A_453 = tpu.memref_slice %arg10[%dma_wait3A_451, %dma_wait3A_452] : memref<10000x128xf32, #tpu.memory_space<hbm>> -> memref<80x128xf32, #tpu.memory_space<hbm>>
        tpu.wait_dma2 semaphore(%arg28 : memref<!tpu.dma_semaphore, #tpu.memory_space<semaphore_mem>>) src(%dma_wait3A_453 : memref<80x128xf32, #tpu.memory_space<hbm>>) dst(%arg19 : memref<80x128xf32, #tpu.memory_space<vmem>>)
        %add3A_454 = arith.constant 1 : i32
        %add3A_455 = arith.addi %add3A_377, %add3A_454 : i32
        %mul3A_456 = arith.constant 16 : i32
        %mul3A_457 = arith.muli %mul3A_456, %add3A_455 : i32
        %add3A_458 = arith.addi %arg1, %mul3A_457 : i32
        %mul3A_459 = arith.constant 80 : i32
        %mul3A_460 = arith.muli %add3A_458, %mul3A_459 : i32
        %add3A_461 = arith.constant 0 : i32
        %add3A_462 = arith.addi %mul3A_460, %add3A_461 : i32
        %add3A_463 = vector.broadcast %add3A_462 : i32 to vector<16xi32>
        %add3A_464 = arith.addi %add3A_463, %iota3A : vector<16xi32>
        %swap3A_465 = arith.constant 3 : i32
        %swap3A_466 = arith.index_cast %swap3A_465 : i32 to index
        %swap3A_467 = arith.constant 0 : index
        %swap3A_468 = tpu.vector_load %arg15[%swap3A_466, %swap3A_467] {strides = array<i32>} : memref<4x80xi32, #tpu.memory_space<vmem>>, vector<1x16xi32>,
        %swap3A_469 = vector.shape_cast %swap3A_468 : vector<1x16xi32> to vector<16xi32>
        %swap3A_470 = vector.shape_cast %add3A_464 : vector<16xi32> to vector<1x16xi32>
        tpu.vector_store %arg15[%swap3A_466, %swap3A_467], %swap3A_470 {strides = array<i32>} : memref<4x80xi32, #tpu.memory_space<vmem>>, vector<1x16xi32>,
        %add3A_471 = arith.constant 16 : i32
        %add3A_472 = arith.addi %mul3A_460, %add3A_471 : i32
        %add3A_473 = vector.broadcast %add3A_472 : i32 to vector<16xi32>
        %add3A_474 = arith.addi %add3A_473, %iota3A : vector<16xi32>
        %swap3A_475 = arith.constant 3 : i32
        %swap3A_476 = arith.index_cast %swap3A_475 : i32 to index
        %swap3A_477 = arith.constant 16 : index
        %swap3A_478 = tpu.vector_load %arg15[%swap3A_476, %swap3A_477] {strides = array<i32>} : memref<4x80xi32, #tpu.memory_space<vmem>>, vector<1x16xi32>,
        %swap3A_479 = vector.shape_cast %swap3A_478 : vector<1x16xi32> to vector<16xi32>
        %swap3A_480 = vector.shape_cast %add3A_474 : vector<16xi32> to vector<1x16xi32>
        tpu.vector_store %arg15[%swap3A_476, %swap3A_477], %swap3A_480 {strides = array<i32>} : memref<4x80xi32, #tpu.memory_space<vmem>>, vector<1x16xi32>,
        %add3A_481 = arith.constant 32 : i32
        %add3A_482 = arith.addi %mul3A_460, %add3A_481 : i32
        %add3A_483 = vector.broadcast %add3A_482 : i32 to vector<16xi32>
        %add3A_484 = arith.addi %add3A_483, %iota3A : vector<16xi32>
        %swap3A_485 = arith.constant 3 : i32
        %swap3A_486 = arith.index_cast %swap3A_485 : i32 to index
        %swap3A_487 = arith.constant 32 : index
        %swap3A_488 = tpu.vector_load %arg15[%swap3A_486, %swap3A_487] {strides = array<i32>} : memref<4x80xi32, #tpu.memory_space<vmem>>, vector<1x16xi32>,
        %swap3A_489 = vector.shape_cast %swap3A_488 : vector<1x16xi32> to vector<16xi32>
        %swap3A_490 = vector.shape_cast %add3A_484 : vector<16xi32> to vector<1x16xi32>
        tpu.vector_store %arg15[%swap3A_486, %swap3A_487], %swap3A_490 {strides = array<i32>} : memref<4x80xi32, #tpu.memory_space<vmem>>, vector<1x16xi32>,
        %add3A_491 = arith.constant 48 : i32
        %add3A_492 = arith.addi %mul3A_460, %add3A_491 : i32
        %add3A_493 = vector.broadcast %add3A_492 : i32 to vector<16xi32>
        %add3A_494 = arith.addi %add3A_493, %iota3A : vector<16xi32>
        %swap3A_495 = arith.constant 3 : i32
        %swap3A_496 = arith.index_cast %swap3A_495 : i32 to index
        %swap3A_497 = arith.constant 48 : index
        %swap3A_498 = tpu.vector_load %arg15[%swap3A_496, %swap3A_497] {strides = array<i32>} : memref<4x80xi32, #tpu.memory_space<vmem>>, vector<1x16xi32>,
        %swap3A_499 = vector.shape_cast %swap3A_498 : vector<1x16xi32> to vector<16xi32>
        %swap3A_500 = vector.shape_cast %add3A_494 : vector<16xi32> to vector<1x16xi32>
        tpu.vector_store %arg15[%swap3A_496, %swap3A_497], %swap3A_500 {strides = array<i32>} : memref<4x80xi32, #tpu.memory_space<vmem>>, vector<1x16xi32>,
        %add3A_501 = arith.constant 64 : i32
        %add3A_502 = arith.addi %mul3A_460, %add3A_501 : i32
        %add3A_503 = vector.broadcast %add3A_502 : i32 to vector<16xi32>
        %add3A_504 = arith.addi %add3A_503, %iota3A : vector<16xi32>
        %swap3A_505 = arith.constant 3 : i32
        %swap3A_506 = arith.index_cast %swap3A_505 : i32 to index
        %swap3A_507 = arith.constant 64 : index
        %swap3A_508 = tpu.vector_load %arg15[%swap3A_506, %swap3A_507] {strides = array<i32>} : memref<4x80xi32, #tpu.memory_space<vmem>>, vector<1x16xi32>,
        %swap3A_509 = vector.shape_cast %swap3A_508 : vector<1x16xi32> to vector<16xi32>
        %swap3A_510 = vector.shape_cast %add3A_504 : vector<16xi32> to vector<1x16xi32>
        tpu.vector_store %arg15[%swap3A_506, %swap3A_507], %swap3A_510 {strides = array<i32>} : memref<4x80xi32, #tpu.memory_space<vmem>>, vector<1x16xi32>,
        %eq3A_511 = arith.constant 0 : i32
        %eq3A_512 = arith.cmpi eq, %arg0, %eq3A_511 : i32
        %convert_element_type3A_513 = arith.extui %eq3A_512 : i1 to i32
        %cond3A_514 = arith.constant 0 : i32
        %cond3A_515 = arith.cmpi ne, %convert_element_type3A_513, %cond3A_514 : i32
        scf.if %cond3A_515 {
          %dma_start3A_521 = arith.constant 3 : i32
          %dma_start3A_522 = arith.constant 0 : i32
          %dma_start3A_523 = tpu.memref_slice %arg15[%dma_start3A_521, %dma_start3A_522] : memref<4x80xi32, #tpu.memory_space<vmem>> -> memref<1x80xi32, #tpu.memory_space<vmem>>
          %dma_start3A_524 = tpu.memref_squeeze %dma_start3A_523 : memref<1x80xi32, #tpu.memory_space<vmem>> -> memref<80xi32, #tpu.memory_space<vmem>>
          %dma_start3A_525 = arith.constant 0 : i32
          %dma_start3A_526 = arith.constant 0 : i32
          %dma_start3A_527 = tpu.memref_slice %arg8[%dma_start3A_525, %dma_start3A_526] : memref<160000x128xf32, #tpu.memory_space<hbm>> -> memref<160000x128xf32, #tpu.memory_space<hbm>>
          tpu.enqueue_indirect_dma source(%dma_start3A_527 : memref<160000x128xf32, #tpu.memory_space<hbm>>) target(%arg19 : memref<80x128xf32, #tpu.memory_space<vmem>>) offsets(%dma_start3A_524 : memref<80xi32, #tpu.memory_space<vmem>>) semaphore(%arg28 : memref<!tpu.dma_semaphore, #tpu.memory_space<semaphore_mem>>) {add = true}
        } else {
        }
        %eq3A_516 = arith.constant 1 : i32
        %eq3A_517 = arith.cmpi eq, %arg0, %eq3A_516 : i32
        %convert_element_type3A_518 = arith.extui %eq3A_517 : i1 to i32
        %cond3A_519 = arith.constant 0 : i32
        %cond3A_520 = arith.cmpi ne, %convert_element_type3A_518, %cond3A_519 : i32
        scf.if %cond3A_520 {
          %dma_start3A_521 = arith.constant 3 : i32
          %dma_start3A_522 = arith.constant 0 : i32
          %dma_start3A_523 = tpu.memref_slice %arg15[%dma_start3A_521, %dma_start3A_522] : memref<4x80xi32, #tpu.memory_space<vmem>> -> memref<1x80xi32, #tpu.memory_space<vmem>>
          %dma_start3A_524 = tpu.memref_squeeze %dma_start3A_523 : memref<1x80xi32, #tpu.memory_space<vmem>> -> memref<80xi32, #tpu.memory_space<vmem>>
          %dma_start3A_525 = arith.constant 0 : i32
          %dma_start3A_526 = arith.constant 0 : i32
          %dma_start3A_527 = tpu.memref_slice %arg9[%dma_start3A_525, %dma_start3A_526] : memref<160000x128xf32, #tpu.memory_space<hbm>> -> memref<160000x128xf32, #tpu.memory_space<hbm>>
          tpu.enqueue_indirect_dma source(%dma_start3A_527 : memref<160000x128xf32, #tpu.memory_space<hbm>>) target(%arg19 : memref<80x128xf32, #tpu.memory_space<vmem>>) offsets(%dma_start3A_524 : memref<80xi32, #tpu.memory_space<vmem>>) semaphore(%arg28 : memref<!tpu.dma_semaphore, #tpu.memory_space<semaphore_mem>>) {add = true}
        } else {
        }
      } else {
      }
      %mul3A_411 = arith.constant 4 : i32
      %mul3A_412 = arith.muli %mul3A_411, %scan3A_301 : i32
      %add3A_413 = arith.constant 3 : i32
      %add3A_414 = arith.addi %mul3A_412, %add3A_413 : i32
      %add3A_415 = arith.constant 1 : i32
      %add3A_416 = arith.addi %add3A_414, %add3A_415 : i32
      %lt3A_417 = arith.constant 125 : i32
      %lt3A_418 = arith.cmpi slt, %add3A_416, %lt3A_417 : i32
      %convert_element_type3A_419 = arith.extui %lt3A_418 : i1 to i32
      %cond3A_420 = arith.constant 0 : i32
      %cond3A_421 = arith.cmpi ne, %convert_element_type3A_419, %cond3A_420 : i32
      scf.if %cond3A_421 {
        %dma_wait3A_448 = arith.constant 0 : i32
        %dma_wait3A_449 = arith.constant 0 : i32
        %dma_wait3A_450 = tpu.memref_slice %arg10[%dma_wait3A_448, %dma_wait3A_449] : memref<10000x128xf32, #tpu.memory_space<hbm>> -> memref<80x128xf32, #tpu.memory_space<hbm>>
        %dma_wait3A_451 = arith.constant 0 : i32
        %dma_wait3A_452 = arith.constant 0 : i32
        %dma_wait3A_453 = tpu.memref_slice %arg10[%dma_wait3A_451, %dma_wait3A_452] : memref<10000x128xf32, #tpu.memory_space<hbm>> -> memref<80x128xf32, #tpu.memory_space<hbm>>
        tpu.wait_dma2 semaphore(%arg25 : memref<!tpu.dma_semaphore, #tpu.memory_space<semaphore_mem>>) src(%dma_wait3A_453 : memref<80x128xf32, #tpu.memory_space<hbm>>) dst(%arg16 : memref<80x128xf32, #tpu.memory_space<vmem>>)
        %eq3A_454 = arith.constant 0 : i32
        %eq3A_455 = arith.cmpi eq, %arg0, %eq3A_454 : i32
        %convert_element_type3A_456 = arith.extui %eq3A_455 : i1 to i32
        %cond3A_457 = arith.constant 0 : i32
        %cond3A_458 = arith.cmpi ne, %convert_element_type3A_456, %cond3A_457 : i32
        scf.if %cond3A_458 {
          %dma_start3A_464 = arith.constant 0 : i32
          %dma_start3A_465 = arith.constant 0 : i32
          %dma_start3A_466 = tpu.memref_slice %arg14[%dma_start3A_464, %dma_start3A_465] : memref<4x80xi32, #tpu.memory_space<vmem>> -> memref<1x80xi32, #tpu.memory_space<vmem>>
          %dma_start3A_467 = tpu.memref_squeeze %dma_start3A_466 : memref<1x80xi32, #tpu.memory_space<vmem>> -> memref<80xi32, #tpu.memory_space<vmem>>
          %dma_start3A_468 = arith.constant 0 : i32
          %dma_start3A_469 = arith.constant 0 : i32
          %dma_start3A_470 = tpu.memref_slice %arg6[%dma_start3A_468, %dma_start3A_469] : memref<10000x128xf32, #tpu.memory_space<hbm>> -> memref<10000x128xf32, #tpu.memory_space<hbm>>
          tpu.enqueue_indirect_dma source(%dma_start3A_470 : memref<10000x128xf32, #tpu.memory_space<hbm>>) target(%arg16 : memref<80x128xf32, #tpu.memory_space<vmem>>) offsets(%dma_start3A_467 : memref<80xi32, #tpu.memory_space<vmem>>) semaphore(%arg25 : memref<!tpu.dma_semaphore, #tpu.memory_space<semaphore_mem>>) {add = true}
        } else {
        }
        %eq3A_459 = arith.constant 1 : i32
        %eq3A_460 = arith.cmpi eq, %arg0, %eq3A_459 : i32
        %convert_element_type3A_461 = arith.extui %eq3A_460 : i1 to i32
        %cond3A_462 = arith.constant 0 : i32
        %cond3A_463 = arith.cmpi ne, %convert_element_type3A_461, %cond3A_462 : i32
        scf.if %cond3A_463 {
          %dma_start3A_464 = arith.constant 0 : i32
          %dma_start3A_465 = arith.constant 0 : i32
          %dma_start3A_466 = tpu.memref_slice %arg14[%dma_start3A_464, %dma_start3A_465] : memref<4x80xi32, #tpu.memory_space<vmem>> -> memref<1x80xi32, #tpu.memory_space<vmem>>
          %dma_start3A_467 = tpu.memref_squeeze %dma_start3A_466 : memref<1x80xi32, #tpu.memory_space<vmem>> -> memref<80xi32, #tpu.memory_space<vmem>>
          %dma_start3A_468 = arith.constant 0 : i32
          %dma_start3A_469 = arith.constant 0 : i32
          %dma_start3A_470 = tpu.memref_slice %arg7[%dma_start3A_468, %dma_start3A_469] : memref<10000x128xf32, #tpu.memory_space<hbm>> -> memref<10000x128xf32, #tpu.memory_space<hbm>>
          tpu.enqueue_indirect_dma source(%dma_start3A_470 : memref<10000x128xf32, #tpu.memory_space<hbm>>) target(%arg16 : memref<80x128xf32, #tpu.memory_space<vmem>>) offsets(%dma_start3A_467 : memref<80xi32, #tpu.memory_space<vmem>>) semaphore(%arg25 : memref<!tpu.dma_semaphore, #tpu.memory_space<semaphore_mem>>) {add = true}
        } else {
        }
      } else {
      }
      %add3A_422 = arith.constant 2 : i32
      %add3A_423 = arith.addi %add3A_414, %add3A_422 : i32
      %lt3A_424 = arith.constant 125 : i32
      %lt3A_425 = arith.cmpi slt, %add3A_423, %lt3A_424 : i32
      %convert_element_type3A_426 = arith.extui %lt3A_425 : i1 to i32
      %cond3A_427 = arith.constant 0 : i32
      %cond3A_428 = arith.cmpi ne, %convert_element_type3A_426, %cond3A_427 : i32
      scf.if %cond3A_428 {
        %dma_wait3A_448 = arith.constant 0 : i32
        %dma_wait3A_449 = arith.constant 1 : i32
        %dma_wait3A_450 = arith.constant 0 : i32
        %dma_wait3A_451 = tpu.memref_slice %arg13[%dma_wait3A_449, %dma_wait3A_450] : memref<4x80xi32, #tpu.memory_space<vmem>> -> memref<1x80xi32, #tpu.memory_space<vmem>>
        %dma_wait3A_452 = tpu.memref_squeeze %dma_wait3A_451 : memref<1x80xi32, #tpu.memory_space<vmem>> -> memref<80xi32, #tpu.memory_space<vmem>>
        %dma_wait3A_453 = arith.constant 0 : i32
        %dma_wait3A_454 = tpu.memref_slice %arg2[%dma_wait3A_448, %dma_wait3A_453] : memref<2000x80xi32, #tpu.memory_space<hbm>> -> memref<1x80xi32, #tpu.memory_space<hbm>>
        %dma_wait3A_455 = tpu.memref_squeeze %dma_wait3A_454 : memref<1x80xi32, #tpu.memory_space<hbm>> -> memref<80xi32, #tpu.memory_space<hbm>>
        %dma_wait3A_456 = arith.constant 0 : i32
        %dma_wait3A_457 = tpu.memref_slice %arg13[%dma_wait3A_449, %dma_wait3A_456] : memref<4x80xi32, #tpu.memory_space<vmem>> -> memref<1x80xi32, #tpu.memory_space<vmem>>
        %dma_wait3A_458 = tpu.memref_squeeze %dma_wait3A_457 : memref<1x80xi32, #tpu.memory_space<vmem>> -> memref<80xi32, #tpu.memory_space<vmem>>
        %dma_wait3A_459 = arith.constant 0 : i32
        %dma_wait3A_460 = tpu.memref_slice %arg2[%dma_wait3A_448, %dma_wait3A_459] : memref<2000x80xi32, #tpu.memory_space<hbm>> -> memref<1x80xi32, #tpu.memory_space<hbm>>
        %dma_wait3A_461 = tpu.memref_squeeze %dma_wait3A_460 : memref<1x80xi32, #tpu.memory_space<hbm>> -> memref<80xi32, #tpu.memory_space<hbm>>
        tpu.wait_dma2 semaphore(%arg22 : memref<!tpu.dma_semaphore, #tpu.memory_space<semaphore_mem>>) src(%dma_wait3A_461 : memref<80xi32, #tpu.memory_space<hbm>>) dst(%dma_wait3A_458 : memref<80xi32, #tpu.memory_space<vmem>>)
        %dma_wait3A_462 = arith.constant 0 : i32
        %dma_wait3A_463 = arith.constant 1 : i32
        %dma_wait3A_464 = arith.constant 0 : i32
        %dma_wait3A_465 = tpu.memref_slice %arg14[%dma_wait3A_463, %dma_wait3A_464] : memref<4x80xi32, #tpu.memory_space<vmem>> -> memref<1x80xi32, #tpu.memory_space<vmem>>
        %dma_wait3A_466 = tpu.memref_squeeze %dma_wait3A_465 : memref<1x80xi32, #tpu.memory_space<vmem>> -> memref<80xi32, #tpu.memory_space<vmem>>
        %dma_wait3A_467 = arith.constant 0 : i32
        %dma_wait3A_468 = tpu.memref_slice %arg3[%dma_wait3A_462, %dma_wait3A_467] : memref<2000x80xi32, #tpu.memory_space<hbm>> -> memref<1x80xi32, #tpu.memory_space<hbm>>
        %dma_wait3A_469 = tpu.memref_squeeze %dma_wait3A_468 : memref<1x80xi32, #tpu.memory_space<hbm>> -> memref<80xi32, #tpu.memory_space<hbm>>
        %dma_wait3A_470 = arith.constant 0 : i32
        %dma_wait3A_471 = tpu.memref_slice %arg14[%dma_wait3A_463, %dma_wait3A_470] : memref<4x80xi32, #tpu.memory_space<vmem>> -> memref<1x80xi32, #tpu.memory_space<vmem>>
        %dma_wait3A_472 = tpu.memref_squeeze %dma_wait3A_471 : memref<1x80xi32, #tpu.memory_space<vmem>> -> memref<80xi32, #tpu.memory_space<vmem>>
        %dma_wait3A_473 = arith.constant 0 : i32
        %dma_wait3A_474 = tpu.memref_slice %arg3[%dma_wait3A_462, %dma_wait3A_473] : memref<2000x80xi32, #tpu.memory_space<hbm>> -> memref<1x80xi32, #tpu.memory_space<hbm>>
        %dma_wait3A_475 = tpu.memref_squeeze %dma_wait3A_474 : memref<1x80xi32, #tpu.memory_space<hbm>> -> memref<80xi32, #tpu.memory_space<hbm>>
        tpu.wait_dma2 semaphore(%arg22 : memref<!tpu.dma_semaphore, #tpu.memory_space<semaphore_mem>>) src(%dma_wait3A_475 : memref<80xi32, #tpu.memory_space<hbm>>) dst(%dma_wait3A_472 : memref<80xi32, #tpu.memory_space<vmem>>)
        %eq3A_476 = arith.constant 0 : i32
        %eq3A_477 = arith.cmpi eq, %arg0, %eq3A_476 : i32
        %convert_element_type3A_478 = arith.extui %eq3A_477 : i1 to i32
        %cond3A_479 = arith.constant 0 : i32
        %cond3A_480 = arith.cmpi ne, %convert_element_type3A_478, %cond3A_479 : i32
        scf.if %cond3A_480 {
          %dma_start3A_486 = arith.constant 1 : i32
          %dma_start3A_487 = arith.constant 0 : i32
          %dma_start3A_488 = tpu.memref_slice %arg13[%dma_start3A_486, %dma_start3A_487] : memref<4x80xi32, #tpu.memory_space<vmem>> -> memref<1x80xi32, #tpu.memory_space<vmem>>
          %dma_start3A_489 = tpu.memref_squeeze %dma_start3A_488 : memref<1x80xi32, #tpu.memory_space<vmem>> -> memref<80xi32, #tpu.memory_space<vmem>>
          %dma_start3A_490 = arith.constant 0 : i32
          %dma_start3A_491 = arith.constant 0 : i32
          %dma_start3A_492 = tpu.memref_slice %arg4[%dma_start3A_490, %dma_start3A_491] : memref<10000x128xf32, #tpu.memory_space<hbm>> -> memref<10000x128xf32, #tpu.memory_space<hbm>>
          tpu.enqueue_indirect_dma source(%dma_start3A_492 : memref<10000x128xf32, #tpu.memory_space<hbm>>) target(%arg17 : memref<80x128xf32, #tpu.memory_space<vmem>>) offsets(%dma_start3A_489 : memref<80xi32, #tpu.memory_space<vmem>>) semaphore(%arg26 : memref<!tpu.dma_semaphore, #tpu.memory_space<semaphore_mem>>)
        } else {
        }
        %eq3A_481 = arith.constant 1 : i32
        %eq3A_482 = arith.cmpi eq, %arg0, %eq3A_481 : i32
        %convert_element_type3A_483 = arith.extui %eq3A_482 : i1 to i32
        %cond3A_484 = arith.constant 0 : i32
        %cond3A_485 = arith.cmpi ne, %convert_element_type3A_483, %cond3A_484 : i32
        scf.if %cond3A_485 {
          %dma_start3A_486 = arith.constant 1 : i32
          %dma_start3A_487 = arith.constant 0 : i32
          %dma_start3A_488 = tpu.memref_slice %arg13[%dma_start3A_486, %dma_start3A_487] : memref<4x80xi32, #tpu.memory_space<vmem>> -> memref<1x80xi32, #tpu.memory_space<vmem>>
          %dma_start3A_489 = tpu.memref_squeeze %dma_start3A_488 : memref<1x80xi32, #tpu.memory_space<vmem>> -> memref<80xi32, #tpu.memory_space<vmem>>
          %dma_start3A_490 = arith.constant 0 : i32
          %dma_start3A_491 = arith.constant 0 : i32
          %dma_start3A_492 = tpu.memref_slice %arg5[%dma_start3A_490, %dma_start3A_491] : memref<10000x128xf32, #tpu.memory_space<hbm>> -> memref<10000x128xf32, #tpu.memory_space<hbm>>
          tpu.enqueue_indirect_dma source(%dma_start3A_492 : memref<10000x128xf32, #tpu.memory_space<hbm>>) target(%arg17 : memref<80x128xf32, #tpu.memory_space<vmem>>) offsets(%dma_start3A_489 : memref<80xi32, #tpu.memory_space<vmem>>) semaphore(%arg26 : memref<!tpu.dma_semaphore, #tpu.memory_space<semaphore_mem>>)
        } else {
        }
      } else {
      }
      %add3A_429 = arith.constant 3 : i32
      %add3A_430 = arith.addi %add3A_414, %add3A_429 : i32
      %lt3A_431 = arith.constant 125 : i32
      %lt3A_432 = arith.cmpi slt, %add3A_430, %lt3A_431 : i32
      %convert_element_type3A_433 = arith.extui %lt3A_432 : i1 to i32
      %cond3A_434 = arith.constant 0 : i32
      %cond3A_435 = arith.cmpi ne, %convert_element_type3A_433, %cond3A_434 : i32
      scf.if %cond3A_435 {
        %ge3A = arith.constant 1 : i32
        %ge3A_448 = arith.cmpi sge, %add3A_414, %ge3A : i32
        %convert_element_type3A_449 = arith.extui %ge3A_448 : i1 to i32
        %cond3A_450 = arith.constant 0 : i32
        %cond3A_451 = arith.cmpi ne, %convert_element_type3A_449, %cond3A_450 : i32
        scf.if %cond3A_451 {
          %mul3A_483 = arith.constant 128 : i32
          %mul3A_484 = arith.muli %arg0, %mul3A_483 : i32
          %dma_wait3A_485 = arith.constant 0 : i32
          %dma_wait3A_486 = tpu.memref_slice %arg11[%dma_wait3A_485, %mul3A_484] : memref<160000x256xf32, #tpu.memory_space<hbm>> -> memref<80x128xf32, #tpu.memory_space<hbm>>
          %dma_wait3A_487 = arith.constant 0 : i32
          %dma_wait3A_488 = tpu.memref_slice %arg11[%dma_wait3A_487, %mul3A_484] : memref<160000x256xf32, #tpu.memory_space<hbm>> -> memref<80x128xf32, #tpu.memory_space<hbm>>
          tpu.wait_dma2 semaphore(%arg31 : memref<!tpu.dma_semaphore, #tpu.memory_space<semaphore_mem>>) src(%arg18 : memref<80x128xf32, #tpu.memory_space<vmem>>) dst(%dma_wait3A_488 : memref<80x128xf32, #tpu.memory_space<hbm>>)
          %dma_wait3A_489 = arith.constant 0 : i32
          %dma_wait3A_490 = arith.constant 0 : i32
          %dma_wait3A_491 = tpu.memref_slice %arg10[%dma_wait3A_489, %dma_wait3A_490] : memref<10000x128xf32, #tpu.memory_space<hbm>> -> memref<80x128xf32, #tpu.memory_space<hbm>>
          %dma_wait3A_492 = arith.constant 0 : i32
          %dma_wait3A_493 = arith.constant 0 : i32
          %dma_wait3A_494 = tpu.memref_slice %arg10[%dma_wait3A_492, %dma_wait3A_493] : memref<10000x128xf32, #tpu.memory_space<hbm>> -> memref<80x128xf32, #tpu.memory_space<hbm>>
          tpu.wait_dma2 semaphore(%arg35 : memref<!tpu.dma_semaphore, #tpu.memory_space<semaphore_mem>>) src(%dma_wait3A_494 : memref<80x128xf32, #tpu.memory_space<hbm>>) dst(%arg18 : memref<80x128xf32, #tpu.memory_space<vmem>>)
        } else {
        }
        %add3A_452 = arith.constant 3 : i32
        %add3A_453 = arith.addi %add3A_414, %add3A_452 : i32
        %mul3A_454 = arith.constant 16 : i32
        %mul3A_455 = arith.muli %mul3A_454, %add3A_453 : i32
        %add3A_456 = arith.addi %arg1, %mul3A_455 : i32
        %dma_start3A_457 = arith.constant 2 : i32
        %dma_start3A_458 = arith.constant 0 : i32
        %dma_start3A_459 = tpu.memref_slice %arg13[%dma_start3A_457, %dma_start3A_458] : memref<4x80xi32, #tpu.memory_space<vmem>> -> memref<1x80xi32, #tpu.memory_space<vmem>>
        %dma_start3A_460 = tpu.memref_squeeze %dma_start3A_459 : memref<1x80xi32, #tpu.memory_space<vmem>> -> memref<80xi32, #tpu.memory_space<vmem>>
        %dma_start3A_461 = arith.constant 0 : i32
        %dma_start3A_462 = tpu.memref_slice %arg2[%add3A_456, %dma_start3A_461] : memref<2000x80xi32, #tpu.memory_space<hbm>> -> memref<1x80xi32, #tpu.memory_space<hbm>>
        %dma_start3A_463 = tpu.memref_squeeze %dma_start3A_462 : memref<1x80xi32, #tpu.memory_space<hbm>> -> memref<80xi32, #tpu.memory_space<hbm>>
        %dma_start3A_464 = arith.constant 0 : i32
        %dma_start3A_465 = tpu.memref_slice %arg13[%dma_start3A_457, %dma_start3A_464] : memref<4x80xi32, #tpu.memory_space<vmem>> -> memref<1x80xi32, #tpu.memory_space<vmem>>
        %dma_start3A_466 = tpu.memref_squeeze %dma_start3A_465 : memref<1x80xi32, #tpu.memory_space<vmem>> -> memref<80xi32, #tpu.memory_space<vmem>>
        %dma_start3A_467 = arith.constant 0 : i32
        %dma_start3A_468 = tpu.memref_slice %arg2[%add3A_456, %dma_start3A_467] : memref<2000x80xi32, #tpu.memory_space<hbm>> -> memref<1x80xi32, #tpu.memory_space<hbm>>
        %dma_start3A_469 = tpu.memref_squeeze %dma_start3A_468 : memref<1x80xi32, #tpu.memory_space<hbm>> -> memref<80xi32, #tpu.memory_space<hbm>>
        tpu.enqueue_dma source(%dma_start3A_469 : memref<80xi32, #tpu.memory_space<hbm>>) target(%dma_start3A_466 : memref<80xi32, #tpu.memory_space<vmem>>) target_semaphore(%arg23 : memref<!tpu.dma_semaphore, #tpu.memory_space<semaphore_mem>>)
        %dma_start3A_470 = arith.constant 2 : i32
        %dma_start3A_471 = arith.constant 0 : i32
        %dma_start3A_472 = tpu.memref_slice %arg14[%dma_start3A_470, %dma_start3A_471] : memref<4x80xi32, #tpu.memory_space<vmem>> -> memref<1x80xi32, #tpu.memory_space<vmem>>
        %dma_start3A_473 = tpu.memref_squeeze %dma_start3A_472 : memref<1x80xi32, #tpu.memory_space<vmem>> -> memref<80xi32, #tpu.memory_space<vmem>>
        %dma_start3A_474 = arith.constant 0 : i32
        %dma_start3A_475 = tpu.memref_slice %arg3[%add3A_456, %dma_start3A_474] : memref<2000x80xi32, #tpu.memory_space<hbm>> -> memref<1x80xi32, #tpu.memory_space<hbm>>
        %dma_start3A_476 = tpu.memref_squeeze %dma_start3A_475 : memref<1x80xi32, #tpu.memory_space<hbm>> -> memref<80xi32, #tpu.memory_space<hbm>>
        %dma_start3A_477 = arith.constant 0 : i32
        %dma_start3A_478 = tpu.memref_slice %arg14[%dma_start3A_470, %dma_start3A_477] : memref<4x80xi32, #tpu.memory_space<vmem>> -> memref<1x80xi32, #tpu.memory_space<vmem>>
        %dma_start3A_479 = tpu.memref_squeeze %dma_start3A_478 : memref<1x80xi32, #tpu.memory_space<vmem>> -> memref<80xi32, #tpu.memory_space<vmem>>
        %dma_start3A_480 = arith.constant 0 : i32
        %dma_start3A_481 = tpu.memref_slice %arg3[%add3A_456, %dma_start3A_480] : memref<2000x80xi32, #tpu.memory_space<hbm>> -> memref<1x80xi32, #tpu.memory_space<hbm>>
        %dma_start3A_482 = tpu.memref_squeeze %dma_start3A_481 : memref<1x80xi32, #tpu.memory_space<hbm>> -> memref<80xi32, #tpu.memory_space<hbm>>
        tpu.enqueue_dma source(%dma_start3A_482 : memref<80xi32, #tpu.memory_space<hbm>>) target(%dma_start3A_479 : memref<80xi32, #tpu.memory_space<vmem>>) target_semaphore(%arg23 : memref<!tpu.dma_semaphore, #tpu.memory_space<semaphore_mem>>)
      } else {
      }
      %lt3A_436 = arith.constant 125 : i32
      %lt3A_437 = arith.cmpi slt, %add3A_414, %lt3A_436 : i32
      %convert_element_type3A_438 = arith.extui %lt3A_437 : i1 to i32
      %cond3A_439 = arith.constant 0 : i32
      %cond3A_440 = arith.cmpi ne, %convert_element_type3A_438, %cond3A_439 : i32
      scf.if %cond3A_440 {
        %dma_wait3A_448 = arith.constant 0 : i32
        %dma_wait3A_449 = arith.constant 0 : i32
        %dma_wait3A_450 = tpu.memref_slice %arg10[%dma_wait3A_448, %dma_wait3A_449] : memref<10000x128xf32, #tpu.memory_space<hbm>> -> memref<80x128xf32, #tpu.memory_space<hbm>>
        %dma_wait3A_451 = arith.constant 0 : i32
        %dma_wait3A_452 = arith.constant 0 : i32
        %dma_wait3A_453 = tpu.memref_slice %arg10[%dma_wait3A_451, %dma_wait3A_452] : memref<10000x128xf32, #tpu.memory_space<hbm>> -> memref<80x128xf32, #tpu.memory_space<hbm>>
        tpu.wait_dma2 semaphore(%arg28 : memref<!tpu.dma_semaphore, #tpu.memory_space<semaphore_mem>>) src(%dma_wait3A_453 : memref<80x128xf32, #tpu.memory_space<hbm>>) dst(%arg19 : memref<80x128xf32, #tpu.memory_space<vmem>>)
        %scan3A_454 = arith.constant 0 : i32
        %scan3A_455 = arith.constant 0 : i32
        %scan3A_456 = arith.constant 80 : i32
        %scan3A_457 = arith.addi %scan3A_455, %scan3A_456 : i32
        %scan3A_458 = arith.constant 2 : i32
        scf.for %scan3A_476 = %scan3A_455 to %scan3A_457 step %scan3A_458  : i32 {
          %get3A = arith.index_cast %scan3A_476 : i32 to index
          %get3A_477 = arith.constant 0 : index
          %get3A_478 = tpu.vector_load %arg19[%get3A, %get3A_477] {strides = array<i32>} : memref<80x128xf32, #tpu.memory_space<vmem>>, vector<1x16xf32>,
          %get3A_479 = vector.shape_cast %get3A_478 : vector<1x16xf32> to vector<16xf32>
          %max3A = arith.constant 0.000000e+00 : f32
          %max3A_480 = vector.broadcast %max3A : f32 to vector<16xf32>
          %max3A_481 = arith.maximumf %get3A_479, %max3A_480 : vector<16xf32>
          %swap3A_482 = arith.index_cast %scan3A_476 : i32 to index
          %swap3A_483 = arith.constant 0 : index
          %swap3A_484 = tpu.vector_load %arg19[%swap3A_482, %swap3A_483] {strides = array<i32>} : memref<80x128xf32, #tpu.memory_space<vmem>>, vector<1x16xf32>,
          %swap3A_485 = vector.shape_cast %swap3A_484 : vector<1x16xf32> to vector<16xf32>
          %swap3A_486 = vector.shape_cast %max3A_481 : vector<16xf32> to vector<1x16xf32>
          tpu.vector_store %arg19[%swap3A_482, %swap3A_483], %swap3A_486 {strides = array<i32>} : memref<80x128xf32, #tpu.memory_space<vmem>>, vector<1x16xf32>,
          %get3A_487 = arith.index_cast %scan3A_476 : i32 to index
          %get3A_488 = arith.constant 16 : index
          %get3A_489 = tpu.vector_load %arg19[%get3A_487, %get3A_488] {strides = array<i32>} : memref<80x128xf32, #tpu.memory_space<vmem>>, vector<1x16xf32>,
          %get3A_490 = vector.shape_cast %get3A_489 : vector<1x16xf32> to vector<16xf32>
          %max3A_491 = arith.constant 0.000000e+00 : f32
          %max3A_492 = vector.broadcast %max3A_491 : f32 to vector<16xf32>
          %max3A_493 = arith.maximumf %get3A_490, %max3A_492 : vector<16xf32>
          %swap3A_494 = arith.index_cast %scan3A_476 : i32 to index
          %swap3A_495 = arith.constant 16 : index
          %swap3A_496 = tpu.vector_load %arg19[%swap3A_494, %swap3A_495] {strides = array<i32>} : memref<80x128xf32, #tpu.memory_space<vmem>>, vector<1x16xf32>,
          %swap3A_497 = vector.shape_cast %swap3A_496 : vector<1x16xf32> to vector<16xf32>
          %swap3A_498 = vector.shape_cast %max3A_493 : vector<16xf32> to vector<1x16xf32>
          tpu.vector_store %arg19[%swap3A_494, %swap3A_495], %swap3A_498 {strides = array<i32>} : memref<80x128xf32, #tpu.memory_space<vmem>>, vector<1x16xf32>,
          %get3A_499 = arith.index_cast %scan3A_476 : i32 to index
          %get3A_500 = arith.constant 32 : index
          %get3A_501 = tpu.vector_load %arg19[%get3A_499, %get3A_500] {strides = array<i32>} : memref<80x128xf32, #tpu.memory_space<vmem>>, vector<1x16xf32>,
          %get3A_502 = vector.shape_cast %get3A_501 : vector<1x16xf32> to vector<16xf32>
          %max3A_503 = arith.constant 0.000000e+00 : f32
          %max3A_504 = vector.broadcast %max3A_503 : f32 to vector<16xf32>
          %max3A_505 = arith.maximumf %get3A_502, %max3A_504 : vector<16xf32>
          %swap3A_506 = arith.index_cast %scan3A_476 : i32 to index
          %swap3A_507 = arith.constant 32 : index
          %swap3A_508 = tpu.vector_load %arg19[%swap3A_506, %swap3A_507] {strides = array<i32>} : memref<80x128xf32, #tpu.memory_space<vmem>>, vector<1x16xf32>,
          %swap3A_509 = vector.shape_cast %swap3A_508 : vector<1x16xf32> to vector<16xf32>
          %swap3A_510 = vector.shape_cast %max3A_505 : vector<16xf32> to vector<1x16xf32>
          tpu.vector_store %arg19[%swap3A_506, %swap3A_507], %swap3A_510 {strides = array<i32>} : memref<80x128xf32, #tpu.memory_space<vmem>>, vector<1x16xf32>,
          %get3A_511 = arith.index_cast %scan3A_476 : i32 to index
          %get3A_512 = arith.constant 48 : index
          %get3A_513 = tpu.vector_load %arg19[%get3A_511, %get3A_512] {strides = array<i32>} : memref<80x128xf32, #tpu.memory_space<vmem>>, vector<1x16xf32>,
          %get3A_514 = vector.shape_cast %get3A_513 : vector<1x16xf32> to vector<16xf32>
          %max3A_515 = arith.constant 0.000000e+00 : f32
          %max3A_516 = vector.broadcast %max3A_515 : f32 to vector<16xf32>
          %max3A_517 = arith.maximumf %get3A_514, %max3A_516 : vector<16xf32>
          %swap3A_518 = arith.index_cast %scan3A_476 : i32 to index
          %swap3A_519 = arith.constant 48 : index
          %swap3A_520 = tpu.vector_load %arg19[%swap3A_518, %swap3A_519] {strides = array<i32>} : memref<80x128xf32, #tpu.memory_space<vmem>>, vector<1x16xf32>,
          %swap3A_521 = vector.shape_cast %swap3A_520 : vector<1x16xf32> to vector<16xf32>
          %swap3A_522 = vector.shape_cast %max3A_517 : vector<16xf32> to vector<1x16xf32>
          tpu.vector_store %arg19[%swap3A_518, %swap3A_519], %swap3A_522 {strides = array<i32>} : memref<80x128xf32, #tpu.memory_space<vmem>>, vector<1x16xf32>,
          %get3A_523 = arith.index_cast %scan3A_476 : i32 to index
          %get3A_524 = arith.constant 64 : index
          %get3A_525 = tpu.vector_load %arg19[%get3A_523, %get3A_524] {strides = array<i32>} : memref<80x128xf32, #tpu.memory_space<vmem>>, vector<1x16xf32>,
          %get3A_526 = vector.shape_cast %get3A_525 : vector<1x16xf32> to vector<16xf32>
          %max3A_527 = arith.constant 0.000000e+00 : f32
          %max3A_528 = vector.broadcast %max3A_527 : f32 to vector<16xf32>
          %max3A_529 = arith.maximumf %get3A_526, %max3A_528 : vector<16xf32>
          %swap3A_530 = arith.index_cast %scan3A_476 : i32 to index
          %swap3A_531 = arith.constant 64 : index
          %swap3A_532 = tpu.vector_load %arg19[%swap3A_530, %swap3A_531] {strides = array<i32>} : memref<80x128xf32, #tpu.memory_space<vmem>>, vector<1x16xf32>,
          %swap3A_533 = vector.shape_cast %swap3A_532 : vector<1x16xf32> to vector<16xf32>
          %swap3A_534 = vector.shape_cast %max3A_529 : vector<16xf32> to vector<1x16xf32>
          tpu.vector_store %arg19[%swap3A_530, %swap3A_531], %swap3A_534 {strides = array<i32>} : memref<80x128xf32, #tpu.memory_space<vmem>>, vector<1x16xf32>,
          %get3A_535 = arith.index_cast %scan3A_476 : i32 to index
          %get3A_536 = arith.constant 80 : index
          %get3A_537 = tpu.vector_load %arg19[%get3A_535, %get3A_536] {strides = array<i32>} : memref<80x128xf32, #tpu.memory_space<vmem>>, vector<1x16xf32>,
          %get3A_538 = vector.shape_cast %get3A_537 : vector<1x16xf32> to vector<16xf32>
          %max3A_539 = arith.constant 0.000000e+00 : f32
          %max3A_540 = vector.broadcast %max3A_539 : f32 to vector<16xf32>
          %max3A_541 = arith.maximumf %get3A_538, %max3A_540 : vector<16xf32>
          %swap3A_542 = arith.index_cast %scan3A_476 : i32 to index
          %swap3A_543 = arith.constant 80 : index
          %swap3A_544 = tpu.vector_load %arg19[%swap3A_542, %swap3A_543] {strides = array<i32>} : memref<80x128xf32, #tpu.memory_space<vmem>>, vector<1x16xf32>,
          %swap3A_545 = vector.shape_cast %swap3A_544 : vector<1x16xf32> to vector<16xf32>
          %swap3A_546 = vector.shape_cast %max3A_541 : vector<16xf32> to vector<1x16xf32>
          tpu.vector_store %arg19[%swap3A_542, %swap3A_543], %swap3A_546 {strides = array<i32>} : memref<80x128xf32, #tpu.memory_space<vmem>>, vector<1x16xf32>,
          %get3A_547 = arith.index_cast %scan3A_476 : i32 to index
          %get3A_548 = arith.constant 96 : index
          %get3A_549 = tpu.vector_load %arg19[%get3A_547, %get3A_548] {strides = array<i32>} : memref<80x128xf32, #tpu.memory_space<vmem>>, vector<1x16xf32>,
          %get3A_550 = vector.shape_cast %get3A_549 : vector<1x16xf32> to vector<16xf32>
          %max3A_551 = arith.constant 0.000000e+00 : f32
          %max3A_552 = vector.broadcast %max3A_551 : f32 to vector<16xf32>
          %max3A_553 = arith.maximumf %get3A_550, %max3A_552 : vector<16xf32>
          %swap3A_554 = arith.index_cast %scan3A_476 : i32 to index
          %swap3A_555 = arith.constant 96 : index
          %swap3A_556 = tpu.vector_load %arg19[%swap3A_554, %swap3A_555] {strides = array<i32>} : memref<80x128xf32, #tpu.memory_space<vmem>>, vector<1x16xf32>,
          %swap3A_557 = vector.shape_cast %swap3A_556 : vector<1x16xf32> to vector<16xf32>
          %swap3A_558 = vector.shape_cast %max3A_553 : vector<16xf32> to vector<1x16xf32>
          tpu.vector_store %arg19[%swap3A_554, %swap3A_555], %swap3A_558 {strides = array<i32>} : memref<80x128xf32, #tpu.memory_space<vmem>>, vector<1x16xf32>,
          %get3A_559 = arith.index_cast %scan3A_476 : i32 to index
          %get3A_560 = arith.constant 112 : index
          %get3A_561 = tpu.vector_load %arg19[%get3A_559, %get3A_560] {strides = array<i32>} : memref<80x128xf32, #tpu.memory_space<vmem>>, vector<1x16xf32>,
          %get3A_562 = vector.shape_cast %get3A_561 : vector<1x16xf32> to vector<16xf32>
          %max3A_563 = arith.constant 0.000000e+00 : f32
          %max3A_564 = vector.broadcast %max3A_563 : f32 to vector<16xf32>
          %max3A_565 = arith.maximumf %get3A_562, %max3A_564 : vector<16xf32>
          %swap3A_566 = arith.index_cast %scan3A_476 : i32 to index
          %swap3A_567 = arith.constant 112 : index
          %swap3A_568 = tpu.vector_load %arg19[%swap3A_566, %swap3A_567] {strides = array<i32>} : memref<80x128xf32, #tpu.memory_space<vmem>>, vector<1x16xf32>,
          %swap3A_569 = vector.shape_cast %swap3A_568 : vector<1x16xf32> to vector<16xf32>
          %swap3A_570 = vector.shape_cast %max3A_565 : vector<16xf32> to vector<1x16xf32>
          tpu.vector_store %arg19[%swap3A_566, %swap3A_567], %swap3A_570 {strides = array<i32>} : memref<80x128xf32, #tpu.memory_space<vmem>>, vector<1x16xf32>,
          %scan3A_571 = arith.constant 1 : i32
          %scan3A_572 = arith.addi %scan3A_476, %scan3A_571 : i32
          %get3A_573 = arith.index_cast %scan3A_572 : i32 to index
          %get3A_574 = arith.constant 0 : index
          %get3A_575 = tpu.vector_load %arg19[%get3A_573, %get3A_574] {strides = array<i32>} : memref<80x128xf32, #tpu.memory_space<vmem>>, vector<1x16xf32>,
          %get3A_576 = vector.shape_cast %get3A_575 : vector<1x16xf32> to vector<16xf32>
          %max3A_577 = arith.constant 0.000000e+00 : f32
          %max3A_578 = vector.broadcast %max3A_577 : f32 to vector<16xf32>
          %max3A_579 = arith.maximumf %get3A_576, %max3A_578 : vector<16xf32>
          %swap3A_580 = arith.index_cast %scan3A_572 : i32 to index
          %swap3A_581 = arith.constant 0 : index
          %swap3A_582 = tpu.vector_load %arg19[%swap3A_580, %swap3A_581] {strides = array<i32>} : memref<80x128xf32, #tpu.memory_space<vmem>>, vector<1x16xf32>,
          %swap3A_583 = vector.shape_cast %swap3A_582 : vector<1x16xf32> to vector<16xf32>
          %swap3A_584 = vector.shape_cast %max3A_579 : vector<16xf32> to vector<1x16xf32>
          tpu.vector_store %arg19[%swap3A_580, %swap3A_581], %swap3A_584 {strides = array<i32>} : memref<80x128xf32, #tpu.memory_space<vmem>>, vector<1x16xf32>,
          %get3A_585 = arith.index_cast %scan3A_572 : i32 to index
          %get3A_586 = arith.constant 16 : index
          %get3A_587 = tpu.vector_load %arg19[%get3A_585, %get3A_586] {strides = array<i32>} : memref<80x128xf32, #tpu.memory_space<vmem>>, vector<1x16xf32>,
          %get3A_588 = vector.shape_cast %get3A_587 : vector<1x16xf32> to vector<16xf32>
          %max3A_589 = arith.constant 0.000000e+00 : f32
          %max3A_590 = vector.broadcast %max3A_589 : f32 to vector<16xf32>
          %max3A_591 = arith.maximumf %get3A_588, %max3A_590 : vector<16xf32>
          %swap3A_592 = arith.index_cast %scan3A_572 : i32 to index
          %swap3A_593 = arith.constant 16 : index
          %swap3A_594 = tpu.vector_load %arg19[%swap3A_592, %swap3A_593] {strides = array<i32>} : memref<80x128xf32, #tpu.memory_space<vmem>>, vector<1x16xf32>,
          %swap3A_595 = vector.shape_cast %swap3A_594 : vector<1x16xf32> to vector<16xf32>
          %swap3A_596 = vector.shape_cast %max3A_591 : vector<16xf32> to vector<1x16xf32>
          tpu.vector_store %arg19[%swap3A_592, %swap3A_593], %swap3A_596 {strides = array<i32>} : memref<80x128xf32, #tpu.memory_space<vmem>>, vector<1x16xf32>,
          %get3A_597 = arith.index_cast %scan3A_572 : i32 to index
          %get3A_598 = arith.constant 32 : index
          %get3A_599 = tpu.vector_load %arg19[%get3A_597, %get3A_598] {strides = array<i32>} : memref<80x128xf32, #tpu.memory_space<vmem>>, vector<1x16xf32>,
          %get3A_600 = vector.shape_cast %get3A_599 : vector<1x16xf32> to vector<16xf32>
          %max3A_601 = arith.constant 0.000000e+00 : f32
          %max3A_602 = vector.broadcast %max3A_601 : f32 to vector<16xf32>
          %max3A_603 = arith.maximumf %get3A_600, %max3A_602 : vector<16xf32>
          %swap3A_604 = arith.index_cast %scan3A_572 : i32 to index
          %swap3A_605 = arith.constant 32 : index
          %swap3A_606 = tpu.vector_load %arg19[%swap3A_604, %swap3A_605] {strides = array<i32>} : memref<80x128xf32, #tpu.memory_space<vmem>>, vector<1x16xf32>,
          %swap3A_607 = vector.shape_cast %swap3A_606 : vector<1x16xf32> to vector<16xf32>
          %swap3A_608 = vector.shape_cast %max3A_603 : vector<16xf32> to vector<1x16xf32>
          tpu.vector_store %arg19[%swap3A_604, %swap3A_605], %swap3A_608 {strides = array<i32>} : memref<80x128xf32, #tpu.memory_space<vmem>>, vector<1x16xf32>,
          %get3A_609 = arith.index_cast %scan3A_572 : i32 to index
          %get3A_610 = arith.constant 48 : index
          %get3A_611 = tpu.vector_load %arg19[%get3A_609, %get3A_610] {strides = array<i32>} : memref<80x128xf32, #tpu.memory_space<vmem>>, vector<1x16xf32>,
          %get3A_612 = vector.shape_cast %get3A_611 : vector<1x16xf32> to vector<16xf32>
          %max3A_613 = arith.constant 0.000000e+00 : f32
          %max3A_614 = vector.broadcast %max3A_613 : f32 to vector<16xf32>
          %max3A_615 = arith.maximumf %get3A_612, %max3A_614 : vector<16xf32>
          %swap3A_616 = arith.index_cast %scan3A_572 : i32 to index
          %swap3A_617 = arith.constant 48 : index
          %swap3A_618 = tpu.vector_load %arg19[%swap3A_616, %swap3A_617] {strides = array<i32>} : memref<80x128xf32, #tpu.memory_space<vmem>>, vector<1x16xf32>,
          %swap3A_619 = vector.shape_cast %swap3A_618 : vector<1x16xf32> to vector<16xf32>
          %swap3A_620 = vector.shape_cast %max3A_615 : vector<16xf32> to vector<1x16xf32>
          tpu.vector_store %arg19[%swap3A_616, %swap3A_617], %swap3A_620 {strides = array<i32>} : memref<80x128xf32, #tpu.memory_space<vmem>>, vector<1x16xf32>,
          %get3A_621 = arith.index_cast %scan3A_572 : i32 to index
          %get3A_622 = arith.constant 64 : index
          %get3A_623 = tpu.vector_load %arg19[%get3A_621, %get3A_622] {strides = array<i32>} : memref<80x128xf32, #tpu.memory_space<vmem>>, vector<1x16xf32>,
          %get3A_624 = vector.shape_cast %get3A_623 : vector<1x16xf32> to vector<16xf32>
          %max3A_625 = arith.constant 0.000000e+00 : f32
          %max3A_626 = vector.broadcast %max3A_625 : f32 to vector<16xf32>
          %max3A_627 = arith.maximumf %get3A_624, %max3A_626 : vector<16xf32>
          %swap3A_628 = arith.index_cast %scan3A_572 : i32 to index
          %swap3A_629 = arith.constant 64 : index
          %swap3A_630 = tpu.vector_load %arg19[%swap3A_628, %swap3A_629] {strides = array<i32>} : memref<80x128xf32, #tpu.memory_space<vmem>>, vector<1x16xf32>,
          %swap3A_631 = vector.shape_cast %swap3A_630 : vector<1x16xf32> to vector<16xf32>
          %swap3A_632 = vector.shape_cast %max3A_627 : vector<16xf32> to vector<1x16xf32>
          tpu.vector_store %arg19[%swap3A_628, %swap3A_629], %swap3A_632 {strides = array<i32>} : memref<80x128xf32, #tpu.memory_space<vmem>>, vector<1x16xf32>,
          %get3A_633 = arith.index_cast %scan3A_572 : i32 to index
          %get3A_634 = arith.constant 80 : index
          %get3A_635 = tpu.vector_load %arg19[%get3A_633, %get3A_634] {strides = array<i32>} : memref<80x128xf32, #tpu.memory_space<vmem>>, vector<1x16xf32>,
          %get3A_636 = vector.shape_cast %get3A_635 : vector<1x16xf32> to vector<16xf32>
          %max3A_637 = arith.constant 0.000000e+00 : f32
          %max3A_638 = vector.broadcast %max3A_637 : f32 to vector<16xf32>
          %max3A_639 = arith.maximumf %get3A_636, %max3A_638 : vector<16xf32>
          %swap3A_640 = arith.index_cast %scan3A_572 : i32 to index
          %swap3A_641 = arith.constant 80 : index
          %swap3A_642 = tpu.vector_load %arg19[%swap3A_640, %swap3A_641] {strides = array<i32>} : memref<80x128xf32, #tpu.memory_space<vmem>>, vector<1x16xf32>,
          %swap3A_643 = vector.shape_cast %swap3A_642 : vector<1x16xf32> to vector<16xf32>
          %swap3A_644 = vector.shape_cast %max3A_639 : vector<16xf32> to vector<1x16xf32>
          tpu.vector_store %arg19[%swap3A_640, %swap3A_641], %swap3A_644 {strides = array<i32>} : memref<80x128xf32, #tpu.memory_space<vmem>>, vector<1x16xf32>,
          %get3A_645 = arith.index_cast %scan3A_572 : i32 to index
          %get3A_646 = arith.constant 96 : index
          %get3A_647 = tpu.vector_load %arg19[%get3A_645, %get3A_646] {strides = array<i32>} : memref<80x128xf32, #tpu.memory_space<vmem>>, vector<1x16xf32>,
          %get3A_648 = vector.shape_cast %get3A_647 : vector<1x16xf32> to vector<16xf32>
          %max3A_649 = arith.constant 0.000000e+00 : f32
          %max3A_650 = vector.broadcast %max3A_649 : f32 to vector<16xf32>
          %max3A_651 = arith.maximumf %get3A_648, %max3A_650 : vector<16xf32>
          %swap3A_652 = arith.index_cast %scan3A_572 : i32 to index
          %swap3A_653 = arith.constant 96 : index
          %swap3A_654 = tpu.vector_load %arg19[%swap3A_652, %swap3A_653] {strides = array<i32>} : memref<80x128xf32, #tpu.memory_space<vmem>>, vector<1x16xf32>,
          %swap3A_655 = vector.shape_cast %swap3A_654 : vector<1x16xf32> to vector<16xf32>
          %swap3A_656 = vector.shape_cast %max3A_651 : vector<16xf32> to vector<1x16xf32>
          tpu.vector_store %arg19[%swap3A_652, %swap3A_653], %swap3A_656 {strides = array<i32>} : memref<80x128xf32, #tpu.memory_space<vmem>>, vector<1x16xf32>,
          %get3A_657 = arith.index_cast %scan3A_572 : i32 to index
          %get3A_658 = arith.constant 112 : index
          %get3A_659 = tpu.vector_load %arg19[%get3A_657, %get3A_658] {strides = array<i32>} : memref<80x128xf32, #tpu.memory_space<vmem>>, vector<1x16xf32>,
          %get3A_660 = vector.shape_cast %get3A_659 : vector<1x16xf32> to vector<16xf32>
          %max3A_661 = arith.constant 0.000000e+00 : f32
          %max3A_662 = vector.broadcast %max3A_661 : f32 to vector<16xf32>
          %max3A_663 = arith.maximumf %get3A_660, %max3A_662 : vector<16xf32>
          %swap3A_664 = arith.index_cast %scan3A_572 : i32 to index
          %swap3A_665 = arith.constant 112 : index
          %swap3A_666 = tpu.vector_load %arg19[%swap3A_664, %swap3A_665] {strides = array<i32>} : memref<80x128xf32, #tpu.memory_space<vmem>>, vector<1x16xf32>,
          %swap3A_667 = vector.shape_cast %swap3A_666 : vector<1x16xf32> to vector<16xf32>
          %swap3A_668 = vector.shape_cast %max3A_663 : vector<16xf32> to vector<1x16xf32>
          tpu.vector_store %arg19[%swap3A_664, %swap3A_665], %swap3A_668 {strides = array<i32>} : memref<80x128xf32, #tpu.memory_space<vmem>>, vector<1x16xf32>,
        }
        %scan3A_459 = arith.constant 80 : i32
        %mul3A_460 = arith.constant 16 : i32
        %mul3A_461 = arith.muli %mul3A_460, %add3A_414 : i32
        %add3A_462 = arith.addi %arg1, %mul3A_461 : i32
        %mul3A_463 = arith.constant 80 : i32
        %mul3A_464 = arith.muli %add3A_462, %mul3A_463 : i32
        %mul3A_465 = arith.constant 128 : i32
        %mul3A_466 = arith.muli %arg0, %mul3A_465 : i32
        %dma_start3A_467 = tpu.memref_slice %arg11[%mul3A_464, %mul3A_466] : memref<160000x256xf32, #tpu.memory_space<hbm>> -> memref<80x128xf32, #tpu.memory_space<hbm>>
        %dma_start3A_468 = tpu.memref_slice %arg11[%mul3A_464, %mul3A_466] : memref<160000x256xf32, #tpu.memory_space<hbm>> -> memref<80x128xf32, #tpu.memory_space<hbm>>
        tpu.enqueue_dma source(%arg19 : memref<80x128xf32, #tpu.memory_space<vmem>>) target(%dma_start3A_468 : memref<80x128xf32, #tpu.memory_space<hbm>>) target_semaphore(%arg32 : memref<!tpu.dma_semaphore, #tpu.memory_space<semaphore_mem>>)
        %dma_start3A_469 = arith.constant 3 : i32
        %dma_start3A_470 = arith.constant 0 : i32
        %dma_start3A_471 = tpu.memref_slice %arg14[%dma_start3A_469, %dma_start3A_470] : memref<4x80xi32, #tpu.memory_space<vmem>> -> memref<1x80xi32, #tpu.memory_space<vmem>>
        %dma_start3A_472 = tpu.memref_squeeze %dma_start3A_471 : memref<1x80xi32, #tpu.memory_space<vmem>> -> memref<80xi32, #tpu.memory_space<vmem>>
        %dma_start3A_473 = arith.constant 0 : i32
        %dma_start3A_474 = arith.constant 0 : i32
        %dma_start3A_475 = tpu.memref_slice %arg20[%dma_start3A_473, %dma_start3A_474] : memref<10000x128xf32, #tpu.memory_space<vmem_shared>> -> memref<10000x128xf32, #tpu.memory_space<vmem_shared>>
        tpu.enqueue_indirect_dma source(%arg19 : memref<80x128xf32, #tpu.memory_space<vmem>>) target(%dma_start3A_475 : memref<10000x128xf32, #tpu.memory_space<vmem_shared>>) offsets(%dma_start3A_472 : memref<80xi32, #tpu.memory_space<vmem>>) semaphore(%arg36 : memref<!tpu.dma_semaphore, #tpu.memory_space<semaphore_mem>>) {add = true}
      } else {
      }
      %add3A_441 = arith.constant 1 : i32
      %add3A_442 = arith.addi %add3A_414, %add3A_441 : i32
      %lt3A_443 = arith.constant 125 : i32
      %lt3A_444 = arith.cmpi slt, %add3A_442, %lt3A_443 : i32
      %convert_element_type3A_445 = arith.extui %lt3A_444 : i1 to i32
      %cond3A_446 = arith.constant 0 : i32
      %cond3A_447 = arith.cmpi ne, %convert_element_type3A_445, %cond3A_446 : i32
      scf.if %cond3A_447 {
        %dma_wait3A_448 = arith.constant 0 : i32
        %dma_wait3A_449 = arith.constant 0 : i32
        %dma_wait3A_450 = tpu.memref_slice %arg10[%dma_wait3A_448, %dma_wait3A_449] : memref<10000x128xf32, #tpu.memory_space<hbm>> -> memref<80x128xf32, #tpu.memory_space<hbm>>
        %dma_wait3A_451 = arith.constant 0 : i32
        %dma_wait3A_452 = arith.constant 0 : i32
        %dma_wait3A_453 = tpu.memref_slice %arg10[%dma_wait3A_451, %dma_wait3A_452] : memref<10000x128xf32, #tpu.memory_space<hbm>> -> memref<80x128xf32, #tpu.memory_space<hbm>>
        tpu.wait_dma2 semaphore(%arg25 : memref<!tpu.dma_semaphore, #tpu.memory_space<semaphore_mem>>) src(%dma_wait3A_453 : memref<80x128xf32, #tpu.memory_space<hbm>>) dst(%arg16 : memref<80x128xf32, #tpu.memory_space<vmem>>)
        %add3A_454 = arith.constant 1 : i32
        %add3A_455 = arith.addi %add3A_414, %add3A_454 : i32
        %mul3A_456 = arith.constant 16 : i32
        %mul3A_457 = arith.muli %mul3A_456, %add3A_455 : i32
        %add3A_458 = arith.addi %arg1, %mul3A_457 : i32
        %mul3A_459 = arith.constant 80 : i32
        %mul3A_460 = arith.muli %add3A_458, %mul3A_459 : i32
        %add3A_461 = arith.constant 0 : i32
        %add3A_462 = arith.addi %mul3A_460, %add3A_461 : i32
        %add3A_463 = vector.broadcast %add3A_462 : i32 to vector<16xi32>
        %add3A_464 = arith.addi %add3A_463, %iota3A : vector<16xi32>
        %swap3A_465 = arith.constant 0 : i32
        %swap3A_466 = arith.index_cast %swap3A_465 : i32 to index
        %swap3A_467 = arith.constant 0 : index
        %swap3A_468 = tpu.vector_load %arg15[%swap3A_466, %swap3A_467] {strides = array<i32>} : memref<4x80xi32, #tpu.memory_space<vmem>>, vector<1x16xi32>,
        %swap3A_469 = vector.shape_cast %swap3A_468 : vector<1x16xi32> to vector<16xi32>
        %swap3A_470 = vector.shape_cast %add3A_464 : vector<16xi32> to vector<1x16xi32>
        tpu.vector_store %arg15[%swap3A_466, %swap3A_467], %swap3A_470 {strides = array<i32>} : memref<4x80xi32, #tpu.memory_space<vmem>>, vector<1x16xi32>,
        %add3A_471 = arith.constant 16 : i32
        %add3A_472 = arith.addi %mul3A_460, %add3A_471 : i32
        %add3A_473 = vector.broadcast %add3A_472 : i32 to vector<16xi32>
        %add3A_474 = arith.addi %add3A_473, %iota3A : vector<16xi32>
        %swap3A_475 = arith.constant 0 : i32
        %swap3A_476 = arith.index_cast %swap3A_475 : i32 to index
        %swap3A_477 = arith.constant 16 : index
        %swap3A_478 = tpu.vector_load %arg15[%swap3A_476, %swap3A_477] {strides = array<i32>} : memref<4x80xi32, #tpu.memory_space<vmem>>, vector<1x16xi32>,
        %swap3A_479 = vector.shape_cast %swap3A_478 : vector<1x16xi32> to vector<16xi32>
        %swap3A_480 = vector.shape_cast %add3A_474 : vector<16xi32> to vector<1x16xi32>
        tpu.vector_store %arg15[%swap3A_476, %swap3A_477], %swap3A_480 {strides = array<i32>} : memref<4x80xi32, #tpu.memory_space<vmem>>, vector<1x16xi32>,
        %add3A_481 = arith.constant 32 : i32
        %add3A_482 = arith.addi %mul3A_460, %add3A_481 : i32
        %add3A_483 = vector.broadcast %add3A_482 : i32 to vector<16xi32>
        %add3A_484 = arith.addi %add3A_483, %iota3A : vector<16xi32>
        %swap3A_485 = arith.constant 0 : i32
        %swap3A_486 = arith.index_cast %swap3A_485 : i32 to index
        %swap3A_487 = arith.constant 32 : index
        %swap3A_488 = tpu.vector_load %arg15[%swap3A_486, %swap3A_487] {strides = array<i32>} : memref<4x80xi32, #tpu.memory_space<vmem>>, vector<1x16xi32>,
        %swap3A_489 = vector.shape_cast %swap3A_488 : vector<1x16xi32> to vector<16xi32>
        %swap3A_490 = vector.shape_cast %add3A_484 : vector<16xi32> to vector<1x16xi32>
        tpu.vector_store %arg15[%swap3A_486, %swap3A_487], %swap3A_490 {strides = array<i32>} : memref<4x80xi32, #tpu.memory_space<vmem>>, vector<1x16xi32>,
        %add3A_491 = arith.constant 48 : i32
        %add3A_492 = arith.addi %mul3A_460, %add3A_491 : i32
        %add3A_493 = vector.broadcast %add3A_492 : i32 to vector<16xi32>
        %add3A_494 = arith.addi %add3A_493, %iota3A : vector<16xi32>
        %swap3A_495 = arith.constant 0 : i32
        %swap3A_496 = arith.index_cast %swap3A_495 : i32 to index
        %swap3A_497 = arith.constant 48 : index
        %swap3A_498 = tpu.vector_load %arg15[%swap3A_496, %swap3A_497] {strides = array<i32>} : memref<4x80xi32, #tpu.memory_space<vmem>>, vector<1x16xi32>,
        %swap3A_499 = vector.shape_cast %swap3A_498 : vector<1x16xi32> to vector<16xi32>
        %swap3A_500 = vector.shape_cast %add3A_494 : vector<16xi32> to vector<1x16xi32>
        tpu.vector_store %arg15[%swap3A_496, %swap3A_497], %swap3A_500 {strides = array<i32>} : memref<4x80xi32, #tpu.memory_space<vmem>>, vector<1x16xi32>,
        %add3A_501 = arith.constant 64 : i32
        %add3A_502 = arith.addi %mul3A_460, %add3A_501 : i32
        %add3A_503 = vector.broadcast %add3A_502 : i32 to vector<16xi32>
        %add3A_504 = arith.addi %add3A_503, %iota3A : vector<16xi32>
        %swap3A_505 = arith.constant 0 : i32
        %swap3A_506 = arith.index_cast %swap3A_505 : i32 to index
        %swap3A_507 = arith.constant 64 : index
        %swap3A_508 = tpu.vector_load %arg15[%swap3A_506, %swap3A_507] {strides = array<i32>} : memref<4x80xi32, #tpu.memory_space<vmem>>, vector<1x16xi32>,
        %swap3A_509 = vector.shape_cast %swap3A_508 : vector<1x16xi32> to vector<16xi32>
        %swap3A_510 = vector.shape_cast %add3A_504 : vector<16xi32> to vector<1x16xi32>
        tpu.vector_store %arg15[%swap3A_506, %swap3A_507], %swap3A_510 {strides = array<i32>} : memref<4x80xi32, #tpu.memory_space<vmem>>, vector<1x16xi32>,
        %eq3A_511 = arith.constant 0 : i32
        %eq3A_512 = arith.cmpi eq, %arg0, %eq3A_511 : i32
        %convert_element_type3A_513 = arith.extui %eq3A_512 : i1 to i32
        %cond3A_514 = arith.constant 0 : i32
        %cond3A_515 = arith.cmpi ne, %convert_element_type3A_513, %cond3A_514 : i32
        scf.if %cond3A_515 {
          %dma_start3A_521 = arith.constant 0 : i32
          %dma_start3A_522 = arith.constant 0 : i32
          %dma_start3A_523 = tpu.memref_slice %arg15[%dma_start3A_521, %dma_start3A_522] : memref<4x80xi32, #tpu.memory_space<vmem>> -> memref<1x80xi32, #tpu.memory_space<vmem>>
          %dma_start3A_524 = tpu.memref_squeeze %dma_start3A_523 : memref<1x80xi32, #tpu.memory_space<vmem>> -> memref<80xi32, #tpu.memory_space<vmem>>
          %dma_start3A_525 = arith.constant 0 : i32
          %dma_start3A_526 = arith.constant 0 : i32
          %dma_start3A_527 = tpu.memref_slice %arg8[%dma_start3A_525, %dma_start3A_526] : memref<160000x128xf32, #tpu.memory_space<hbm>> -> memref<160000x128xf32, #tpu.memory_space<hbm>>
          tpu.enqueue_indirect_dma source(%dma_start3A_527 : memref<160000x128xf32, #tpu.memory_space<hbm>>) target(%arg16 : memref<80x128xf32, #tpu.memory_space<vmem>>) offsets(%dma_start3A_524 : memref<80xi32, #tpu.memory_space<vmem>>) semaphore(%arg25 : memref<!tpu.dma_semaphore, #tpu.memory_space<semaphore_mem>>) {add = true}
        } else {
        }
        %eq3A_516 = arith.constant 1 : i32
        %eq3A_517 = arith.cmpi eq, %arg0, %eq3A_516 : i32
        %convert_element_type3A_518 = arith.extui %eq3A_517 : i1 to i32
        %cond3A_519 = arith.constant 0 : i32
        %cond3A_520 = arith.cmpi ne, %convert_element_type3A_518, %cond3A_519 : i32
        scf.if %cond3A_520 {
          %dma_start3A_521 = arith.constant 0 : i32
          %dma_start3A_522 = arith.constant 0 : i32
          %dma_start3A_523 = tpu.memref_slice %arg15[%dma_start3A_521, %dma_start3A_522] : memref<4x80xi32, #tpu.memory_space<vmem>> -> memref<1x80xi32, #tpu.memory_space<vmem>>
          %dma_start3A_524 = tpu.memref_squeeze %dma_start3A_523 : memref<1x80xi32, #tpu.memory_space<vmem>> -> memref<80xi32, #tpu.memory_space<vmem>>
          %dma_start3A_525 = arith.constant 0 : i32
          %dma_start3A_526 = arith.constant 0 : i32
          %dma_start3A_527 = tpu.memref_slice %arg9[%dma_start3A_525, %dma_start3A_526] : memref<160000x128xf32, #tpu.memory_space<hbm>> -> memref<160000x128xf32, #tpu.memory_space<hbm>>
          tpu.enqueue_indirect_dma source(%dma_start3A_527 : memref<160000x128xf32, #tpu.memory_space<hbm>>) target(%arg16 : memref<80x128xf32, #tpu.memory_space<vmem>>) offsets(%dma_start3A_524 : memref<80xi32, #tpu.memory_space<vmem>>) semaphore(%arg25 : memref<!tpu.dma_semaphore, #tpu.memory_space<semaphore_mem>>) {add = true}
        } else {
        }
      } else {
      }
    }
    %scan3A_246 = arith.constant 32 : i32
    %mul3A_247 = arith.constant 128 : i32
    %mul3A_248 = arith.muli %arg0, %mul3A_247 : i32
    %dma_wait3A_249 = arith.constant 0 : i32
    %dma_wait3A_250 = tpu.memref_slice %arg11[%dma_wait3A_249, %mul3A_248] : memref<160000x256xf32, #tpu.memory_space<hbm>> -> memref<80x128xf32, #tpu.memory_space<hbm>>
    %dma_wait3A_251 = arith.constant 0 : i32
    %dma_wait3A_252 = tpu.memref_slice %arg11[%dma_wait3A_251, %mul3A_248] : memref<160000x256xf32, #tpu.memory_space<hbm>> -> memref<80x128xf32, #tpu.memory_space<hbm>>
    tpu.wait_dma2 semaphore(%arg29 : memref<!tpu.dma_semaphore, #tpu.memory_space<semaphore_mem>>) src(%arg16 : memref<80x128xf32, #tpu.memory_space<vmem>>) dst(%dma_wait3A_252 : memref<80x128xf32, #tpu.memory_space<hbm>>)
    %dma_wait3A_253 = arith.constant 0 : i32
    %dma_wait3A_254 = arith.constant 0 : i32
    %dma_wait3A_255 = tpu.memref_slice %arg10[%dma_wait3A_253, %dma_wait3A_254] : memref<10000x128xf32, #tpu.memory_space<hbm>> -> memref<80x128xf32, #tpu.memory_space<hbm>>
    %dma_wait3A_256 = arith.constant 0 : i32
    %dma_wait3A_257 = arith.constant 0 : i32
    %dma_wait3A_258 = tpu.memref_slice %arg10[%dma_wait3A_256, %dma_wait3A_257] : memref<10000x128xf32, #tpu.memory_space<hbm>> -> memref<80x128xf32, #tpu.memory_space<hbm>>
    tpu.wait_dma2 semaphore(%arg33 : memref<!tpu.dma_semaphore, #tpu.memory_space<semaphore_mem>>) src(%dma_wait3A_258 : memref<80x128xf32, #tpu.memory_space<hbm>>) dst(%arg16 : memref<80x128xf32, #tpu.memory_space<vmem>>)
    %mul3A_259 = arith.constant 128 : i32
    %mul3A_260 = arith.muli %arg0, %mul3A_259 : i32
    %dma_wait3A_261 = arith.constant 0 : i32
    %dma_wait3A_262 = tpu.memref_slice %arg11[%dma_wait3A_261, %mul3A_260] : memref<160000x256xf32, #tpu.memory_space<hbm>> -> memref<80x128xf32, #tpu.memory_space<hbm>>
    %dma_wait3A_263 = arith.constant 0 : i32
    %dma_wait3A_264 = tpu.memref_slice %arg11[%dma_wait3A_263, %mul3A_260] : memref<160000x256xf32, #tpu.memory_space<hbm>> -> memref<80x128xf32, #tpu.memory_space<hbm>>
    tpu.wait_dma2 semaphore(%arg30 : memref<!tpu.dma_semaphore, #tpu.memory_space<semaphore_mem>>) src(%arg17 : memref<80x128xf32, #tpu.memory_space<vmem>>) dst(%dma_wait3A_264 : memref<80x128xf32, #tpu.memory_space<hbm>>)
    %dma_wait3A_265 = arith.constant 0 : i32
    %dma_wait3A_266 = arith.constant 0 : i32
    %dma_wait3A_267 = tpu.memref_slice %arg10[%dma_wait3A_265, %dma_wait3A_266] : memref<10000x128xf32, #tpu.memory_space<hbm>> -> memref<80x128xf32, #tpu.memory_space<hbm>>
    %dma_wait3A_268 = arith.constant 0 : i32
    %dma_wait3A_269 = arith.constant 0 : i32
    %dma_wait3A_270 = tpu.memref_slice %arg10[%dma_wait3A_268, %dma_wait3A_269] : memref<10000x128xf32, #tpu.memory_space<hbm>> -> memref<80x128xf32, #tpu.memory_space<hbm>>
    tpu.wait_dma2 semaphore(%arg34 : memref<!tpu.dma_semaphore, #tpu.memory_space<semaphore_mem>>) src(%dma_wait3A_270 : memref<80x128xf32, #tpu.memory_space<hbm>>) dst(%arg17 : memref<80x128xf32, #tpu.memory_space<vmem>>)
    %mul3A_271 = arith.constant 128 : i32
    %mul3A_272 = arith.muli %arg0, %mul3A_271 : i32
    %dma_wait3A_273 = arith.constant 0 : i32
    %dma_wait3A_274 = tpu.memref_slice %arg11[%dma_wait3A_273, %mul3A_272] : memref<160000x256xf32, #tpu.memory_space<hbm>> -> memref<80x128xf32, #tpu.memory_space<hbm>>
    %dma_wait3A_275 = arith.constant 0 : i32
    %dma_wait3A_276 = tpu.memref_slice %arg11[%dma_wait3A_275, %mul3A_272] : memref<160000x256xf32, #tpu.memory_space<hbm>> -> memref<80x128xf32, #tpu.memory_space<hbm>>
    tpu.wait_dma2 semaphore(%arg31 : memref<!tpu.dma_semaphore, #tpu.memory_space<semaphore_mem>>) src(%arg18 : memref<80x128xf32, #tpu.memory_space<vmem>>) dst(%dma_wait3A_276 : memref<80x128xf32, #tpu.memory_space<hbm>>)
    %dma_wait3A_277 = arith.constant 0 : i32
    %dma_wait3A_278 = arith.constant 0 : i32
    %dma_wait3A_279 = tpu.memref_slice %arg10[%dma_wait3A_277, %dma_wait3A_278] : memref<10000x128xf32, #tpu.memory_space<hbm>> -> memref<80x128xf32, #tpu.memory_space<hbm>>
    %dma_wait3A_280 = arith.constant 0 : i32
    %dma_wait3A_281 = arith.constant 0 : i32
    %dma_wait3A_282 = tpu.memref_slice %arg10[%dma_wait3A_280, %dma_wait3A_281] : memref<10000x128xf32, #tpu.memory_space<hbm>> -> memref<80x128xf32, #tpu.memory_space<hbm>>
    tpu.wait_dma2 semaphore(%arg35 : memref<!tpu.dma_semaphore, #tpu.memory_space<semaphore_mem>>) src(%dma_wait3A_282 : memref<80x128xf32, #tpu.memory_space<hbm>>) dst(%arg18 : memref<80x128xf32, #tpu.memory_space<vmem>>)
    %mul3A_283 = arith.constant 128 : i32
    %mul3A_284 = arith.muli %arg0, %mul3A_283 : i32
    %dma_wait3A_285 = arith.constant 0 : i32
    %dma_wait3A_286 = tpu.memref_slice %arg11[%dma_wait3A_285, %mul3A_284] : memref<160000x256xf32, #tpu.memory_space<hbm>> -> memref<80x128xf32, #tpu.memory_space<hbm>>
    %dma_wait3A_287 = arith.constant 0 : i32
    %dma_wait3A_288 = tpu.memref_slice %arg11[%dma_wait3A_287, %mul3A_284] : memref<160000x256xf32, #tpu.memory_space<hbm>> -> memref<80x128xf32, #tpu.memory_space<hbm>>
    tpu.wait_dma2 semaphore(%arg32 : memref<!tpu.dma_semaphore, #tpu.memory_space<semaphore_mem>>) src(%arg19 : memref<80x128xf32, #tpu.memory_space<vmem>>) dst(%dma_wait3A_288 : memref<80x128xf32, #tpu.memory_space<hbm>>)
    %dma_wait3A_289 = arith.constant 0 : i32
    %dma_wait3A_290 = arith.constant 0 : i32
    %dma_wait3A_291 = tpu.memref_slice %arg10[%dma_wait3A_289, %dma_wait3A_290] : memref<10000x128xf32, #tpu.memory_space<hbm>> -> memref<80x128xf32, #tpu.memory_space<hbm>>
    %dma_wait3A_292 = arith.constant 0 : i32
    %dma_wait3A_293 = arith.constant 0 : i32
    %dma_wait3A_294 = tpu.memref_slice %arg10[%dma_wait3A_292, %dma_wait3A_293] : memref<10000x128xf32, #tpu.memory_space<hbm>> -> memref<80x128xf32, #tpu.memory_space<hbm>>
    tpu.wait_dma2 semaphore(%arg36 : memref<!tpu.dma_semaphore, #tpu.memory_space<semaphore_mem>>) src(%dma_wait3A_294 : memref<80x128xf32, #tpu.memory_space<hbm>>) dst(%arg19 : memref<80x128xf32, #tpu.memory_space<vmem>>)
    %barrier3A_295 = arith.constant 0 : index
    tpu.barrier barrier_id(%barrier3A_295)
    %lt3A_296 = arith.constant 10 : i32
    %lt3A_297 = arith.cmpi slt, %arg1, %lt3A_296 : i32
    %convert_element_type3A_298 = arith.extui %lt3A_297 : i1 to i32
    %cond3A_299 = arith.constant 0 : i32
    %cond3A_300 = arith.cmpi ne, %convert_element_type3A_298, %cond3A_299 : i32
    scf.if %cond3A_300 {
      %mul3A_301 = arith.constant 1000 : i32
      %mul3A_302 = arith.muli %arg1, %mul3A_301 : i32
      %mul3A_303 = arith.constant 1000 : i32
      %mul3A_304 = arith.muli %arg1, %mul3A_303 : i32
      "tpu.region"() ({
        %run_scoped3A = tpu.sem_alloc : memref<!tpu.dma_semaphore, #tpu.memory_space<semaphore_mem>>
        %dma_start3A_305 = arith.constant 0 : i32
        %dma_start3A_306 = tpu.memref_slice %arg12[%arg0, %mul3A_304, %dma_start3A_305] : memref<2x10000x128xf32, #tpu.memory_space<hbm>> -> memref<1x1000x128xf32, #tpu.memory_space<hbm>>
        %dma_start3A_307 = tpu.memref_squeeze %dma_start3A_306 : memref<1x1000x128xf32, #tpu.memory_space<hbm>> -> memref<1000x128xf32, #tpu.memory_space<hbm>>
        %dma_start3A_308 = arith.constant 0 : i32
        %dma_start3A_309 = tpu.memref_slice %arg20[%mul3A_302, %dma_start3A_308] : memref<10000x128xf32, #tpu.memory_space<vmem_shared>> -> memref<1000x128xf32, #tpu.memory_space<vmem_shared>>
        tpu.enqueue_dma source(%dma_start3A_309 : memref<1000x128xf32, #tpu.memory_space<vmem_shared>>) target(%dma_start3A_307 : memref<1000x128xf32, #tpu.memory_space<hbm>>) target_semaphore(%run_scoped3A : memref<!tpu.dma_semaphore, #tpu.memory_space<semaphore_mem>>)
        %dma_wait3A_310 = arith.constant 0 : i32
        %dma_wait3A_311 = tpu.memref_slice %arg12[%arg0, %mul3A_304, %dma_wait3A_310] : memref<2x10000x128xf32, #tpu.memory_space<hbm>> -> memref<1x1000x128xf32, #tpu.memory_space<hbm>>
        %dma_wait3A_312 = tpu.memref_squeeze %dma_wait3A_311 : memref<1x1000x128xf32, #tpu.memory_space<hbm>> -> memref<1000x128xf32, #tpu.memory_space<hbm>>
        %dma_wait3A_313 = arith.constant 0 : i32
        %dma_wait3A_314 = tpu.memref_slice %arg20[%mul3A_302, %dma_wait3A_313] : memref<10000x128xf32, #tpu.memory_space<vmem_shared>> -> memref<1000x128xf32, #tpu.memory_space<vmem_shared>>
        tpu.wait_dma2 semaphore(%run_scoped3A : memref<!tpu.dma_semaphore, #tpu.memory_space<semaphore_mem>>) src(%dma_wait3A_314 : memref<1000x128xf32, #tpu.memory_space<vmem_shared>>) dst(%dma_wait3A_312 : memref<1000x128xf32, #tpu.memory_space<hbm>>)
        tpu.yield
      }) : () -> ()
    } else {
    }
    return
  }
}

module attributes {stable_mosaic.version = 14 : i64} {
  func.func @_pqr_body(%arg0: i32, %arg1: memref<2000x256xf32, #tpu.memory_space<vmem>>, %arg2: memref<2x256x256xf32, #tpu.memory_space<vmem>>, %arg3: memref<4000x16xf32, #tpu.memory_space<vmem>>, %arg4: memref<16x256xf32, #tpu.memory_space<vmem>>, %arg5: memref<256xf32, #tpu.memory_space<vmem>>, %arg6: memref<2000x128xf32, #tpu.memory_space<vmem>>, %arg7: memref<2000x128xf32, #tpu.memory_space<vmem>>, %arg8: memref<2000x128xf32, #tpu.memory_space<vmem>>, %arg9: memref<2000x128xf32, #tpu.memory_space<vmem>>, %arg10: memref<4000x128xf32, #tpu.memory_space<vmem>>, %arg11: memref<4000x128xf32, #tpu.memory_space<vmem>>) attributes {dimension_semantics = [#tpu.dimension_semantics<arbitrary>], iteration_bounds = array<i64: 40>, scalar_prefetch = 0 : i64, scratch_operands = 0 : i64, tpu.core_type = #tpu.core_type<tc>, window_params = [{transform_indices = @transform_0, window_bounds = array<i64: 2000, 256>}, {pipeline_mode = #tpu.pipeline_mode<synchronous>, transform_indices = @transform_1, window_bounds = array<i64: 2, 256, 256>}, {transform_indices = @transform_2, window_bounds = array<i64: 4000, 16>}, {pipeline_mode = #tpu.pipeline_mode<synchronous>, transform_indices = @transform_3, window_bounds = array<i64: 16, 256>}, {pipeline_mode = #tpu.pipeline_mode<synchronous>, transform_indices = @transform_4, window_bounds = array<i64: 256>}, {transform_indices = @transform_5, window_bounds = array<i64: 2000, 128>}, {transform_indices = @transform_6, window_bounds = array<i64: 2000, 128>}, {transform_indices = @transform_7, window_bounds = array<i64: 2000, 128>}, {transform_indices = @transform_8, window_bounds = array<i64: 2000, 128>}, {transform_indices = @transform_9, window_bounds = array<i64: 4000, 128>}, {transform_indices = @transform_10, window_bounds = array<i64: 4000, 128>}]} {
    %lt3A = arith.constant 5 : i32
    %lt3A_0 = arith.cmpi slt, %arg0, %lt3A : i32
    %convert_element_type3A = arith.extui %lt3A_0 : i1 to i32
    %cond3A = arith.constant 0 : i32
    %cond3A_1 = arith.cmpi ne, %convert_element_type3A, %cond3A : i32
    scf.if %cond3A_1 {
      %get3A_17 = arith.constant 0 : index
      %get3A_18 = arith.constant 0 : index
      %get3A_19 = vector.load %arg1[%get3A_17, %get3A_18] : memref<2000x256xf32, #tpu.memory_space<vmem>>, vector<2000x256xf32>
      %get3A_20 = arith.constant 0 : index
      %get3A_21 = arith.constant 0 : index
      %get3A_22 = arith.constant 0 : index
      %get3A_23 = vector.load %arg2[%get3A_20, %get3A_21, %get3A_22] : memref<2x256x256xf32, #tpu.memory_space<vmem>>, vector<1x256x256xf32>
      %get3A_24 = vector.shape_cast %get3A_23 : vector<1x256x256xf32> to vector<256x256xf32>
      %dot_general3A_25 = arith.constant dense<0.000000e+00> : vector<2000x256xf32>
      %dot_general3A_26 = tpu.matmul %get3A_19, %get3A_24, %dot_general3A_25 {dimension_numbers = #tpu.dot_dimension_numbers<[1], [0], [0], [1], [0, 0, 1, 1], [], []>, transpose_lhs_hint = false} : vector<2000x256xf32>, vector<256x256xf32>, vector<2000x256xf32> -> vector<2000x256xf32>
      %get3A_27 = arith.constant 1 : index
      %get3A_28 = arith.constant 0 : index
      %get3A_29 = arith.constant 0 : index
      %get3A_30 = vector.load %arg2[%get3A_27, %get3A_28, %get3A_29] : memref<2x256x256xf32, #tpu.memory_space<vmem>>, vector<1x256x256xf32>
      %get3A_31 = vector.shape_cast %get3A_30 : vector<1x256x256xf32> to vector<256x256xf32>
      %dot_general3A_32 = arith.constant dense<0.000000e+00> : vector<2000x256xf32>
      %dot_general3A_33 = tpu.matmul %get3A_19, %get3A_31, %dot_general3A_32 {dimension_numbers = #tpu.dot_dimension_numbers<[1], [0], [0], [1], [0, 0, 1, 1], [], []>, transpose_lhs_hint = false} : vector<2000x256xf32>, vector<256x256xf32>, vector<2000x256xf32> -> vector<2000x256xf32>
      %slice3A_34 = vector.extract_strided_slice %dot_general3A_26 {offsets = [0, 0], sizes = [2000, 128], strides = [1, 1]} : vector<2000x256xf32> to vector<2000x128xf32>
      %swap3A_35 = arith.constant 0 : index
      %swap3A_36 = arith.constant 0 : index
      %swap3A_37 = vector.load %arg6[%swap3A_35, %swap3A_36] : memref<2000x128xf32, #tpu.memory_space<vmem>>, vector<2000x128xf32>
      tpu.vector_store %arg6[%swap3A_35, %swap3A_36], %slice3A_34 {strides = array<i32>} : memref<2000x128xf32, #tpu.memory_space<vmem>>, vector<2000x128xf32>,
      %slice3A_38 = vector.extract_strided_slice %dot_general3A_26 {offsets = [0, 128], sizes = [2000, 128], strides = [1, 1]} : vector<2000x256xf32> to vector<2000x128xf32>
      %swap3A_39 = arith.constant 0 : index
      %swap3A_40 = arith.constant 0 : index
      %swap3A_41 = vector.load %arg7[%swap3A_39, %swap3A_40] : memref<2000x128xf32, #tpu.memory_space<vmem>>, vector<2000x128xf32>
      tpu.vector_store %arg7[%swap3A_39, %swap3A_40], %slice3A_38 {strides = array<i32>} : memref<2000x128xf32, #tpu.memory_space<vmem>>, vector<2000x128xf32>,
      %slice3A_42 = vector.extract_strided_slice %dot_general3A_33 {offsets = [0, 0], sizes = [2000, 128], strides = [1, 1]} : vector<2000x256xf32> to vector<2000x128xf32>
      %swap3A_43 = arith.constant 0 : index
      %swap3A_44 = arith.constant 0 : index
      %swap3A_45 = vector.load %arg8[%swap3A_43, %swap3A_44] : memref<2000x128xf32, #tpu.memory_space<vmem>>, vector<2000x128xf32>
      tpu.vector_store %arg8[%swap3A_43, %swap3A_44], %slice3A_42 {strides = array<i32>} : memref<2000x128xf32, #tpu.memory_space<vmem>>, vector<2000x128xf32>,
      %slice3A_46 = vector.extract_strided_slice %dot_general3A_33 {offsets = [0, 128], sizes = [2000, 128], strides = [1, 1]} : vector<2000x256xf32> to vector<2000x128xf32>
      %swap3A_47 = arith.constant 0 : index
      %swap3A_48 = arith.constant 0 : index
      %swap3A_49 = vector.load %arg9[%swap3A_47, %swap3A_48] : memref<2000x128xf32, #tpu.memory_space<vmem>>, vector<2000x128xf32>
      tpu.vector_store %arg9[%swap3A_47, %swap3A_48], %slice3A_46 {strides = array<i32>} : memref<2000x128xf32, #tpu.memory_space<vmem>>, vector<2000x128xf32>,
    } else {
    }
    %get3A = arith.constant 0 : index
    %get3A_2 = arith.constant 0 : index
    %get3A_3 = vector.load %arg3[%get3A, %get3A_2] : memref<4000x16xf32, #tpu.memory_space<vmem>>, vector<4000x16xf32>
    %get3A_4 = arith.constant 0 : index
    %get3A_5 = arith.constant 0 : index
    %get3A_6 = vector.load %arg4[%get3A_4, %get3A_5] : memref<16x256xf32, #tpu.memory_space<vmem>>, vector<16x256xf32>
    %dot_general3A = arith.constant dense<0.000000e+00> : vector<4000x256xf32>
    %dot_general3A_7 = tpu.matmul %get3A_3, %get3A_6, %dot_general3A {dimension_numbers = #tpu.dot_dimension_numbers<[1], [0], [0], [1], [0, 0, 1, 1], [], []>, transpose_lhs_hint = false} : vector<4000x16xf32>, vector<16x256xf32>, vector<4000x256xf32> -> vector<4000x256xf32>
    %get3A_8 = arith.constant 0 : index
    %get3A_9 = vector.load %arg5[%get3A_8] : memref<256xf32, #tpu.memory_space<vmem>>, vector<256xf32>
    %broadcast_in_dim3A = vector.shape_cast %get3A_9 : vector<256xf32> to vector<1x256xf32>
    %add3A = vector.broadcast %broadcast_in_dim3A : vector<1x256xf32> to vector<4000x256xf32>
    %add3A_10 = arith.addf %dot_general3A_7, %add3A : vector<4000x256xf32>
    %slice3A = vector.extract_strided_slice %add3A_10 {offsets = [0, 0], sizes = [4000, 128], strides = [1, 1]} : vector<4000x256xf32> to vector<4000x128xf32>
    %swap3A = arith.constant 0 : index
    %swap3A_11 = arith.constant 0 : index
    %swap3A_12 = vector.load %arg10[%swap3A, %swap3A_11] : memref<4000x128xf32, #tpu.memory_space<vmem>>, vector<4000x128xf32>
    tpu.vector_store %arg10[%swap3A, %swap3A_11], %slice3A {strides = array<i32>} : memref<4000x128xf32, #tpu.memory_space<vmem>>, vector<4000x128xf32>,
    %slice3A_13 = vector.extract_strided_slice %add3A_10 {offsets = [0, 128], sizes = [4000, 128], strides = [1, 1]} : vector<4000x256xf32> to vector<4000x128xf32>
    %swap3A_14 = arith.constant 0 : index
    %swap3A_15 = arith.constant 0 : index
    %swap3A_16 = vector.load %arg11[%swap3A_14, %swap3A_15] : memref<4000x128xf32, #tpu.memory_space<vmem>>, vector<4000x128xf32>
    tpu.vector_store %arg11[%swap3A_14, %swap3A_15], %slice3A_13 {strides = array<i32>} : memref<4000x128xf32, #tpu.memory_space<vmem>>, vector<4000x128xf32>,
    return
  }
  func.func @transform_0(%arg0: i32) -> (i32, i32) {
    %min3A = arith.constant 4 : i32
    %min3A_0 = arith.minsi %arg0, %min3A : i32
    %c0_i32 = arith.constant 0 : i32
    %c0_i32_1 = arith.constant 0 : i32
    return %min3A_0, %c0_i32 : i32, i32
  }
  func.func @transform_1(%arg0: i32) -> (i32, i32, i32) {
    %c0_i32 = arith.constant 0 : i32
    %c0_i32_0 = arith.constant 0 : i32
    %c0_i32_1 = arith.constant 0 : i32
    %c0_i32_2 = arith.constant 0 : i32
    return %c0_i32, %c0_i32_0, %c0_i32_1 : i32, i32, i32
  }
  func.func @transform_2(%arg0: i32) -> (i32, i32) {
    %c0_i32 = arith.constant 0 : i32
    %c0_i32_0 = arith.constant 0 : i32
    return %arg0, %c0_i32 : i32, i32
  }
  func.func @transform_3(%arg0: i32) -> (i32, i32) {
    %c0_i32 = arith.constant 0 : i32
    %c0_i32_0 = arith.constant 0 : i32
    %c0_i32_1 = arith.constant 0 : i32
    return %c0_i32, %c0_i32_0 : i32, i32
  }
  func.func @transform_4(%arg0: i32) -> i32 {
    %c0_i32 = arith.constant 0 : i32
    %c0_i32_0 = arith.constant 0 : i32
    return %c0_i32 : i32
  }
  func.func @transform_5(%arg0: i32) -> (i32, i32) {
    %min3A = arith.constant 4 : i32
    %min3A_0 = arith.minsi %arg0, %min3A : i32
    %c0_i32 = arith.constant 0 : i32
    %c0_i32_1 = arith.constant 0 : i32
    return %min3A_0, %c0_i32 : i32, i32
  }
  func.func @transform_6(%arg0: i32) -> (i32, i32) {
    %min3A = arith.constant 4 : i32
    %min3A_0 = arith.minsi %arg0, %min3A : i32
    %c0_i32 = arith.constant 0 : i32
    %c0_i32_1 = arith.constant 0 : i32
    return %min3A_0, %c0_i32 : i32, i32
  }
  func.func @transform_7(%arg0: i32) -> (i32, i32) {
    %min3A = arith.constant 4 : i32
    %min3A_0 = arith.minsi %arg0, %min3A : i32
    %c0_i32 = arith.constant 0 : i32
    %c0_i32_1 = arith.constant 0 : i32
    return %min3A_0, %c0_i32 : i32, i32
  }
  func.func @transform_8(%arg0: i32) -> (i32, i32) {
    %min3A = arith.constant 4 : i32
    %min3A_0 = arith.minsi %arg0, %min3A : i32
    %c0_i32 = arith.constant 0 : i32
    %c0_i32_1 = arith.constant 0 : i32
    return %min3A_0, %c0_i32 : i32, i32
  }
  func.func @transform_9(%arg0: i32) -> (i32, i32) {
    %c0_i32 = arith.constant 0 : i32
    %c0_i32_0 = arith.constant 0 : i32
    return %arg0, %c0_i32 : i32, i32
  }
  func.func @transform_10(%arg0: i32) -> (i32, i32) {
    %c0_i32 = arith.constant 0 : i32
    %c0_i32_0 = arith.constant 0 : i32
    return %arg0, %c0_i32 : i32, i32
  }
}

module attributes {stable_mosaic.version = 14 : i64} {
  func.func @_node_body(%arg0: i32, %arg1: i32, %arg2: memref<2000x256xf32, #tpu.memory_space<vmem>>, %arg3: memref<2x2000x128xf32, #tpu.memory_space<vmem>>, %arg4: memref<256x128xf32, #tpu.memory_space<vmem>>, %arg5: memref<2x128x128xf32, #tpu.memory_space<vmem>>, %arg6: memref<128xf32, #tpu.memory_space<vmem>>, %arg7: memref<2000x128xf32, #tpu.memory_space<vmem>>) attributes {dimension_semantics = [#tpu.dimension_semantics<arbitrary>, #tpu.dimension_semantics<arbitrary>], iteration_bounds = array<i64: 5, 2>, scalar_prefetch = 0 : i64, scratch_operands = 0 : i64, tpu.core_type = #tpu.core_type<tc>, window_params = [{transform_indices = @transform_0, window_bounds = array<i64: 2000, 256>}, {transform_indices = @transform_1, window_bounds = array<i64: 2, 2000, 128>}, {transform_indices = @transform_2, window_bounds = array<i64: 256, 128>}, {transform_indices = @transform_3, window_bounds = array<i64: 2, 128, 128>}, {transform_indices = @transform_4, window_bounds = array<i64: 128>}, {transform_indices = @transform_5, window_bounds = array<i64: 2000, 128>}]} {
    %get3A = arith.constant 0 : index
    %get3A_0 = arith.constant 0 : index
    %get3A_1 = vector.load %arg2[%get3A, %get3A_0] : memref<2000x256xf32, #tpu.memory_space<vmem>>, vector<2000x256xf32>
    %get3A_2 = arith.constant 0 : index
    %get3A_3 = arith.constant 0 : index
    %get3A_4 = vector.load %arg4[%get3A_2, %get3A_3] : memref<256x128xf32, #tpu.memory_space<vmem>>, vector<256x128xf32>
    %dot_general3A = arith.constant dense<0.000000e+00> : vector<2000x128xf32>
    %dot_general3A_5 = tpu.matmul %get3A_1, %get3A_4, %dot_general3A {dimension_numbers = #tpu.dot_dimension_numbers<[1], [0], [0], [1], [0, 0, 1, 1], [], []>, transpose_lhs_hint = false} : vector<2000x256xf32>, vector<256x128xf32>, vector<2000x128xf32> -> vector<2000x128xf32>
    %get3A_6 = arith.constant 0 : index
    %get3A_7 = arith.constant 0 : index
    %get3A_8 = arith.constant 0 : index
    %get3A_9 = vector.load %arg3[%get3A_6, %get3A_7, %get3A_8] : memref<2x2000x128xf32, #tpu.memory_space<vmem>>, vector<1x2000x128xf32>
    %get3A_10 = vector.shape_cast %get3A_9 : vector<1x2000x128xf32> to vector<2000x128xf32>
    %get3A_11 = arith.constant 0 : index
    %get3A_12 = arith.constant 0 : index
    %get3A_13 = arith.constant 0 : index
    %get3A_14 = vector.load %arg5[%get3A_11, %get3A_12, %get3A_13] : memref<2x128x128xf32, #tpu.memory_space<vmem>>, vector<1x128x128xf32>
    %get3A_15 = vector.shape_cast %get3A_14 : vector<1x128x128xf32> to vector<128x128xf32>
    %dot_general3A_16 = arith.constant dense<0.000000e+00> : vector<2000x128xf32>
    %dot_general3A_17 = tpu.matmul %get3A_10, %get3A_15, %dot_general3A_16 {dimension_numbers = #tpu.dot_dimension_numbers<[1], [0], [0], [1], [0, 0, 1, 1], [], []>, transpose_lhs_hint = false} : vector<2000x128xf32>, vector<128x128xf32>, vector<2000x128xf32> -> vector<2000x128xf32>
    %add3A = arith.addf %dot_general3A_5, %dot_general3A_17 : vector<2000x128xf32>
    %get3A_18 = arith.constant 1 : index
    %get3A_19 = arith.constant 0 : index
    %get3A_20 = arith.constant 0 : index
    %get3A_21 = vector.load %arg3[%get3A_18, %get3A_19, %get3A_20] : memref<2x2000x128xf32, #tpu.memory_space<vmem>>, vector<1x2000x128xf32>
    %get3A_22 = vector.shape_cast %get3A_21 : vector<1x2000x128xf32> to vector<2000x128xf32>
    %get3A_23 = arith.constant 1 : index
    %get3A_24 = arith.constant 0 : index
    %get3A_25 = arith.constant 0 : index
    %get3A_26 = vector.load %arg5[%get3A_23, %get3A_24, %get3A_25] : memref<2x128x128xf32, #tpu.memory_space<vmem>>, vector<1x128x128xf32>
    %get3A_27 = vector.shape_cast %get3A_26 : vector<1x128x128xf32> to vector<128x128xf32>
    %dot_general3A_28 = arith.constant dense<0.000000e+00> : vector<2000x128xf32>
    %dot_general3A_29 = tpu.matmul %get3A_22, %get3A_27, %dot_general3A_28 {dimension_numbers = #tpu.dot_dimension_numbers<[1], [0], [0], [1], [0, 0, 1, 1], [], []>, transpose_lhs_hint = false} : vector<2000x128xf32>, vector<128x128xf32>, vector<2000x128xf32> -> vector<2000x128xf32>
    %add3A_30 = arith.addf %add3A, %dot_general3A_29 : vector<2000x128xf32>
    %get3A_31 = arith.constant 0 : index
    %get3A_32 = vector.load %arg6[%get3A_31] : memref<128xf32, #tpu.memory_space<vmem>>, vector<128xf32>
    %broadcast_in_dim3A = vector.shape_cast %get3A_32 : vector<128xf32> to vector<1x128xf32>
    %add3A_33 = vector.broadcast %broadcast_in_dim3A : vector<1x128xf32> to vector<2000x128xf32>
    %add3A_34 = arith.addf %add3A_30, %add3A_33 : vector<2000x128xf32>
    %max3A = arith.constant 0.000000e+00 : f32
    %max3A_35 = vector.broadcast %max3A : f32 to vector<2000x128xf32>
    %max3A_36 = arith.maximumf %add3A_34, %max3A_35 : vector<2000x128xf32>
    %swap3A = arith.constant 0 : index
    %swap3A_37 = arith.constant 0 : index
    %swap3A_38 = vector.load %arg7[%swap3A, %swap3A_37] : memref<2000x128xf32, #tpu.memory_space<vmem>>, vector<2000x128xf32>
    tpu.vector_store %arg7[%swap3A, %swap3A_37], %max3A_36 {strides = array<i32>} : memref<2000x128xf32, #tpu.memory_space<vmem>>, vector<2000x128xf32>,
    return
  }
  func.func @transform_0(%arg0: i32, %arg1: i32) -> (i32, i32) {
    %c0_i32 = arith.constant 0 : i32
    %c0_i32_0 = arith.constant 0 : i32
    return %arg0, %c0_i32 : i32, i32
  }
  func.func @transform_1(%arg0: i32, %arg1: i32) -> (i32, i32, i32) {
    %c0_i32 = arith.constant 0 : i32
    %c0_i32_0 = arith.constant 0 : i32
    %c0_i32_1 = arith.constant 0 : i32
    return %c0_i32, %arg0, %c0_i32_0 : i32, i32, i32
  }
  func.func @transform_2(%arg0: i32, %arg1: i32) -> (i32, i32) {
    %c0_i32 = arith.constant 0 : i32
    %c0_i32_0 = arith.constant 0 : i32
    return %c0_i32, %arg1 : i32, i32
  }
  func.func @transform_3(%arg0: i32, %arg1: i32) -> (i32, i32, i32) {
    %c0_i32 = arith.constant 0 : i32
    %c0_i32_0 = arith.constant 0 : i32
    %c0_i32_1 = arith.constant 0 : i32
    return %c0_i32, %c0_i32_0, %arg1 : i32, i32, i32
  }
  func.func @transform_4(%arg0: i32, %arg1: i32) -> i32 {
    %c0_i32 = arith.constant 0 : i32
    return %arg1 : i32
  }
  func.func @transform_5(%arg0: i32, %arg1: i32) -> (i32, i32) {
    %c0_i32 = arith.constant 0 : i32
    return %arg0, %arg1 : i32, i32
  }
}

</mosaic_0001>

<sc_bundles>
// kernel: kernel.5.cloned.1.call-start
scs
__scs_entry_jumppad:
0x0: {  	(pc) =	sbr.rel $0x88, $3  }
0x1: {  	(tag) =	ssettag $0x0;
	lr =	simm.s32 $0x1  }
0x2: {  	[smem:$0x3F9A] =	sst lr;
	_ =	strace $0xD0000000  }
0x3: {  	_ = 	snop  }
0x4: {  	_ = 	snop  }
0x5: {  	_ = 	snop  }
0x6: {  	_ = 	snop  }
0x7: {  	_ = 	snop  }
__scs_overlays_trampoline_lowered:
0x8: {  	[smem:$0x3FA9] =	sst s0  }
0x9: {  	[smem:$0x3FAA] =	sst s1  }
0xa: {  	[smem:$0x3FAB] =	sst s2  }
0xb: {  	[smem:$0x3FAC] =	sst s3  }
0xc: {  	[smem:$0x3FAD] =	sst s4  }
0xd: {  	[smem:$0x3FAE] =	sst s5  }
0xe: {  	[smem:$0x3FAF] =	sst s6  }
0xf: {  	[smem:$0x3FB0] =	sst s7  }
0x10: {  	[smem:$0x3FB1] =	sst s8  }
0x11: {  	[smem:$0x3FB2] =	sst s9;
	s0 =	simm.s32 @!p0 $0x0  }
0x12: {  	s1 =	sld [smem:$0x3F98];
	s0 =	simm.s32 @p0 $0x1  }
0x13: {  	[smem:$0x3FB3] =	sst s0;
	s0 =	simm.s32 @!p1 $0x0  }
0x14: {  	s2 =	sld [smem:$0x3F97];
	s0 =	simm.s32 @p1 $0x1  }
0x15: {  	[smem:$0x3FB4] =	sst s0;
	s0 =	simm.s32 @!p2 $0x0  }
0x16: {  	s3 =	sld [smem:$0x3FDB];
	s0 =	simm.s32 @p2 $0x1  }
0x17: {  	s4 =	simm.s32 $0x1BF5;
	[smem:$0x3FB6] =	sst s0  }
0x18: {  	s0 =	sld [smem:$0x3F99];
	_ =	swait.ge [sflag:s4], $0x0  }
0x19: {  	s7 =	sld [smem:$0x3F9A]  }
0x1a: {  	s8 =	sadd.s32 $0xFFFFE003, lr  }
0x1b: {  	s9 =	sadd.s32 $0xFFFFFEF7, lr;
	s5 =	simm.s32 $0xFFFFFFFF;
	p2 =	slt.u32 s8, $0xFFFFF086  }
0x1c: {  	p1 =	slt.u32 s9, $0xF7A;
	s5 =	simm.s32 @!p2 $0x0  }
0x1d: {  	s5 =	simm.s32 @p1 $0x1;
	p0 =	seq.s32 s7, s2  }
0x1e: {  	s7 =	smul.u32 @!p0 $0xF7A, s2;
	p2 =	seq.s32 @!p0 s5, $0x0  }
0x1f: {  	s9 =	smul.u32 $0xF7A, s1;
	s8 =	simm.s32 @!p0 $0x1BF5;
	p2 =	por !p2, p0  }
0x20: {  	[sflag:s8] =	ssyncset.s32 @!p0 $0xFFFFF086;
	s6 =	sadd.s32 @!p0 s3, s7;
	s7 =	simm.s32 @!p0 $0x108  }
0x21: {  	s3 =	sadd.s32 s3, s9;
	s6 =	sadd.s32 @!p0 $0x88, s6;
	s7 =	simm.s32 @p2 $0x1082  }
0x22: {  	[simem:s7], [sflag:s8] =	dma.local @!p0 [hbm:s6], $0xF7A  }
0x23: {  	s9 =	sor.u32 $0xD0000000, s2;
	s6 =	simm.s32 $0x108;
	_ =	swait.ge @!p0 [sflag:s8], $0x0  }
0x24: {  	s3 =	sadd.s32 $0x88, s3;
	s6 =	simm.s32 @!p1 $0x1082;
	[sflag:s4] =	ssyncset.s32 $0xFFFFF086  }
0x25: {  	[simem:s6], [sflag:s4] =	dma.local [hbm:s3], $0xF7A  }
0x26: {  	[smem:$0x3F9A] =	sst s1;
	(tag) =	ssettag s2;
	_ =	strace s9  }
0x27: {  	s1 =	sld [smem:$0x3FAA]  }
0x28: {  	s2 =	sld [smem:$0x3FAB]  }
0x29: {  	s4 =	sld [smem:$0x3FAD]  }
0x2a: {  	p0 =	seq.s32 s5, $0x0;
	s5 =	sld [smem:$0x3FAE]  }
0x2b: {  	s6 =	sld [smem:$0x3FAF]  }
0x2c: {  	s7 =	sld [smem:$0x3FB0]  }
0x2d: {  	s3 =	simm.s32 $0x108;
	s8 =	sld [smem:$0x3FB1]  }
0x2e: {  	s3 =	simm.s32 @!p0 $0x1082;
	s9 =	sld [smem:$0x3FB2]  }
0x2f: {  	lr =	sadd.s32 s0, s3;
	s0 =	sld [smem:$0x3FA9]  }
0x30: {  	s3 =	sld [smem:$0x3FAC]  }
0x31: {  	[smem:$0x3FB5] =	sst s10  }
0x32: {  	s10 =	sld [smem:$0x3FB3];
	_ =	sdelay $0x3  }
0x33: {  	p0 =	seq.s32 s10, $0x1;
	s10 =	sld [smem:$0x3FB5];
	_ =	sdelay $0x3  }
0x34: {  	[smem:$0x3FB5] =	sst s10  }
0x35: {  	s10 =	sld [smem:$0x3FB4];
	_ =	sdelay $0x3  }
0x36: {  	p1 =	seq.s32 s10, $0x1;
	s10 =	sld [smem:$0x3FB5];
	_ =	sdelay $0x3  }
0x37: {  	[smem:$0x3FB5] =	sst s10  }
0x38: {  	s10 =	sld [smem:$0x3FB6]  }
0x39: {  	_ = 	snop;
	(pc) =	sbr.ind lr, $3  }
0x3a: {  	_ = 	snop  }
0x3b: {  	_ = 	snop  }
0x3c: {  	p2 =	seq.s32 s10, $0x1;
	s10 =	sld [smem:$0x3FB5]  }
0x3d: {  	_ =	shalt  }
0x3e: {  	_ =	shalt  }
0x3f: {  	_ =	shalt  }
0x40: {  	_ =	shalt  }
0x41: {  	_ =	shalt  }
0x42: {  	_ =	shalt  }
0x43: {  	_ =	shalt  }
0x44: {  	_ =	shalt  }
0x45: {  	_ =	shalt  }
0x46: {  	_ =	shalt  }
0x47: {  	_ =	shalt  }
0x48: {  	_ =	shalt  }
0x49: {  	_ =	shalt  }
0x4a: {  	_ =	shalt  }
0x4b: {  	_ =	shalt  }
0x4c: {  	_ =	shalt  }
0x4d: {  	_ =	shalt  }
0x4e: {  	_ =	shalt  }
0x4f: {  	_ =	shalt  }
0x50: {  	_ =	shalt  }
0x51: {  	_ =	shalt  }
0x52: {  	_ =	shalt  }
0x53: {  	_ =	shalt  }
0x54: {  	_ =	shalt  }
0x55: {  	_ =	shalt  }
0x56: {  	_ =	shalt  }
0x57: {  	_ =	shalt  }
0x58: {  	_ =	shalt  }
0x59: {  	_ =	shalt  }
0x5a: {  	_ =	shalt  }
0x5b: {  	_ =	shalt  }
0x5c: {  	_ =	shalt  }
0x5d: {  	_ =	shalt  }
0x5e: {  	_ =	shalt  }
0x5f: {  	_ =	shalt  }
0x60: {  	_ =	shalt  }
0x61: {  	_ =	shalt  }
0x62: {  	_ =	shalt  }
0x63: {  	_ =	shalt  }
0x64: {  	_ =	shalt  }
0x65: {  	_ =	shalt  }
0x66: {  	_ =	shalt  }
0x67: {  	_ =	shalt  }
0x68: {  	_ =	shalt  }
0x69: {  	_ =	shalt  }
0x6a: {  	_ =	shalt  }
0x6b: {  	_ =	shalt  }
0x6c: {  	_ =	shalt  }
0x6d: {  	_ =	shalt  }
0x6e: {  	_ =	shalt  }
0x6f: {  	_ =	shalt  }
0x70: {  	_ =	shalt  }
0x71: {  	_ =	shalt  }
0x72: {  	_ =	shalt  }
0x73: {  	_ =	shalt  }
0x74: {  	_ =	shalt  }
0x75: {  	_ =	shalt  }
0x76: {  	_ =	shalt  }
0x77: {  	_ =	shalt  }
0x78: {  	_ =	shalt  }
0x79: {  	_ =	shalt  }
0x7a: {  	_ =	shalt  }
0x7b: {  	_ =	shalt  }
0x7c: {  	_ =	shalt  }
0x7d: {  	_ =	shalt  }
0x7e: {  	_ =	shalt  }
0x7f: {  	_ =	shalt  }
0x80: {  	_ =	shalt  }
0x81: {  	_ =	shalt  }
0x82: {  	_ =	shalt  }
0x83: {  	_ =	shalt  }
0x84: {  	_ =	shalt  }
0x85: {  	_ =	shalt  }
0x86: {  	_ =	shalt  }
0x87: {  	_ =	shalt  }
.Lfunc_end0:
.L_simem_size_0:
called_computation_lowered:
.L_overlay_start_0:
0x88: {  	s2 =	sld [smem:$0x3FD9]  }
0x89: {  	s3 =	sld [smem:$0x3FFE];
	_ =	sdelay $0x1  }
0x8a: {  	s1 =	srdreg.scid  }
0x8b: {  	s0 =	sand.u32 $0x1, s1  }
0x8c: {  	s14 =	sshll.u32 s0, $0xA;
	s2 =	sadd.s32 s3, s2  }
0x8d: {  	s2 =	sadd.s32 s2, s14  }
0x8e: {  	[smem:$0x3FC1] =	sst s2  }
0x8f: {  	_ = 	snop  }
0x90: {  	s2 =	sld [smem:$0x3FD0];
	_ =	sdelay $0x2  }
0x91: {  	s15 =	simm.s32 $0xA;
	s4 =	simm.s32 $0x10  }
0x92: {  	[smem:s4], [sflag:s15] =	dma.local [hbm:s2], $0x1  }
0x93: {  	_ =	swait.eq [sflag:s15], $0x1  }
0x94: {  	[sflag:s15] =	ssyncset.done $0x0  }
0x95: {  	s16 =	sld [smem:$0x10];
	[sflag:s15] =	ssyncadd.s32 $0xFFFFFFFF  }
0x96: {  	s17 =	sld [smem:$0x11];
	(tm) =	ssettm $0x1  }
0x97: {  	s18 =	sld [smem:$0x3FFB];
	_ =	sdelay $0x3  }
0x98: {  	_ =	strace s18  }
0x99: {  	s4 =	sld [smem:$0x3FFC];
	_ =	sdelay $0x3  }
0x9a: {  	_ =	strace s4  }
0x9b: {  	s4 =	sld [smem:$0x3FFD];
	_ =	sdelay $0x3  }
0x9c: {  	_ =	strace s4  }
0x9d: {  	_ =	strace $0x8FFFFFFF  }
0x9e: {  	s19 =	sld [smem:$0x3FDB];
	_ =	sdelay $0x1  }
0x9f: {  	s5 =	simm.s32 $_scs_section_size  }
0xa0: {  	s6 =	simm.s32 $_size__tile_overlayer_lowered;
	s7 =	simm.s32 $_tile_overlayer_lowered  }
0xa1: {  	s22 =	simm.s32 $0x1BFF;
	s21 =	sshll.u32 s7, $0x1;
	s4 =	sadd.s32 s5, s19  }
0xa2: {  	s8 =	simm.s32 $0x0;
	s20 =	sshll.u32 s6, $0x1;
	s6 =	sadd.s32 s21, s4  }
0xa3: {  	[timem:s8], [sflag:s22] =	dma.local [hbm:s6], s20  }
0xa4: {  	_ =	swait.ge [sflag:s22], s20  }
0xa5: {  	s5 =	ssub.s32 $0x0, s20;
	[sflag:s22] =	ssyncset.done $0x0  }
0xa6: {  	[sflag:s22] =	ssyncadd.s32 s5;
	_ =	sdelay $0x1  }
0xa7: {  	s23 =	simm.s32 $0x1B8B  }
0xa8: {  	_ =	swait.ge [sflag:s23], $0x1  }
0xa9: {  	[sflag:s23] =	ssyncset.done $0x0  }
0xaa: {  	s25 =	simm.s32 $0x1B8E;
	s24 =	sld [smem:$0x3FFE];
	[sflag:s23] =	ssyncadd.s32 $0xFFFFFFFF  }
0xab: {  	s26 =	simm.s32 $execute0_lowered;
	[smem:$0x3FD2] =	sst s25  }
0xac: {  	s6 =	sshll.u32 s26, $0x1;
	_ =	strace $0x80000046;
	[dreg:$0x1] =	wrdreg $0xFFFFFFFF  }
0xad: {  	s28 =	simm.s32 $_size_execute0_lowered;
	s4 =	sadd.s32 s4, s6;
	[dreg:$0x0] =	wrdreg $0x0  }
0xae: {  	s6 =	sshll.u32 s28, $0x1;
	[dreg:$0x2] =	wrdreg s4  }
0xaf: {  	[dreg:$0x3] =	wrdreg s6  }
0xb0: {  	[dreg:$0x4] =	wrdreg $0xC0  }
0xb1: {  	_ =	task [dreg:s8], $0x5FFFF  }
0xb2: {  	[dreg:$0x1] =	wrdreg $0xFFFFFFFF  }
0xb3: {  	[dreg:$0x0] =	wrdreg $0x60  }
0xb4: {  	[dreg:$0x2] =	wrdreg s24  }
0xb5: {  	[dreg:$0x3] =	wrdreg s17  }
0xb6: {  	[dreg:$0x4] =	wrdreg s16  }
0xb7: {  	[dreg:$0x5] =	wrdreg $0xA6000  }
0xb8: {  	[dreg:$0x6] =	wrdreg $0x9  }
0xb9: {  	_ =	task.clear_ibuf [dreg:s8], $0x7FFFF;
	_ =	strace $0x90000046  }
0xba: {  	s29 =	simm.s32 $0x9;
	_ =	strace $0x80000048  }
0xbb: {  	_ =	swait.ge [sflag:s29], $0x1  }
0xbc: {  	[sflag:s29] =	ssyncadd.s32 $0xFFFFFFFF  }
0xbd: {  	_ =	strace $0x90000048  }
0xbe: {  	_ =	sfence  }
0xbf: {  	s30 =	sld [smem:$0x0];
	_ =	sdelay $0x2  }
0xc0: {  	s31 =	sshll.u32 s1, $0xD;
	s1 =	sshrl.u32 s1, $0x2  }
0xc1: {  	s3 =	sand.u32 $0x4000, s31;
	s1 =	sadd.s32 s1, s30  }
0xc2: {  	s0 =	sor.u32 s3, s0;
	s1 =	sshll.u32 s1, $0x11  }
0xc3: {  	s0 =	sor.u32 s1, s0  }
0xc4: {  	s0 =	sadd.s32 $0x8F2B, s0  }
0xc5: {  	[sflag:s0] =	ssyncadd.remote.s32 $0x1  }
0xc6: {  	_ =	sfence.sel $0xFFFF  }
0xc7: {  	[dreg:$0x0] =	wrdreg $0xFFFFFFFF;
	(pc) =	sbr.abs _section_cstart, $3  }
0xc8: {  	[dreg:$0x1] =	wrdreg $0xFFFFFFFF  }
0xc9: {  	_ =	task.clear_ibuf [dreg:s8], $0x2FFFF;
	_ =	strace $0x9FFFFFFF  }
0xca: {  	(tm) =	ssettm $0x7FFFFFFF  }
0xcb: {  	_ =	shalt  }
tec
execute0_lowered:
.L_overlay_start_1:
0x0: {  	(tag) =	ssettag $0x1  }
0x1: {  	s0 =	rddreg [dreg:$0x0]  }
0x2: {  	s1 =	rddreg [dreg:$0x1]  }
0x3: {  	s3 =	rddreg [dreg:$0x2]  }
0x4: {  	s2 =	rddreg [dreg:$0x3];
	s4 =	simm.s32 $0x0  }
0x5: {  	s9 =	srdreg.scid;
	s29 =	simm.s32 $0x600;
	[smem:$0x7FF] =	sst s4  }
0x6: {  	s5 =	sadd.s32 $0x1A00, s0;
	s6 =	sadd.s32 $0x9800, s0;
	s10 =	sadd.s32 $0x568C00, s0  }
0x7: {  	s7 =	sadd.s32 $0x4F3600, s0;
	s4 =	stileid.u32;
	s12 =	sadd.s32 $0x51A800, s0  }
0x8: {  	s8 =	sadd.s32 $0x541A00, s0;
	s13 =	sand.u32 $0x1, s9;
	s11 =	smul.u32 $0x3E80, s4  }
0x9: {  	s15 =	sadd.s32 $0x11600, s0;
	s9 =	sadd.s32 $0x282600, s0;
	s14 =	smul.u32 $0x7D000, s4  }
0xa: {  	_ =	strace $0x80000047;
	s16 =	ssub.s32 $0x2, s13;
	s21 =	smul.u32 $0x138800, s13  }
0xb: {  	s17 =	smul.u32 $0x1F400, s4;
	p0 =	seq.s32 s13, $0x0;
	s18 =	sshrl.u32 s16, $0x1  }
0xc: {  	s7 =	smov.u32 @p0 s10;
	s8 =	smov.u32 @p0 s12;
	s9 =	smov.u32 @p0 s15  }
0xd: {  	p0 =	sgt.u32 s4, $0x9;
	s15 =	simm.s32 $0x800;
	s14 =	sshrl.u32 s14, $0x2  }
0xe: {  	s0 =	sadd.s32 s11, s0;
	s16 =	ssub.s32 s16, s18;
	s19 =	sadd.s32 s14, s2  }
0xf: {  	s11 =	sshll.u32 s4, $0x4;
	s0 =	sadd.s32 $0x58FE00, s0;
	[dreg:$0x5] =	wrdreg s19  }
0x10: {  	s20 =	sadd.s32 s5, s11;
	s22 =	sadd.s32 s6, s11;
	[dreg:$0x6] =	wrdreg s0  }
0x11: {  	s23 =	sor.u32 $0x100, s11;
	s24 =	sor.u32 $0x200, s11;
	[dreg:$0x7] =	wrdreg s20  }
0x12: {  	s28 =	smax.u32 s16, $0x1;
	[dreg:$0x8] =	wrdreg s22;
	s18 =	sadd.s32 s5, s23  }
0x13: {  	s14 =	sadd.s32 s6, s23;
	s0 =	sadd.s32 s17, s21;
	s25 =	sadd.s32 s5, s24  }
0x14: {  	s26 =	sadd.s32 s6, s24;
	s19 =	sshll.u32 s13, $0xA;
	[dreg:$0xe] =	wrdreg s28  }
0x15: {  	s23 =	sor.u32 $0x500, s11;
	s24 =	sor.u32 $0x600, s11;
	[dreg:$0x9] =	wrdreg s18  }
0x16: {  	s13 =	simm.s32 $0x5;
	s17 =	simm.s32 $0x7;
	[dreg:$0xa] =	wrdreg s14  }
0x17: {  	s20 =	simm.s32 $0x8;
	s22 =	simm.s32 $0x7E00;
	[dreg:$0xb] =	wrdreg s25  }
0x18: {  	s18 =	smul.u32 $0x50, s4;
	[dreg:$0xc] =	wrdreg s26;
	s0 =	sshrl.u32 s0, $0x3  }
.Ltmp0:
0x19: {  	s25 =	simm.s32 $0x200;
	s14 =	simm.s32 $0x400;
	(pc) =	sbr.rel .LBB2_1-.Ltmp0, $4  }
0x1a: {  	s26 =	simm.s32 $0x5600;
	s0 =	sadd.s32 s3, s0;
	s10 =	sadd.s32 $0x10, s18  }
0x1b: {  	v0 =	vlaneseq.u32;
	s12 =	sadd.s32 $0x20, s18;
	[dreg:$0xd] =	wrdreg s0;
	s0 =	sshll.u32 @!p0 s4, $0x6  }
0x1c: {  	s30 =	sadd.s32 $0x30, s18;
	s31 =	sadd.s32 $0x40, s18;
	v1 =	vor.u32 s18, v0;
	s21 =	sor.u32 @!p0 $0x1C11, s0;
	v2 =	vor.u32 s10, v0  }
0x1d: {  	s0 =	simm.s32 $0x50;
	v3 =	vor.u32 s12, v0;
	v4 =	vor.u32 s30, v0;
	v5 =	vor.u32 s31, v0;
	s12 =	simm.s32 $0x0;
	[dreg:$0xf] =	wrdreg s21  }
.LBB2_18:
0x1e: {  	s3 =	simm.s32 $0x9  }
0x1f: {  	_ =	swait.ge [sflag:s3], $0x2800  }
0x20: {  	[sflag:s3] =	ssyncset.done $0x0  }
0x21: {  	s10 =	simm.s32 $0xD;
	[sflag:s3] =	ssyncadd.s32 $0xFFFFD800  }
0x22: {  	_ =	swait.ge [sflag:s10], $0x2800  }
0x23: {  	[sflag:s10] =	ssyncset.done $0x0  }
0x24: {  	s12 =	simm.s32 $0xA;
	[sflag:s10] =	ssyncadd.s32 $0xFFFFD800  }
0x25: {  	_ =	swait.ge [sflag:s12], $0x2800  }
0x26: {  	[sflag:s12] =	ssyncset.done $0x0  }
0x27: {  	s16 =	simm.s32 $0xE;
	[sflag:s12] =	ssyncadd.s32 $0xFFFFD800  }
0x28: {  	_ =	swait.ge [sflag:s16], $0x2800  }
0x29: {  	[sflag:s16] =	ssyncset.done $0x0  }
0x2a: {  	s18 =	simm.s32 $0xB;
	[sflag:s16] =	ssyncadd.s32 $0xFFFFD800  }
0x2b: {  	_ =	swait.ge [sflag:s18], $0x2800  }
0x2c: {  	[sflag:s18] =	ssyncset.done $0x0  }
0x2d: {  	s21 =	simm.s32 $0xF;
	[sflag:s18] =	ssyncadd.s32 $0xFFFFD800  }
0x2e: {  	_ =	swait.ge [sflag:s21], $0x2800  }
0x2f: {  	[sflag:s21] =	ssyncset.done $0x0  }
0x30: {  	s28 =	simm.s32 $0xC;
	[sflag:s21] =	ssyncadd.s32 $0xFFFFD800  }
0x31: {  	_ =	swait.ge [sflag:s28], $0x2800  }
0x32: {  	[sflag:s28] =	ssyncset.done $0x0  }
0x33: {  	s30 =	simm.s32 $0x10;
	[sflag:s28] =	ssyncadd.s32 $0xFFFFD800  }
0x34: {  	_ =	swait.ge [sflag:s30], $0x2800  }
0x35: {  	[sflag:s30] =	ssyncset.done $0x0  }
0x36: {  	[sflag:s30] =	ssyncadd.s32 $0xFFFFD800  }
0x37: {  	[bflag:$0x0] =	sbarrier.arrive $0xFFFF  }
0x38: {  	s3 =	rddreg [dreg:$0xd]  }
0x39: {  	s21 =	rddreg [dreg:$0xf]  }
0x3a: {  	s10 =	rddreg [dreg:$0x11]  }
0x3b: {  	[hbm:s3], [sflag:s21] =	dma.local @!p0 [spmem:s10], $0x3E80  }
0x3c: {  	s3 =	simm.s32 @!p0 $0x11  }
0x3d: {  	_ =	swait.ge @!p0 [sflag:s3], $0x3E80  }
0x3e: {  	s12 =	rddreg [dreg:$0x10]  }
0x3f: {  	s31 =	rddreg [dreg:$0xe];
	s12 =	sadd.s32 $0x1, s12  }
0x40: {  	p1 =	sne.s32 s12, s31  }
.Ltmp1:
0x41: {  	_ = 	snop;
	(pc) =	sbr.rel @!p1 .LBB2_19-.Ltmp1, $3  }
0x42: {  	_ =	sdelay $0x1  }
0x43: {  	[sflag:s3] =	ssyncset.done @!p0 $0x0  }
0x44: {  	[sflag:s3] =	ssyncadd.s32 @!p0 $0xFFFFC180  }
.LBB2_1:
0x45: {  	[dreg:$0x10] =	wrdreg s12  }
0x46: {  	s3 =	rddreg [dreg:$0x5]  }
0x47: {  	s10 =	sshrl.u32 @!p0 s3, $0x3;
	s3 =	rddreg [dreg:$0x6]  }
0x48: {  	[dreg:$0x11] =	wrdreg s10  }
0x49: {  	[spmem:s10], [sflag:s21] =	dma.local @!p0 [hbm:s3], $0x3E80  }
0x4a: {  	s3 =	simm.s32 @!p0 $0x11  }
0x4b: {  	_ =	swait.ge @!p0 [sflag:s3], $0x3E80  }
0x4c: {  	[sflag:s3] =	ssyncset.done @!p0 $0x0  }
0x4d: {  	[sflag:s3] =	ssyncadd.s32 @!p0 $0xFFFFC180  }
0x4e: {  	[bflag:$0x0] =	sbarrier.arrive $0xFFFF  }
0x4f: {  	s3 =	simm.s32 $0x0;
	s16 =	rddreg [dreg:$0x7]  }
0x50: {  	[tilespmem:s3], [sflag:$0x1] =	stream.linear.gather [hbm4b:s16+s3], $0x80, $0x38;
	[tilespmem:$0x1DE80] =	vst v63  }
0x51: {  	s18 =	rddreg [dreg:$0x8]  }
0x52: {  	[tilespmem:s25], [sflag:$0x1] =	stream.linear.gather [hbm4b:s18+s3], $0x80, $0x38;
	[tilespmem:$0x1DE80] =	vst v63  }
0x53: {  	s12 =	simm.s32 $0x80;
	s21 =	rddreg [dreg:$0x9]  }
0x54: {  	[tilespmem:s12], [sflag:$0x2] =	stream.linear.gather [hbm4b:s21+s3], $0x80, $0x38;
	[tilespmem:$0x1DE80] =	vst v63  }
0x55: {  	s28 =	rddreg [dreg:$0xa];
	s16 =	simm.s32 $0x280  }
0x56: {  	[tilespmem:s16], [sflag:$0x2] =	stream.linear.gather [hbm4b:s28+s3], $0x80, $0x38;
	[tilespmem:$0x1DE80] =	vst v63  }
0x57: {  	s31 =	simm.s32 $0x100;
	s30 =	rddreg [dreg:$0xb]  }
0x58: {  	[tilespmem:s31], [sflag:$0x3] =	stream.linear.gather [hbm4b:s30+s3], $0x80, $0x38;
	[tilespmem:$0x1DE80] =	vst v63  }
0x59: {  	s18 =	rddreg [dreg:$0xc];
	s21 =	simm.s32 $0x300;
	s28 =	simm.s32 $0x1  }
0x5a: {  	[tilespmem:s21], [sflag:$0x3] =	stream.linear.gather [hbm4b:s18+s3], $0x80, $0x38;
	[tilespmem:$0x1DE80] =	vst v63  }
0x5b: {  	_ =	swait.ge [sflag:s28], $0x80  }
0x5c: {  	[sflag:s28] =	ssyncset.done $0x0  }
0x5d: {  	[sflag:s28] =	ssyncadd.s32 $0xFFFFFF80  }
0x5e: {  	_ =	swait.ge [sflag:s28], $0x80  }
0x5f: {  	[sflag:s28] =	ssyncset.done $0x0  }
0x60: {  	s30 =	simm.s32 $0x2;
	[sflag:s28] =	ssyncadd.s32 $0xFFFFFF80  }
0x61: {  	[tilespmem:s29], [sflag:$0x5] =	stream.indirect.gather [hbm4b:s7+s0], $0x80, s3, s0, $0xb8;
	[tilespmem:$0x1DE80] =	vst v63  }
0x62: {  	_ =	swait.ge [sflag:s30], $0x80  }
0x63: {  	[sflag:s30] =	ssyncset.done $0x0  }
0x64: {  	[sflag:s30] =	ssyncadd.s32 $0xFFFFFF80  }
0x65: {  	_ =	swait.ge [sflag:s30], $0x80  }
0x66: {  	[sflag:s30] =	ssyncset.done $0x0  }
0x67: {  	s31 =	simm.s32 $0x2E00;
	[sflag:s30] =	ssyncadd.s32 $0xFFFFFF80  }
0x68: {  	[tilespmem:s31], [sflag:$0x6] =	stream.indirect.gather [hbm4b:s7+s0], $0x80, s12, s0, $0xb8;
	[tilespmem:$0x1DE80] =	vst v63  }
0x69: {  	_ =	swait.ge [sflag:s13], $0x2800  }
0x6a: {  	[sflag:s13] =	ssyncset.done $0x0  }
0x6b: {  	[sflag:s13] =	ssyncadd.s32 $0xFFFFD800  }
0x6c: {  	[tilespmem:s29], [sflag:$0x5] =	stream.indirect.gather.add.f32 [hbm:s8], $0x80, s25, s0, $0xb8;
	[tilespmem:$0x1DE80] =	vst v63  }
0x6d: {  	_ =	swait.ge [sflag:s13], $0x2800  }
0x6e: {  	[sflag:s13] =	ssyncset.done $0x0  }
0x6f: {  	[sflag:s13] =	ssyncadd.s32 $0xFFFFD800  }
0x70: {  	[tilespmem:$0x400] =	vst v1  }
0x71: {  	[tilespmem:$0x410] =	vst v2  }
0x72: {  	[tilespmem:$0x420] =	vst v3  }
0x73: {  	[tilespmem:$0x430] =	vst v4  }
0x74: {  	s3 =	simm.s32 $0x0;
	[tilespmem:$0x440] =	vst v5  }
0x75: {  	[tilespmem:s29], [sflag:$0x5] =	stream.indirect.gather.add.f32 [hbm:s9], $0x80, s14, s0, $0xb8;
	[tilespmem:$0x1DE80] =	vst v63  }
.LBB2_2:
0x76: {  	s18 =	sshll.u32 s3, $0x2  }
0x77: {  	s28 =	sor.u32 $0x1, s18  }
0x78: {  	p1 =	sgt.u32 s28, $0x7C  }
0x79: {  	s10 =	simm.s32 @!p1 $0x6  }
0x7a: {  	_ =	swait.ge @!p1 [sflag:s10], $0x2800  }
0x7b: {  	s12 =	simm.s32 @!p1 $0x280;
	[sflag:s10] =	ssyncset.done @!p1 $0x0  }
0x7c: {  	s16 =	simm.s32 @!p1 $0x2E00;
	[sflag:s10] =	ssyncadd.s32 @!p1 $0xFFFFD800;
	s10 =	simm.s32 @!p1 $0x50  }
0x7d: {  	[tilespmem:s16], [sflag:$0x6] =	stream.indirect.gather.add.f32 @!p1 [hbm:s8], $0x80, s12, s10, $0xb8;
	[tilespmem:$0x1DE80] =	vst v63  }
0x7e: {  	s12 =	simm.s32 @!p1 $0x3  }
0x7f: {  	_ =	swait.ge @!p1 [sflag:s12], $0x80  }
0x80: {  	[sflag:s12] =	ssyncset.done @!p1 $0x0  }
0x81: {  	[sflag:s12] =	ssyncadd.s32 @!p1 $0xFFFFFF80  }
0x82: {  	p2 =	seq.s32 @!p1 s3, $0x0;
	_ =	swait.ge @!p1 [sflag:s12], $0x80  }
0x83: {  	p2 =	por p2, p1;
	[sflag:s12] =	ssyncset.done @!p1 $0x0  }
0x84: {  	s16 =	simm.s32 @!p1 $0x5600;
	[sflag:s12] =	ssyncadd.s32 @!p1 $0xFFFFFF80;
	s12 =	simm.s32 @!p1 $0x100  }
0x85: {  	[tilespmem:s16], [sflag:$0x7] =	stream.indirect.gather @!p1 [hbm4b:s7+s10], $0x80, s12, s10, $0xb8;
	[tilespmem:$0x1DE80] =	vst v63  }
0x86: {  	s10 =	simm.s32 @!p2 $0xC  }
0x87: {  	_ =	swait.ge @!p2 [sflag:s10], $0x2800  }
0x88: {  	[sflag:s10] =	ssyncset.done @!p2 $0x0  }
0x89: {  	[sflag:s10] =	ssyncadd.s32 @!p2 $0xFFFFD800;
	s10 =	simm.s32 @!p2 $0x10  }
0x8a: {  	s12 =	sor.u32 @!p1 $0x3, s18;
	_ =	swait.ge @!p2 [sflag:s10], $0x2800  }
0x8b: {  	s16 =	sshll.u32 @!p1 s12, $0x8;
	[sflag:s10] =	ssyncset.done @!p2 $0x0  }
0x8c: {  	[sflag:s10] =	ssyncadd.s32 @!p2 $0xFFFFD800;
	s10 =	sor.u32 @!p1 s11, s16  }
0x8d: {  	s21 =	simm.s32 @!p1 $0x0;
	s30 =	simm.s32 @!p1 $0x180;
	s16 =	sadd.s32 @!p1 s5, s10  }
0x8e: {  	[tilespmem:s30], [sflag:$0x4] =	stream.linear.gather @!p1 [hbm4b:s16+s21], $0x80, $0x38;
	[tilespmem:$0x1DE80] =	vst v63  }
0x8f: {  	s10 =	sadd.s32 @!p1 s6, s10;
	s16 =	simm.s32 @!p1 $0x380  }
0x90: {  	[tilespmem:s16], [sflag:$0x4] =	stream.linear.gather @!p1 [hbm4b:s10+s21], $0x80, $0x38;
	[tilespmem:$0x1DE80] =	vst v63  }
0x91: {  	_ =	swait.ge [sflag:s13], $0x2800  }
0x92: {  	[sflag:s13] =	ssyncset.done $0x0  }
0x93: {  	s30 =	simm.s32 $0x680;
	[sflag:s13] =	ssyncadd.s32 $0xFFFFD800  }
0x94: {  	v6 =	vld [tilespmem:s30+$0xFFFFFF80]  }
0x95: {  	v7 =	vld [tilespmem:s30+$0xFFFFFF90]  }
0x96: {  	v8 =	vld [tilespmem:s30+$0xFFFFFFA0]  }
0x97: {  	v9 =	vld [tilespmem:s30+$0xFFFFFFB0]  }
0x98: {  	v10 =	vld [tilespmem:s30+$0xFFFFFFC0]  }
0x99: {  	v11 =	vld [tilespmem:s30+$0xFFFFFFD0];
	v6 =	vmax.f32 v6, $0.0e+00  }
0x9a: {  	[tilespmem:s30+$0xFFFFFF80] =	vst v6;
	v6 =	vmax.f32 v7, $0.0e+00;
	v7 =	vld [tilespmem:s30+$0xFFFFFFE0]  }
0x9b: {  	[tilespmem:s30+$0xFFFFFF90] =	vst v6;
	v6 =	vmax.f32 v8, $0.0e+00;
	v8 =	vld [tilespmem:s30+$0x0]  }
0x9c: {  	[tilespmem:s30+$0xFFFFFFA0] =	vst v6;
	v6 =	vmax.f32 v9, $0.0e+00;
	v9 =	vld [tilespmem:s30+$0x10]  }
0x9d: {  	[tilespmem:s30+$0xFFFFFFB0] =	vst v6;
	v6 =	vmax.f32 v10, $0.0e+00;
	v10 =	vld [tilespmem:s30+$0x20]  }
0x9e: {  	[tilespmem:s30+$0xFFFFFFC0] =	vst v6;
	v6 =	vmax.f32 v11, $0.0e+00;
	v11 =	vld [tilespmem:s30+$0x30]  }
0x9f: {  	[tilespmem:s30+$0xFFFFFFD0] =	vst v6;
	v7 =	vmax.f32 v7, $0.0e+00;
	v6 =	vld [tilespmem:s30+$0x40]  }
0xa0: {  	[tilespmem:s30+$0xFFFFFFE0] =	vst v7;
	v8 =	vmax.f32 v8, $0.0e+00;
	v7 =	vld [tilespmem:s30+$0x50]  }
0xa1: {  	s16 =	sshll.u32 @!p1 s3, $0x6;
	[tilespmem:s30+$0x0] =	vst v8;
	v9 =	vmax.f32 v9, $0.0e+00;
	v8 =	vld [tilespmem:s30+$0x60]  }
0xa2: {  	s10 =	sshll.u32 @!p1 s12, $0x4;
	s21 =	simm.s32 $0x0;
	s31 =	sor.u32 @!p1 $0x20, s16;
	[tilespmem:s30+$0x10] =	vst v9;
	v12 =	vmax.f32 v10, $0.0e+00;
	v10 =	vld [tilespmem:s30+$0x70]  }
0xa3: {  	s12 =	simm.s32 $0x780;
	s10 =	simm.s32 @p1 $0x7F0;
	s31 =	simm.s32 @p1 $0x7E0;
	v9 =	vld [tilespmem:s30+$0xFFFFFFF0];
	[tilespmem:s30+$0x20] =	vst v12;
	v11 =	vmax.f32 v11, $0.0e+00  }
.LBB2_3:
0xa4: {  	v12 =	vld [tilespmem:s12+$0xFFFFFF80];
	[tilespmem:s30+$0x30] =	vst v11;
	v6 =	vmax.f32 v6, $0.0e+00  }
0xa5: {  	v11 =	vld [tilespmem:s12+$0xFFFFFF90];
	[tilespmem:s30+$0x40] =	vst v6;
	v6 =	vmax.f32 v7, $0.0e+00  }
0xa6: {  	v7 =	vld [tilespmem:s12+$0xFFFFFFA0];
	[tilespmem:s30+$0x50] =	vst v6;
	v6 =	vmax.f32 v8, $0.0e+00  }
0xa7: {  	v8 =	vld [tilespmem:s12+$0xFFFFFFB0];
	[tilespmem:s30+$0x60] =	vst v6;
	v6 =	vmax.f32 v10, $0.0e+00  }
0xa8: {  	v10 =	vld [tilespmem:s12+$0xFFFFFFC0];
	v9 =	vmax.f32 v9, $0.0e+00;
	[tilespmem:s30+$0x70] =	vst v6  }
0xa9: {  	v6 =	vmax.f32 v12, $0.0e+00;
	v12 =	vld [tilespmem:s12+$0xFFFFFFD0];
	[tilespmem:s30+$0xFFFFFFF0] =	vst v9;
	s30 =	smov.u32 s12  }
0xaa: {  	[tilespmem:s12+$0xFFFFFF80] =	vst v6;
	v6 =	vmax.f32 v11, $0.0e+00;
	v9 =	vld [tilespmem:s12+$0xFFFFFFE0]  }
0xab: {  	[tilespmem:s12+$0xFFFFFF90] =	vst v6;
	v6 =	vmax.f32 v7, $0.0e+00;
	v7 =	vld [tilespmem:s12+$0x0]  }
0xac: {  	[tilespmem:s12+$0xFFFFFFA0] =	vst v6;
	v6 =	vmax.f32 v8, $0.0e+00;
	v8 =	vld [tilespmem:s12+$0x10]  }
0xad: {  	s21 =	sadd.s32 $0x2, s21;
	[tilespmem:s12+$0xFFFFFFB0] =	vst v6;
	v6 =	vmax.f32 v10, $0.0e+00;
	v10 =	vld [tilespmem:s12+$0x20]  }
0xae: {  	p2 =	slt.u32 s21, $0x4E;
	[tilespmem:s12+$0xFFFFFFC0] =	vst v6;
	v6 =	vmax.f32 v12, $0.0e+00;
	v11 =	vld [tilespmem:s12+$0x30]  }
.Ltmp2:
0xaf: {  	[tilespmem:s12+$0xFFFFFFD0] =	vst v6;
	v9 =	vmax.f32 v9, $0.0e+00;
	v6 =	vld [tilespmem:s12+$0x40];
	(pc) =	sbr.rel @p2 .LBB2_3-.Ltmp2, $4  }
0xb0: {  	[tilespmem:s12+$0xFFFFFFE0] =	vst v9;
	v9 =	vmax.f32 v7, $0.0e+00;
	v7 =	vld [tilespmem:s12+$0x50]  }
0xb1: {  	[tilespmem:s12+$0x0] =	vst v9;
	v9 =	vmax.f32 v8, $0.0e+00;
	v8 =	vld [tilespmem:s12+$0x60]  }
0xb2: {  	[tilespmem:s12+$0x10] =	vst v9;
	v12 =	vmax.f32 v10, $0.0e+00;
	v10 =	vld [tilespmem:s12+$0x70]  }
0xb3: {  	s12 =	sadd.s32 $0x100, s12;
	v9 =	vld [tilespmem:s30+$0xFFFFFFF0];
	[tilespmem:s30+$0x20] =	vst v12;
	v11 =	vmax.f32 v11, $0.0e+00  }
0xb4: {  	s12 =	sshll.u32 s3, $0x6  }
0xb5: {  	[tilespmem:s30+$0x30] =	vst v11;
	v6 =	vmax.f32 v6, $0.0e+00;
	s12 =	sor.u32 s4, s12  }
0xb6: {  	[tilespmem:s30+$0x40] =	vst v6;
	v6 =	vmax.f32 v7, $0.0e+00;
	s12 =	smul.u32 $0x5000, s12  }
0xb7: {  	[tilespmem:s30+$0x50] =	vst v6;
	v6 =	vmax.f32 v8, $0.0e+00  }
0xb8: {  	[tilespmem:s30+$0x60] =	vst v6;
	v6 =	vmax.f32 v10, $0.0e+00;
	s12 =	sor.u32 s19, s12  }
0xb9: {  	v7 =	vmax.f32 v9, $0.0e+00;
	[tilespmem:s30+$0x70] =	vst v6;
	s12 =	sshrl.u32 s12, $0x3  }
0xba: {  	[tilespmem:s30+$0xFFFFFFF0] =	vst v7;
	s12 =	sadd.s32 s1, s12  }
0xbb: {  	[hbm4b:s12+s14] =	stream.strided.scatter [tilespmem:s29], [sflag:$0x9], $0x2800, s15, s14, $0x38;
	[tilespmem:$0x1DE80] =	vst v63  }
0xbc: {  	s12 =	sshll.u32 @!p1 s28, $0x4  }
0xbd: {  	s16 =	simm.s32 @!p1 $0x6;
	s12 =	sor.u32 @!p1 s4, s12  }
0xbe: {  	[spmem:s2] =	stream.indirect.scatter.add.f32 [tilespmem:s29], [sflag:$0xD], $0x80, s25, s0, $0xb8;
	[tilespmem:$0x1DE80] =	vst v63  }
0xbf: {  	s12 =	smul.u32 @!p1 $0x50, s12;
	_ =	swait.ge @!p1 [sflag:s16], $0x2800  }
0xc0: {  	v6 =	vlaneseq.u32 @!p1;
	[sflag:s16] =	ssyncset.done @!p1 $0x0  }
0xc1: {  	v7 =	vor.u32 @!p1 s12, v6;
	[sflag:s16] =	ssyncadd.s32 @!p1 $0xFFFFD800;
	s16 =	sadd.s32 @!p1 $0x10, s12  }
0xc2: {  	[tilespmem:$0x480] =	vst @!p1 v7;
	v7 =	vor.u32 @!p1 s16, v6;
	s16 =	sadd.s32 @!p1 $0x20, s12  }
0xc3: {  	[tilespmem:$0x490] =	vst @!p1 v7;
	v7 =	vor.u32 @!p1 s16, v6;
	s16 =	sadd.s32 @!p1 $0x30, s12  }
0xc4: {  	s12 =	sadd.s32 @!p1 $0x40, s12;
	[tilespmem:$0x4A0] =	vst @!p1 v7;
	v7 =	vor.u32 @!p1 s16, v6  }
0xc5: {  	v6 =	vor.u32 @!p1 s12, v6;
	[tilespmem:$0x4B0] =	vst @!p1 v7  }
0xc6: {  	s21 =	simm.s32 @!p1 $0x2E00;
	s12 =	simm.s32 @!p1 $0x50;
	s16 =	simm.s32 @!p1 $0x480;
	[tilespmem:$0x4C0] =	vst @!p1 v6  }
0xc7: {  	[tilespmem:s21], [sflag:$0x6] =	stream.indirect.gather.add.f32 @!p1 [hbm:s9], $0x80, s16, s12, $0xb8;
	[tilespmem:$0x1DE80] =	vst v63  }
0xc8: {  	s16 =	simm.s32 @!p1 $0x7  }
0xc9: {  	_ =	swait.ge @!p1 [sflag:s16], $0x2800  }
0xca: {  	[sflag:s16] =	ssyncset.done @!p1 $0x0  }
0xcb: {  	s21 =	simm.s32 @!p1 $0x5600;
	[sflag:s16] =	ssyncadd.s32 @!p1 $0xFFFFD800;
	s16 =	simm.s32 @!p1 $0x300  }
0xcc: {  	[tilespmem:s21], [sflag:$0x7] =	stream.indirect.gather.add.f32 @!p1 [hbm:s8], $0x80, s16, s12, $0xb8;
	[tilespmem:$0x1DE80] =	vst v63  }
0xcd: {  	s16 =	simm.s32 @!p1 $0x4  }
0xce: {  	_ =	swait.ge @!p1 [sflag:s16], $0x80  }
0xcf: {  	[sflag:s16] =	ssyncset.done @!p1 $0x0  }
0xd0: {  	[sflag:s16] =	ssyncadd.s32 @!p1 $0xFFFFFF80  }
0xd1: {  	_ =	swait.ge @!p1 [sflag:s16], $0x80  }
0xd2: {  	p2 =	seq.s32 s3, $0x1F;
	[sflag:s16] =	ssyncset.done @!p1 $0x0  }
0xd3: {  	s21 =	simm.s32 @!p1 $0x7E00;
	[sflag:s16] =	ssyncadd.s32 @!p1 $0xFFFFFF80;
	s16 =	simm.s32 @!p1 $0x180  }
0xd4: {  	[tilespmem:s21], [sflag:$0x8] =	stream.indirect.gather @!p1 [hbm4b:s7+s12], $0x80, s16, s12, $0xb8;
	[tilespmem:$0x1DE80] =	vst v63  }
0xd5: {  	s12 =	simm.s32 @!p2 $0x9  }
0xd6: {  	_ =	swait.ge @!p2 [sflag:s12], $0x2800  }
0xd7: {  	[sflag:s12] =	ssyncset.done @!p2 $0x0  }
0xd8: {  	s18 =	sadd.s32 $0x4, s18;
	[sflag:s12] =	ssyncadd.s32 @!p2 $0xFFFFD800;
	s12 =	simm.s32 @!p2 $0xD  }
0xd9: {  	s16 =	sshll.u32 @!p2 s18, $0x8;
	_ =	swait.ge @!p2 [sflag:s12], $0x2800  }
.Ltmp3:
0xda: {  	s16 =	sor.u32 @!p2 s11, s16;
	[sflag:s12] =	ssyncset.done @!p2 $0x0;
	(pc) =	sbr.rel @p1 .LBB2_8-.Ltmp3, $4  }
0xdb: {  	s30 =	simm.s32 @!p2 $0x0;
	[sflag:s12] =	ssyncadd.s32 @!p2 $0xFFFFD800;
	s12 =	sadd.s32 @!p2 s5, s16  }
0xdc: {  	[tilespmem:s30], [sflag:$0x1] =	stream.linear.gather @!p2 [hbm4b:s12+s30], $0x80, $0x38;
	[tilespmem:$0x1DE80] =	vst v63  }
0xdd: {  	s12 =	sadd.s32 @!p2 s6, s16;
	s16 =	simm.s32 @!p2 $0x200  }
0xde: {  	[tilespmem:s16], [sflag:$0x1] =	stream.linear.gather @!p2 [hbm4b:s12+s30], $0x80, $0x38;
	[tilespmem:$0x1DE80] =	vst v63  }
0xdf: {  	s12 =	simm.s32 $0x6  }
0xe0: {  	_ =	swait.ge [sflag:s12], $0x2800  }
0xe1: {  	[sflag:s12] =	ssyncset.done $0x0  }
0xe2: {  	s21 =	simm.s32 $0x2E80;
	[sflag:s12] =	ssyncadd.s32 $0xFFFFD800  }
0xe3: {  	v6 =	vld [tilespmem:s21+$0xFFFFFF80]  }
0xe4: {  	v7 =	vld [tilespmem:s21+$0xFFFFFF90]  }
0xe5: {  	v8 =	vld [tilespmem:s21+$0xFFFFFFA0]  }
0xe6: {  	v9 =	vld [tilespmem:s21+$0xFFFFFFB0]  }
0xe7: {  	v10 =	vld [tilespmem:s21+$0xFFFFFFC0]  }
0xe8: {  	v11 =	vld [tilespmem:s21+$0xFFFFFFD0];
	v6 =	vmax.f32 v6, $0.0e+00  }
0xe9: {  	[tilespmem:s21+$0xFFFFFF80] =	vst v6;
	v6 =	vmax.f32 v7, $0.0e+00;
	v7 =	vld [tilespmem:s21+$0xFFFFFFE0]  }
0xea: {  	[tilespmem:s21+$0xFFFFFF90] =	vst v6;
	v6 =	vmax.f32 v8, $0.0e+00;
	v8 =	vld [tilespmem:s21+$0x0]  }
0xeb: {  	[tilespmem:s21+$0xFFFFFFA0] =	vst v6;
	v6 =	vmax.f32 v9, $0.0e+00;
	v9 =	vld [tilespmem:s21+$0x10]  }
0xec: {  	[tilespmem:s21+$0xFFFFFFB0] =	vst v6;
	v6 =	vmax.f32 v10, $0.0e+00;
	v10 =	vld [tilespmem:s21+$0x20]  }
0xed: {  	[tilespmem:s21+$0xFFFFFFC0] =	vst v6;
	v6 =	vmax.f32 v11, $0.0e+00;
	v11 =	vld [tilespmem:s21+$0x30]  }
0xee: {  	[tilespmem:s21+$0xFFFFFFD0] =	vst v6;
	v6 =	vmax.f32 v7, $0.0e+00;
	v7 =	vld [tilespmem:s21+$0x40]  }
0xef: {  	[tilespmem:s21+$0xFFFFFFE0] =	vst v6;
	v6 =	vmax.f32 v8, $0.0e+00;
	v8 =	vld [tilespmem:s21+$0x50]  }
0xf0: {  	[tilespmem:s21+$0x0] =	vst v6;
	v6 =	vmax.f32 v9, $0.0e+00;
	v9 =	vld [tilespmem:s21+$0x60]  }
0xf1: {  	[tilespmem:s21+$0x10] =	vst v6;
	v12 =	vmax.f32 v10, $0.0e+00;
	v10 =	vld [tilespmem:s21+$0x70]  }
0xf2: {  	s16 =	simm.s32 $0x2F80;
	s12 =	simm.s32 $0x0;
	v6 =	vld [tilespmem:s21+$0xFFFFFFF0];
	[tilespmem:s21+$0x20] =	vst v12;
	v11 =	vmax.f32 v11, $0.0e+00  }
.LBB2_6:
0xf3: {  	v12 =	vld [tilespmem:s16+$0xFFFFFF80];
	[tilespmem:s21+$0x30] =	vst v11;
	v7 =	vmax.f32 v7, $0.0e+00  }
0xf4: {  	v11 =	vld [tilespmem:s16+$0xFFFFFF90];
	[tilespmem:s21+$0x40] =	vst v7;
	v7 =	vmax.f32 v8, $0.0e+00  }
0xf5: {  	v8 =	vld [tilespmem:s16+$0xFFFFFFA0];
	[tilespmem:s21+$0x50] =	vst v7;
	v7 =	vmax.f32 v9, $0.0e+00  }
0xf6: {  	v9 =	vld [tilespmem:s16+$0xFFFFFFB0];
	[tilespmem:s21+$0x60] =	vst v7;
	v7 =	vmax.f32 v10, $0.0e+00  }
0xf7: {  	v10 =	vld [tilespmem:s16+$0xFFFFFFC0];
	v6 =	vmax.f32 v6, $0.0e+00;
	[tilespmem:s21+$0x70] =	vst v7  }
0xf8: {  	v7 =	vmax.f32 v12, $0.0e+00;
	v12 =	vld [tilespmem:s16+$0xFFFFFFD0];
	[tilespmem:s21+$0xFFFFFFF0] =	vst v6;
	s21 =	smov.u32 s16  }
0xf9: {  	[tilespmem:s16+$0xFFFFFF80] =	vst v7;
	v6 =	vmax.f32 v11, $0.0e+00;
	v7 =	vld [tilespmem:s16+$0xFFFFFFE0]  }
0xfa: {  	[tilespmem:s16+$0xFFFFFF90] =	vst v6;
	v6 =	vmax.f32 v8, $0.0e+00;
	v8 =	vld [tilespmem:s16+$0x0]  }
0xfb: {  	[tilespmem:s16+$0xFFFFFFA0] =	vst v6;
	v6 =	vmax.f32 v9, $0.0e+00;
	v9 =	vld [tilespmem:s16+$0x10]  }
0xfc: {  	s12 =	sadd.s32 $0x2, s12;
	[tilespmem:s16+$0xFFFFFFB0] =	vst v6;
	v6 =	vmax.f32 v10, $0.0e+00;
	v10 =	vld [tilespmem:s16+$0x20]  }
0xfd: {  	p3 =	slt.u32 s12, $0x4E;
	[tilespmem:s16+$0xFFFFFFC0] =	vst v6;
	v6 =	vmax.f32 v12, $0.0e+00;
	v11 =	vld [tilespmem:s16+$0x30]  }
.Ltmp4:
0xfe: {  	[tilespmem:s16+$0xFFFFFFD0] =	vst v6;
	v6 =	vmax.f32 v7, $0.0e+00;
	v7 =	vld [tilespmem:s16+$0x40];
	(pc) =	sbr.rel @p3 .LBB2_6-.Ltmp4, $4  }
0xff: {  	[tilespmem:s16+$0xFFFFFFE0] =	vst v6;
	v6 =	vmax.f32 v8, $0.0e+00;
	v8 =	vld [tilespmem:s16+$0x50]  }
0x100: {  	[tilespmem:s16+$0x0] =	vst v6;
	v6 =	vmax.f32 v9, $0.0e+00;
	v9 =	vld [tilespmem:s16+$0x60]  }
0x101: {  	[tilespmem:s16+$0x10] =	vst v6;
	v12 =	vmax.f32 v10, $0.0e+00;
	v10 =	vld [tilespmem:s16+$0x70]  }
0x102: {  	s16 =	sadd.s32 $0x100, s16;
	v6 =	vld [tilespmem:s21+$0xFFFFFFF0];
	[tilespmem:s21+$0x20] =	vst v12;
	v11 =	vmax.f32 v11, $0.0e+00  }
0x103: {  	s12 =	sshll.u32 s28, $0x4  }
0x104: {  	[tilespmem:s21+$0x30] =	vst v11;
	v7 =	vmax.f32 v7, $0.0e+00;
	s12 =	sor.u32 s4, s12  }
0x105: {  	[tilespmem:s21+$0x40] =	vst v7;
	v7 =	vmax.f32 v8, $0.0e+00;
	s12 =	smul.u32 $0x5000, s12  }
0x106: {  	[tilespmem:s21+$0x50] =	vst v7;
	v7 =	vmax.f32 v9, $0.0e+00  }
0x107: {  	[tilespmem:s21+$0x60] =	vst v7;
	v7 =	vmax.f32 v10, $0.0e+00;
	s12 =	sor.u32 s19, s12  }
0x108: {  	v6 =	vmax.f32 v6, $0.0e+00;
	[tilespmem:s21+$0x70] =	vst v7;
	s12 =	sshrl.u32 s12, $0x3  }
0x109: {  	s16 =	simm.s32 $0x2E00;
	[tilespmem:s21+$0xFFFFFFF0] =	vst v6;
	s12 =	sadd.s32 s1, s12  }
0x10a: {  	[hbm4b:s12+s14] =	stream.strided.scatter [tilespmem:s16], [sflag:$0xA], $0x2800, s15, s14, $0x38;
	[tilespmem:$0x1DE80] =	vst v63  }
0x10b: {  	s28 =	simm.s32 $0x280;
	s21 =	sor.u32 s4, s31  }
0x10c: {  	[spmem:s2] =	stream.indirect.scatter.add.f32 [tilespmem:s16], [sflag:$0xE], $0x80, s28, s0, $0xb8;
	[tilespmem:$0x1DE80] =	vst v63  }
0x10d: {  	s12 =	smul.u32 $0x50, s21;
	_ =	swait.ge [sflag:s17], $0x2800  }
0x10e: {  	[sflag:s17] =	ssyncset.done $0x0  }
0x10f: {  	v6 =	vor.u32 s12, v0;
	s28 =	sadd.s32 $0x10, s12;
	[sflag:s17] =	ssyncadd.s32 $0xFFFFD800  }
0x110: {  	s21 =	sadd.s32 $0x20, s12;
	[tilespmem:$0x500] =	vst v6;
	v6 =	vor.u32 s28, v0  }
0x111: {  	s28 =	sadd.s32 $0x30, s12;
	[tilespmem:$0x510] =	vst v6;
	v6 =	vor.u32 s21, v0  }
0x112: {  	s12 =	sadd.s32 $0x40, s12;
	[tilespmem:$0x520] =	vst v6;
	v6 =	vor.u32 s28, v0  }
0x113: {  	[tilespmem:$0x530] =	vst v6;
	v6 =	vor.u32 s12, v0  }
0x114: {  	s21 =	simm.s32 $0x500;
	[tilespmem:$0x540] =	vst v6  }
0x115: {  	[tilespmem:s26], [sflag:$0x7] =	stream.indirect.gather.add.f32 [hbm:s9], $0x80, s21, s0, $0xb8;
	[tilespmem:$0x1DE80] =	vst v63  }
0x116: {  	_ =	swait.ge [sflag:s20], $0x2800  }
0x117: {  	[sflag:s20] =	ssyncset.done $0x0  }
0x118: {  	s28 =	simm.s32 $0x380;
	[sflag:s20] =	ssyncadd.s32 $0xFFFFD800  }
0x119: {  	[tilespmem:s22], [sflag:$0x8] =	stream.indirect.gather.add.f32 [hbm:s8], $0x80, s28, s0, $0xb8;
	[tilespmem:$0x1DE80] =	vst v63  }
.LBB2_8:
0x11a: {  	s12 =	simm.s32 @!p2 $0x1  }
0x11b: {  	_ =	swait.ge @!p2 [sflag:s12], $0x80  }
0x11c: {  	[sflag:s12] =	ssyncset.done @!p2 $0x0  }
0x11d: {  	[sflag:s12] =	ssyncadd.s32 @!p2 $0xFFFFFF80  }
0x11e: {  	_ =	swait.ge @!p2 [sflag:s12], $0x80  }
0x11f: {  	s16 =	simm.s32 @!p2 $0x600;
	p3 =	sgt.u32 @!p2 s3, $0x1D;
	[sflag:s12] =	ssyncset.done @!p2 $0x0  }
0x120: {  	p4 =	por p3, p2;
	[sflag:s12] =	ssyncadd.s32 @!p2 $0xFFFFFF80;
	s12 =	simm.s32 @!p2 $0x50  }
0x121: {  	[tilespmem:s16], [sflag:$0x5] =	stream.indirect.gather @!p2 [hbm4b:s7+s12], $0x80, s30, s12, $0xb8;
	[tilespmem:$0x1DE80] =	vst v63  }
0x122: {  	s12 =	simm.s32 @!p4 $0xA  }
0x123: {  	_ =	swait.ge @!p4 [sflag:s12], $0x2800  }
0x124: {  	[sflag:s12] =	ssyncset.done @!p4 $0x0  }
0x125: {  	[sflag:s12] =	ssyncadd.s32 @!p4 $0xFFFFD800;
	s12 =	simm.s32 @!p4 $0xE  }
0x126: {  	_ =	swait.ge @!p4 [sflag:s12], $0x2800  }
0x127: {  	s16 =	sshll.u32 @!p4 s3, $0xA;
	[sflag:s12] =	ssyncset.done @!p4 $0x0  }
.Ltmp5:
0x128: {  	[sflag:s12] =	ssyncadd.s32 @!p4 $0xFFFFD800;
	s12 =	sadd.s32 @!p4 s23, s16;
	(pc) =	sbr.rel @p1 .LBB2_12-.Ltmp5, $4  }
0x129: {  	s21 =	simm.s32 @!p4 $0x0;
	s28 =	simm.s32 @!p4 $0x80;
	s16 =	sadd.s32 @!p4 s5, s12  }
0x12a: {  	[tilespmem:s28], [sflag:$0x2] =	stream.linear.gather @!p4 [hbm4b:s16+s21], $0x80, $0x38;
	[tilespmem:$0x1DE80] =	vst v63  }
0x12b: {  	s12 =	sadd.s32 @!p4 s6, s12;
	s16 =	simm.s32 @!p4 $0x280  }
0x12c: {  	[tilespmem:s16], [sflag:$0x2] =	stream.linear.gather @!p4 [hbm4b:s12+s21], $0x80, $0x38;
	[tilespmem:$0x1DE80] =	vst v63  }
0x12d: {  	_ =	swait.ge [sflag:s17], $0x2800  }
0x12e: {  	[sflag:s17] =	ssyncset.done $0x0  }
0x12f: {  	s21 =	simm.s32 $0x5680;
	[sflag:s17] =	ssyncadd.s32 $0xFFFFD800  }
0x130: {  	v6 =	vld [tilespmem:s21+$0xFFFFFF80]  }
0x131: {  	v7 =	vld [tilespmem:s21+$0xFFFFFF90]  }
0x132: {  	v8 =	vld [tilespmem:s21+$0xFFFFFFA0]  }
0x133: {  	v9 =	vld [tilespmem:s21+$0xFFFFFFB0]  }
0x134: {  	v10 =	vld [tilespmem:s21+$0xFFFFFFC0]  }
0x135: {  	v11 =	vld [tilespmem:s21+$0xFFFFFFD0];
	v6 =	vmax.f32 v6, $0.0e+00  }
0x136: {  	[tilespmem:s21+$0xFFFFFF80] =	vst v6;
	v6 =	vmax.f32 v7, $0.0e+00;
	v7 =	vld [tilespmem:s21+$0xFFFFFFE0]  }
0x137: {  	[tilespmem:s21+$0xFFFFFF90] =	vst v6;
	v6 =	vmax.f32 v8, $0.0e+00;
	v8 =	vld [tilespmem:s21+$0x0]  }
0x138: {  	[tilespmem:s21+$0xFFFFFFA0] =	vst v6;
	v6 =	vmax.f32 v9, $0.0e+00;
	v9 =	vld [tilespmem:s21+$0x10]  }
0x139: {  	[tilespmem:s21+$0xFFFFFFB0] =	vst v6;
	v6 =	vmax.f32 v10, $0.0e+00;
	v10 =	vld [tilespmem:s21+$0x20]  }
0x13a: {  	[tilespmem:s21+$0xFFFFFFC0] =	vst v6;
	v6 =	vmax.f32 v11, $0.0e+00;
	v11 =	vld [tilespmem:s21+$0x30]  }
0x13b: {  	[tilespmem:s21+$0xFFFFFFD0] =	vst v6;
	v6 =	vmax.f32 v7, $0.0e+00;
	v7 =	vld [tilespmem:s21+$0x40]  }
0x13c: {  	[tilespmem:s21+$0xFFFFFFE0] =	vst v6;
	v6 =	vmax.f32 v8, $0.0e+00;
	v8 =	vld [tilespmem:s21+$0x50]  }
0x13d: {  	[tilespmem:s21+$0x0] =	vst v6;
	v6 =	vmax.f32 v9, $0.0e+00;
	v9 =	vld [tilespmem:s21+$0x60]  }
0x13e: {  	[tilespmem:s21+$0x10] =	vst v6;
	v12 =	vmax.f32 v10, $0.0e+00;
	v10 =	vld [tilespmem:s21+$0x70]  }
0x13f: {  	s12 =	simm.s32 $0x0;
	s16 =	simm.s32 $0x5780;
	v6 =	vld [tilespmem:s21+$0xFFFFFFF0];
	[tilespmem:s21+$0x20] =	vst v12;
	v11 =	vmax.f32 v11, $0.0e+00  }
.LBB2_10:
0x140: {  	v12 =	vld [tilespmem:s16+$0xFFFFFF80];
	[tilespmem:s21+$0x30] =	vst v11;
	v7 =	vmax.f32 v7, $0.0e+00  }
0x141: {  	v11 =	vld [tilespmem:s16+$0xFFFFFF90];
	[tilespmem:s21+$0x40] =	vst v7;
	v7 =	vmax.f32 v8, $0.0e+00  }
0x142: {  	v8 =	vld [tilespmem:s16+$0xFFFFFFA0];
	[tilespmem:s21+$0x50] =	vst v7;
	v7 =	vmax.f32 v9, $0.0e+00  }
0x143: {  	v9 =	vld [tilespmem:s16+$0xFFFFFFB0];
	[tilespmem:s21+$0x60] =	vst v7;
	v7 =	vmax.f32 v10, $0.0e+00  }
0x144: {  	v10 =	vld [tilespmem:s16+$0xFFFFFFC0];
	v6 =	vmax.f32 v6, $0.0e+00;
	[tilespmem:s21+$0x70] =	vst v7  }
0x145: {  	v7 =	vmax.f32 v12, $0.0e+00;
	v12 =	vld [tilespmem:s16+$0xFFFFFFD0];
	[tilespmem:s21+$0xFFFFFFF0] =	vst v6;
	s21 =	smov.u32 s16  }
0x146: {  	[tilespmem:s16+$0xFFFFFF80] =	vst v7;
	v6 =	vmax.f32 v11, $0.0e+00;
	v7 =	vld [tilespmem:s16+$0xFFFFFFE0]  }
0x147: {  	[tilespmem:s16+$0xFFFFFF90] =	vst v6;
	v6 =	vmax.f32 v8, $0.0e+00;
	v8 =	vld [tilespmem:s16+$0x0]  }
0x148: {  	[tilespmem:s16+$0xFFFFFFA0] =	vst v6;
	v6 =	vmax.f32 v9, $0.0e+00;
	v9 =	vld [tilespmem:s16+$0x10]  }
0x149: {  	s12 =	sadd.s32 $0x2, s12;
	[tilespmem:s16+$0xFFFFFFB0] =	vst v6;
	v6 =	vmax.f32 v10, $0.0e+00;
	v10 =	vld [tilespmem:s16+$0x20]  }
0x14a: {  	p5 =	slt.u32 s12, $0x4E;
	[tilespmem:s16+$0xFFFFFFC0] =	vst v6;
	v6 =	vmax.f32 v12, $0.0e+00;
	v11 =	vld [tilespmem:s16+$0x30]  }
.Ltmp6:
0x14b: {  	[tilespmem:s16+$0xFFFFFFD0] =	vst v6;
	v6 =	vmax.f32 v7, $0.0e+00;
	v7 =	vld [tilespmem:s16+$0x40];
	(pc) =	sbr.rel @p5 .LBB2_10-.Ltmp6, $4  }
0x14c: {  	[tilespmem:s16+$0xFFFFFFE0] =	vst v6;
	v6 =	vmax.f32 v8, $0.0e+00;
	v8 =	vld [tilespmem:s16+$0x50]  }
0x14d: {  	[tilespmem:s16+$0x0] =	vst v6;
	v6 =	vmax.f32 v9, $0.0e+00;
	v9 =	vld [tilespmem:s16+$0x60]  }
0x14e: {  	[tilespmem:s16+$0x10] =	vst v6;
	v12 =	vmax.f32 v10, $0.0e+00;
	v10 =	vld [tilespmem:s16+$0x70]  }
0x14f: {  	s16 =	sadd.s32 $0x100, s16;
	v6 =	vld [tilespmem:s21+$0xFFFFFFF0];
	[tilespmem:s21+$0x20] =	vst v12;
	v11 =	vmax.f32 v11, $0.0e+00  }
0x150: {  	[tilespmem:s21+$0x30] =	vst v11;
	v7 =	vmax.f32 v7, $0.0e+00;
	s12 =	sadd.s32 s4, s31  }
0x151: {  	[tilespmem:s21+$0x40] =	vst v7;
	v7 =	vmax.f32 v8, $0.0e+00;
	s12 =	smul.u32 $0x5000, s12  }
0x152: {  	[tilespmem:s21+$0x50] =	vst v7;
	v7 =	vmax.f32 v9, $0.0e+00  }
0x153: {  	[tilespmem:s21+$0x60] =	vst v7;
	v7 =	vmax.f32 v10, $0.0e+00;
	s12 =	sor.u32 s19, s12  }
0x154: {  	v6 =	vmax.f32 v6, $0.0e+00;
	[tilespmem:s21+$0x70] =	vst v7;
	s12 =	sshrl.u32 s12, $0x3  }
0x155: {  	[tilespmem:s21+$0xFFFFFFF0] =	vst v6;
	s12 =	sadd.s32 s1, s12  }
0x156: {  	[hbm4b:s12+s14] =	stream.strided.scatter [tilespmem:s26], [sflag:$0xB], $0x2800, s15, s14, $0x38;
	[tilespmem:$0x1DE80] =	vst v63  }
0x157: {  	s16 =	simm.s32 $0x300;
	s21 =	sor.u32 s4, s10  }
0x158: {  	[spmem:s2] =	stream.indirect.scatter.add.f32 [tilespmem:s26], [sflag:$0xF], $0x80, s16, s0, $0xb8;
	[tilespmem:$0x1DE80] =	vst v63  }
0x159: {  	s12 =	smul.u32 $0x50, s21;
	_ =	swait.ge [sflag:s20], $0x2800  }
0x15a: {  	[sflag:s20] =	ssyncset.done $0x0  }
0x15b: {  	v6 =	vor.u32 s12, v0;
	s16 =	sadd.s32 $0x10, s12;
	[sflag:s20] =	ssyncadd.s32 $0xFFFFD800  }
0x15c: {  	s28 =	sadd.s32 $0x20, s12;
	[tilespmem:$0x580] =	vst v6;
	v6 =	vor.u32 s16, v0  }
0x15d: {  	s30 =	sadd.s32 $0x30, s12;
	[tilespmem:$0x590] =	vst v6;
	v6 =	vor.u32 s28, v0  }
0x15e: {  	s12 =	sadd.s32 $0x40, s12;
	[tilespmem:$0x5A0] =	vst v6;
	v6 =	vor.u32 s30, v0  }
0x15f: {  	[tilespmem:$0x5B0] =	vst v6;
	v6 =	vor.u32 s12, v0  }
0x160: {  	s31 =	simm.s32 $0x580;
	[tilespmem:$0x5C0] =	vst v6  }
0x161: {  	[tilespmem:s22], [sflag:$0x8] =	stream.indirect.gather.add.f32 [hbm:s9], $0x80, s31, s0, $0xb8;
	[tilespmem:$0x1DE80] =	vst v63  }
0x162: {  	_ =	swait.ge [sflag:s13], $0x2800  }
0x163: {  	[sflag:s13] =	ssyncset.done $0x0  }
0x164: {  	[sflag:s13] =	ssyncadd.s32 $0xFFFFD800  }
0x165: {  	[tilespmem:s29], [sflag:$0x5] =	stream.indirect.gather.add.f32 [hbm:s8], $0x80, s25, s0, $0xb8;
	[tilespmem:$0x1DE80] =	vst v63  }
.LBB2_12:
0x166: {  	p5 =	por @!p2 $0x0, $0x0;
	p4 =	por @!p4 $0x1, $0x1;
	p3 =	por !p3, p2  }
0x167: {  	p4 =	por @!p3 p5, p5;
	p3 =	por $0x0, $0x0  }
0x168: {  	p3 =	por @!p2 p4, p4  }
0x169: {  	s12 =	simm.s32 @p3 $0x2  }
0x16a: {  	_ =	swait.ge @p3 [sflag:s12], $0x80  }
0x16b: {  	[sflag:s12] =	ssyncset.done @p3 $0x0  }
0x16c: {  	[sflag:s12] =	ssyncadd.s32 @p3 $0xFFFFFF80  }
0x16d: {  	_ =	swait.ge @p3 [sflag:s12], $0x80  }
0x16e: {  	s16 =	simm.s32 @p3 $0x80;
	[sflag:s12] =	ssyncset.done @p3 $0x0  }
0x16f: {  	s21 =	simm.s32 @p3 $0x2E00;
	[sflag:s12] =	ssyncadd.s32 @p3 $0xFFFFFF80;
	s12 =	simm.s32 @p3 $0x50  }
0x170: {  	[tilespmem:s21], [sflag:$0x6] =	stream.indirect.gather @p3 [hbm4b:s7+s12], $0x80, s16, s12, $0xb8;
	[tilespmem:$0x1DE80] =	vst v63  }
0x171: {  	s12 =	simm.s32 @p3 $0xB  }
0x172: {  	_ =	swait.ge @p3 [sflag:s12], $0x2800  }
0x173: {  	[sflag:s12] =	ssyncset.done @p3 $0x0  }
0x174: {  	[sflag:s12] =	ssyncadd.s32 @p3 $0xFFFFD800;
	s12 =	simm.s32 @p3 $0xF  }
0x175: {  	_ =	swait.ge @p3 [sflag:s12], $0x2800  }
0x176: {  	s16 =	sshll.u32 @p3 s3, $0xA;
	[sflag:s12] =	ssyncset.done @p3 $0x0  }
.Ltmp7:
0x177: {  	[sflag:s12] =	ssyncadd.s32 @p3 $0xFFFFD800;
	s12 =	sadd.s32 @p3 s24, s16;
	(pc) =	sbr.rel @p1 .LBB2_16-.Ltmp7, $4  }
0x178: {  	s28 =	simm.s32 @p3 $0x100;
	s21 =	simm.s32 @p3 $0x0;
	s16 =	sadd.s32 @p3 s5, s12  }
0x179: {  	[tilespmem:s28], [sflag:$0x3] =	stream.linear.gather @p3 [hbm4b:s16+s21], $0x80, $0x38;
	[tilespmem:$0x1DE80] =	vst v63  }
0x17a: {  	s12 =	sadd.s32 @p3 s6, s12;
	s16 =	simm.s32 @p3 $0x300  }
0x17b: {  	[tilespmem:s16], [sflag:$0x3] =	stream.linear.gather @p3 [hbm4b:s12+s21], $0x80, $0x38;
	[tilespmem:$0x1DE80] =	vst v63  }
0x17c: {  	_ =	swait.ge [sflag:s20], $0x2800  }
0x17d: {  	[sflag:s20] =	ssyncset.done $0x0  }
0x17e: {  	s21 =	simm.s32 $0x7E80;
	[sflag:s20] =	ssyncadd.s32 $0xFFFFD800  }
0x17f: {  	v6 =	vld [tilespmem:s21+$0xFFFFFF80]  }
0x180: {  	v7 =	vld [tilespmem:s21+$0xFFFFFF90]  }
0x181: {  	v8 =	vld [tilespmem:s21+$0xFFFFFFA0]  }
0x182: {  	v9 =	vld [tilespmem:s21+$0xFFFFFFB0]  }
0x183: {  	v10 =	vld [tilespmem:s21+$0xFFFFFFC0]  }
0x184: {  	v11 =	vld [tilespmem:s21+$0xFFFFFFD0];
	v6 =	vmax.f32 v6, $0.0e+00  }
0x185: {  	[tilespmem:s21+$0xFFFFFF80] =	vst v6;
	v6 =	vmax.f32 v7, $0.0e+00;
	v7 =	vld [tilespmem:s21+$0xFFFFFFE0]  }
0x186: {  	[tilespmem:s21+$0xFFFFFF90] =	vst v6;
	v6 =	vmax.f32 v8, $0.0e+00;
	v8 =	vld [tilespmem:s21+$0x0]  }
0x187: {  	[tilespmem:s21+$0xFFFFFFA0] =	vst v6;
	v6 =	vmax.f32 v9, $0.0e+00;
	v9 =	vld [tilespmem:s21+$0x10]  }
0x188: {  	[tilespmem:s21+$0xFFFFFFB0] =	vst v6;
	v6 =	vmax.f32 v10, $0.0e+00;
	v10 =	vld [tilespmem:s21+$0x20]  }
0x189: {  	[tilespmem:s21+$0xFFFFFFC0] =	vst v6;
	v6 =	vmax.f32 v11, $0.0e+00;
	v11 =	vld [tilespmem:s21+$0x30]  }
0x18a: {  	[tilespmem:s21+$0xFFFFFFD0] =	vst v6;
	v6 =	vmax.f32 v7, $0.0e+00;
	v7 =	vld [tilespmem:s21+$0x40]  }
0x18b: {  	[tilespmem:s21+$0xFFFFFFE0] =	vst v6;
	v6 =	vmax.f32 v8, $0.0e+00;
	v8 =	vld [tilespmem:s21+$0x50]  }
0x18c: {  	[tilespmem:s21+$0x0] =	vst v6;
	v6 =	vmax.f32 v9, $0.0e+00;
	v9 =	vld [tilespmem:s21+$0x60]  }
0x18d: {  	[tilespmem:s21+$0x10] =	vst v6;
	v12 =	vmax.f32 v10, $0.0e+00;
	v10 =	vld [tilespmem:s21+$0x70]  }
0x18e: {  	s12 =	simm.s32 $0x0;
	s16 =	simm.s32 $0x7F80;
	v6 =	vld [tilespmem:s21+$0xFFFFFFF0];
	[tilespmem:s21+$0x20] =	vst v12;
	v11 =	vmax.f32 v11, $0.0e+00  }
.LBB2_14:
0x18f: {  	v12 =	vld [tilespmem:s16+$0xFFFFFF80];
	[tilespmem:s21+$0x30] =	vst v11;
	v7 =	vmax.f32 v7, $0.0e+00  }
0x190: {  	v11 =	vld [tilespmem:s16+$0xFFFFFF90];
	[tilespmem:s21+$0x40] =	vst v7;
	v7 =	vmax.f32 v8, $0.0e+00  }
0x191: {  	v8 =	vld [tilespmem:s16+$0xFFFFFFA0];
	[tilespmem:s21+$0x50] =	vst v7;
	v7 =	vmax.f32 v9, $0.0e+00  }
0x192: {  	v9 =	vld [tilespmem:s16+$0xFFFFFFB0];
	[tilespmem:s21+$0x60] =	vst v7;
	v7 =	vmax.f32 v10, $0.0e+00  }
0x193: {  	v10 =	vld [tilespmem:s16+$0xFFFFFFC0];
	v6 =	vmax.f32 v6, $0.0e+00;
	[tilespmem:s21+$0x70] =	vst v7  }
0x194: {  	v7 =	vmax.f32 v12, $0.0e+00;
	v12 =	vld [tilespmem:s16+$0xFFFFFFD0];
	[tilespmem:s21+$0xFFFFFFF0] =	vst v6;
	s21 =	smov.u32 s16  }
0x195: {  	[tilespmem:s16+$0xFFFFFF80] =	vst v7;
	v6 =	vmax.f32 v11, $0.0e+00;
	v7 =	vld [tilespmem:s16+$0xFFFFFFE0]  }
0x196: {  	[tilespmem:s16+$0xFFFFFF90] =	vst v6;
	v6 =	vmax.f32 v8, $0.0e+00;
	v8 =	vld [tilespmem:s16+$0x0]  }
0x197: {  	[tilespmem:s16+$0xFFFFFFA0] =	vst v6;
	v6 =	vmax.f32 v9, $0.0e+00;
	v9 =	vld [tilespmem:s16+$0x10]  }
0x198: {  	s12 =	sadd.s32 $0x2, s12;
	[tilespmem:s16+$0xFFFFFFB0] =	vst v6;
	v6 =	vmax.f32 v10, $0.0e+00;
	v10 =	vld [tilespmem:s16+$0x20]  }
0x199: {  	p1 =	slt.u32 s12, $0x4E;
	[tilespmem:s16+$0xFFFFFFC0] =	vst v6;
	v6 =	vmax.f32 v12, $0.0e+00;
	v11 =	vld [tilespmem:s16+$0x30]  }
.Ltmp8:
0x19a: {  	[tilespmem:s16+$0xFFFFFFD0] =	vst v6;
	v6 =	vmax.f32 v7, $0.0e+00;
	v7 =	vld [tilespmem:s16+$0x40];
	(pc) =	sbr.rel @p1 .LBB2_14-.Ltmp8, $4  }
0x19b: {  	[tilespmem:s16+$0xFFFFFFE0] =	vst v6;
	v6 =	vmax.f32 v8, $0.0e+00;
	v8 =	vld [tilespmem:s16+$0x50]  }
0x19c: {  	[tilespmem:s16+$0x0] =	vst v6;
	v6 =	vmax.f32 v9, $0.0e+00;
	v9 =	vld [tilespmem:s16+$0x60]  }
0x19d: {  	[tilespmem:s16+$0x10] =	vst v6;
	v12 =	vmax.f32 v10, $0.0e+00;
	v10 =	vld [tilespmem:s16+$0x70]  }
0x19e: {  	s16 =	sadd.s32 $0x100, s16;
	v6 =	vld [tilespmem:s21+$0xFFFFFFF0];
	[tilespmem:s21+$0x20] =	vst v12;
	v11 =	vmax.f32 v11, $0.0e+00  }
0x19f: {  	[tilespmem:s21+$0x30] =	vst v11;
	v7 =	vmax.f32 v7, $0.0e+00;
	s10 =	sor.u32 s4, s10  }
0x1a0: {  	[tilespmem:s21+$0x40] =	vst v7;
	v7 =	vmax.f32 v8, $0.0e+00;
	s10 =	smul.u32 $0x5000, s10  }
0x1a1: {  	[tilespmem:s21+$0x50] =	vst v7;
	v7 =	vmax.f32 v9, $0.0e+00  }
0x1a2: {  	[tilespmem:s21+$0x60] =	vst v7;
	v7 =	vmax.f32 v10, $0.0e+00;
	s10 =	sor.u32 s19, s10  }
0x1a3: {  	v6 =	vmax.f32 v6, $0.0e+00;
	[tilespmem:s21+$0x70] =	vst v7;
	s10 =	sshrl.u32 s10, $0x3  }
0x1a4: {  	[tilespmem:s21+$0xFFFFFFF0] =	vst v6;
	s10 =	sadd.s32 s1, s10  }
0x1a5: {  	[hbm4b:s10+s14] =	stream.strided.scatter [tilespmem:s22], [sflag:$0xC], $0x2800, s15, s14, $0x38;
	[tilespmem:$0x1DE80] =	vst v63  }
0x1a6: {  	s31 =	simm.s32 $0x380  }
0x1a7: {  	[spmem:s2] =	stream.indirect.scatter.add.f32 [tilespmem:s22], [sflag:$0x10], $0x80, s31, s0, $0xb8;
	[tilespmem:$0x1DE80] =	vst v63  }
.LBB2_16:
.Ltmp9:
0x1a8: {  	(pc) =	sbr.rel @p2 .LBB2_18-.Ltmp9, $1  }
0x1a9: {  	_ =	sdelay $0x3  }
0x1aa: {  	s10 =	sshll.u32 s18, $0x4  }
0x1ab: {  	s10 =	sor.u32 s4, s10  }
0x1ac: {  	_ =	swait.ge [sflag:s13], $0x2800;
	s10 =	smul.u32 $0x50, s10  }
0x1ad: {  	[sflag:s13] =	ssyncset.done $0x0  }
0x1ae: {  	[sflag:s13] =	ssyncadd.s32 $0xFFFFD800;
	v6 =	vor.u32 s10, v0;
	s12 =	sadd.s32 $0x10, s10  }
0x1af: {  	s30 =	sadd.s32 $0x20, s10;
	[tilespmem:$0x400] =	vst v6;
	v6 =	vor.u32 s12, v0  }
.Ltmp10:
0x1b0: {  	s31 =	sadd.s32 $0x30, s10;
	[tilespmem:$0x410] =	vst v6;
	v6 =	vor.u32 s30, v0;
	(pc) =	sbr.rel .LBB2_2-.Ltmp10, $4  }
0x1b1: {  	s10 =	sadd.s32 $0x40, s10;
	[tilespmem:$0x420] =	vst v6;
	v6 =	vor.u32 s31, v0  }
0x1b2: {  	[tilespmem:$0x430] =	vst v6;
	v6 =	vor.u32 s10, v0  }
0x1b3: {  	s3 =	sadd.s32 $0x1, s3;
	[tilespmem:$0x440] =	vst v6  }
0x1b4: {  	[tilespmem:s29], [sflag:$0x5] =	stream.indirect.gather.add.f32 [hbm:s9], $0x80, s14, s0, $0xb8;
	[tilespmem:$0x1DE80] =	vst v63  }
.LBB2_19:
0x1b5: {  	_ =	sfence.sel $0x180000  }
0x1b6: {  	[bflag:$0x0] =	sbarrier.arrive $0xFFFF  }
0x1b7: {  	_ =	strace $0x90000047  }
0x1b8: {  	[bflag:$0x2] =	sbarrier.arrive $0xFFFF  }
0x1b9: {  	p0 =	sne.s32 s4, $0x0;
	s0 =	rddreg [dreg:$0x4]  }
0x1ba: {  	s0 =	sadd.s32 @!p0 $0x100000, s0  }
0x1bb: {  	[sflag:s0] =	ssyncadd.tile.s32 @!p0 $0x1;
	_ =	shalt  }
.Lfunc_end2:
_tile_overlayer_lowered:
.L_overlay_start_2:
0x1bc: {  	(tag) =	ssettag $0x2  }
0x1bd: {  	s0 =	rddreg [dreg:$0x0];
	s2 =	stileid.u32  }
0x1be: {  	s1 =	rddreg [dreg:$0x1];
	p0 =	sne.s32 s2, $0x0  }
0x1bf: {  	s3 =	rddreg [dreg:$0x2];
	[bflag:$0x3] =	sbarrier.arrive $0xFFFF;
	s2 =	simm.s32 @!p0 $0x1C11  }
0x1c0: {  	[timem:s3], [sflag:s2] =	dma.local @!p0 [hbm:s0], s1  }
0x1c1: {  	s0 =	simm.s32 @!p0 $0x11  }
0x1c2: {  	_ =	swait.ge @!p0 [sflag:s0], s1  }
0x1c3: {  	s1 =	ssub.s32 @!p0 $0x0, s1;
	[sflag:s0] =	ssyncset.done @!p0 $0x0  }
0x1c4: {  	[sflag:s0] =	ssyncadd.s32 @!p0 s1  }
0x1c5: {  	[bflag:$0x3] =	sbarrier.arrive $0xFFFF  }
0x1c6: {  	_ =	shalt  }

</sc_bundles>
